<compile_context>
chip_gen: v7x
topology: tpu7x:2x2x1
jax: 0.10.2.dev20260603
libtpu: 0.0.44.dev20260713+nightly
codegen_flags: <defaults>
</compile_context>

<pallas_src>
import functools

import jax
import jax.numpy as jnp
from jax import lax
from jax.experimental import pallas as pl
from jax.experimental.pallas import tpu as pltpu
from jax.experimental.pallas import tpu_sc as plsc

N_NODES = 10000
N_EDGES = 320000
D_FEAT = 128
D_EDGE = 16
HID = 128
OUTDIM = 10
NUM_GRAPHS = 64

NC = 2
NS = 16
NW = NC * NS
EK = 128
NBUF = 3
NSD = 6
CPT_PAD = 84
NCHUNK_PAD = CPT_PAD * NW
N_EDGES_PAD = NCHUNK_PAD * EK
ROWS_MAIN = 632
ROWS_LAST = N_NODES - 15 * ROWS_MAIN

_sc_mesh = plsc.VectorSubcoreMesh(core_axis_name="c", subcore_axis_name="s")


@functools.partial(
    pl.kernel,
    mesh=_sc_mesh,
    out_type=jax.ShapeDtypeStruct((NC, N_NODES, HID), jnp.float32),
    scratch_types=[
        pltpu.VMEM((NSD, 2, EK), jnp.int32),
        pltpu.VMEM((NBUF, EK, HID), jnp.float32),
        pltpu.VMEM_SHARED((N_NODES, HID), jnp.float32),
        pltpu.SemaphoreType.DMA,
        pltpu.SemaphoreType.DMA,
        pltpu.SemaphoreType.DMA,
        pltpu.SemaphoreType.DMA,
        pltpu.SemaphoreType.DMA,
        pltpu.SemaphoreType.DMA,
        pltpu.SemaphoreType.DMA,
        pltpu.SemaphoreType.DMA,
        pltpu.SemaphoreType.DMA,
        pltpu.SemaphoreType.DMA,
        pltpu.SemaphoreType.DMA,
        pltpu.SemaphoreType.DMA,
        pltpu.SemaphoreType.DMA,
        pltpu.SemaphoreType.DMA,
        pltpu.SemaphoreType.DMA,
    ],
)
def _edge_agg_sc(pre_hbm, eap_hbm, sd_hbm, zeros_hbm, out_hbm,
                 sd_i, buf_v, acc_sh,
                 i0, i1, i2, i3, i4, i5, e0, e1, e2, gg0, gg1, gg2,
                 s0, s1, s2):
    cid = lax.axis_index("c")
    sid = lax.axis_index("s")
    wid = sid * NC + cid
    isems = (i0, i1, i2, i3, i4, i5)
    esems = (e0, e1, e2)
    gsems = (gg0, gg1, gg2)
    ssems = (s0, s1, s2)

    row0 = pl.multiple_of(sid * ROWS_MAIN, 8)

    @pl.when(sid < NS - 1)
    def _():
        pltpu.sync_copy(zeros_hbm.at[pl.ds(row0, ROWS_MAIN)],
                        acc_sh.at[pl.ds(row0, ROWS_MAIN)])

    @pl.when(sid == NS - 1)
    def _():
        pltpu.sync_copy(zeros_hbm.at[pl.ds(row0, ROWS_LAST)],
                        acc_sh.at[pl.ds(row0, ROWS_LAST)])

    plsc.subcore_barrier()

    def chunk_body(j, carry):
        ch = j * NW + wid
        pltpu.sync_copy(sd_hbm.at[ch], sd_i.at[0])
        pltpu.sync_copy(eap_hbm.at[ch], buf_v.at[0])
        pltpu.async_copy(pre_hbm.at[sd_i.at[0, 0]], buf_v.at[0], i0,
                         add=True).wait()

        def row_body(i, c2):
            for c in range(HID // 16):
                sl = pl.ds(c * 16, 16)
                buf_v[0, i, sl] = jnp.maximum(buf_v[0, i, sl], 0.0)
            return c2
        lax.fori_loop(0, EK, row_body, 0)
        pltpu.sync_copy(buf_v.at[0], acc_sh.at[sd_i.at[0, 1]], add=True)
        return carry

    lax.fori_loop(0, CPT_PAD, chunk_body, 0)
    plsc.subcore_barrier()

    @pl.when(sid < NS - 1)
    def _():
        pltpu.sync_copy(acc_sh.at[pl.ds(row0, ROWS_MAIN)],
                        out_hbm.at[cid, pl.ds(row0, ROWS_MAIN)])

    @pl.when(sid == NS - 1)
    def _():
        pltpu.sync_copy(acc_sh.at[pl.ds(row0, ROWS_LAST)],
                        out_hbm.at[cid, pl.ds(row0, ROWS_LAST)])


def _pre_body(h_ref, w_ref, o_ref):
    o_ref[...] = jnp.dot(h_ref[...], w_ref[...],
                         preferred_element_type=jnp.float32)


def _pre_tc(h, w1a):
    return pl.pallas_call(
        _pre_body,
        out_shape=jax.ShapeDtypeStruct((N_NODES, HID), jnp.float32),
    )(h, w1a)


DBLK = 4000
NHI = 80


def _deg_body(dst_ref, o_ref):
    d = dst_ref[...]
    hi = lax.shift_right_logical(d, 7)
    lo = lax.bitwise_and(d, 127)
    oh_hi = (hi == lax.broadcasted_iota(jnp.int32, (1, NHI), 1)
             ).astype(jnp.float32)
    oh_lo = (lo == lax.broadcasted_iota(jnp.int32, (1, HID), 1)
             ).astype(jnp.float32)
    c = lax.dot_general(oh_hi, oh_lo, (((0,), (0,)), ((), ())),
                        preferred_element_type=jnp.float32)

    @pl.when(pl.program_id(0) == 0)
    def _():
        o_ref[...] = c

    @pl.when(pl.program_id(0) != 0)
    def _():
        o_ref[...] += c


def _degree_tc(dst2d):
    return pl.pallas_call(
        _deg_body,
        grid=(N_EDGES // DBLK,),
        in_specs=[pl.BlockSpec((DBLK, 1), lambda i: (i, 0))],
        out_specs=pl.BlockSpec((NHI, HID), lambda i: (0, 0)),
        out_shape=jax.ShapeDtypeStruct((NHI, HID), jnp.float32),
    )(dst2d)


EBLK = 4096


def _eap_body(ea_ref, w_ref, b_ref, o_ref):
    val = (jnp.dot(ea_ref[...], w_ref[...],
                   preferred_element_type=jnp.float32)
           + b_ref[...])
    row = (pl.program_id(0) * EBLK
           + lax.broadcasted_iota(jnp.int32, (EBLK, 1), 0))
    o_ref[...] = jnp.where(row < N_EDGES, val, -1e30)


def _eap_tc(ea_pad, w1b, b1):
    return pl.pallas_call(
        _eap_body,
        grid=(N_EDGES_PAD // EBLK,),
        in_specs=[
            pl.BlockSpec((EBLK, D_EDGE), lambda i: (i, 0)),
            pl.BlockSpec((D_EDGE, HID), lambda i: (0, 0)),
            pl.BlockSpec((1, HID), lambda i: (0, 0)),
        ],
        out_specs=pl.BlockSpec((EBLK, HID), lambda i: (i, 0)),
        out_shape=jax.ShapeDtypeStruct((N_EDGES_PAD, HID), jnp.float32),
    )(ea_pad, w1b, b1)


def _node_body(h_ref, a0_ref, a1_ref, cnt_ref, w2_ref, b2_ref, wr_ref,
               br_ref, pa_ref, g_ref, beta_ref, o_ref):
    seg = a0_ref[...] + a1_ref[...]
    cnt = cnt_ref[...]
    aggm = jnp.dot(seg, w2_ref[...], preferred_element_type=jnp.float32)
    aggm = (aggm + cnt * b2_ref[...]) / jnp.maximum(cnt, 1.0)
    hh = (jnp.dot(h_ref[...], wr_ref[...], preferred_element_type=jnp.float32)
          + br_ref[...] + aggm)
    a = pa_ref[0, 0]
    hh = jnp.where(hh >= 0, hh, a * hh)
    mu = jnp.mean(hh, axis=0, keepdims=True)
    var = jnp.mean((hh - mu) ** 2, axis=0, keepdims=True)
    o_ref[...] = (hh - mu) * lax.rsqrt(var + 1e-5) * g_ref[...] + beta_ref[...]


def _node_tc(h, a0, a1, cnt2d, w2, b2, wr, br, pa, g, beta):
    return pl.pallas_call(
        _node_body,
        out_shape=jax.ShapeDtypeStruct((N_NODES, HID), jnp.float32),
    )(h, a0, a1, cnt2d, w2, b2, wr, br, pa, g, beta)


def _head_body(h_ref, b_ref, wh1_ref, bh1_ref, wh2_ref, bh2_ref, o_ref):
    batch = b_ref[...]
    gids = lax.broadcasted_iota(jnp.int32, (1, NUM_GRAPHS), 1)
    onehot = (batch == gids).astype(jnp.float32)
    psum = lax.dot_general(onehot, h_ref[...], (((0,), (0,)), ((), ())),
                           preferred_element_type=jnp.float32)
    ones = jnp.ones((N_NODES, 1), jnp.float32)
    pcnt = lax.dot_general(onehot, ones, (((0,), (0,)), ((), ())),
                           preferred_element_type=jnp.float32)
    pooled = psum / jnp.maximum(pcnt, 1.0)
    z = jnp.maximum(
        jnp.dot(pooled, wh1_ref[...], preferred_element_type=jnp.float32)
        + bh1_ref[...], 0.0)
    o_ref[...] = (jnp.dot(z, wh2_ref[...], preferred_element_type=jnp.float32)
                  + bh2_ref[...])


def _head_tc(h, batch2d, wh1, bh1, wh2, bh2):
    return pl.pallas_call(
        _head_body,
        out_shape=jax.ShapeDtypeStruct((NUM_GRAPHS, OUTDIM), jnp.float32),
    )(h, batch2d, wh1, bh1, wh2, bh2)


def kernel(x, edge_index, edge_attr, batch, W1s, b1s, W2s, b2s, Wrs, brs,
           prelu_a, gammas, betas, Wh1, bh1, Wh2, bh2):
    src = edge_index[0].astype(jnp.int32)
    dst = edge_index[1].astype(jnp.int32)
    npad = N_EDGES_PAD - N_EDGES
    pad_i = jnp.zeros((npad,), jnp.int32)
    src_p = jnp.concatenate([src, pad_i])
    dst_p = jnp.concatenate([dst, pad_i])
    sd = jnp.stack([src_p.reshape(NCHUNK_PAD, EK),
                    dst_p.reshape(NCHUNK_PAD, EK)], axis=1)
    ea_p = jnp.concatenate(
        [edge_attr, jnp.zeros((npad, D_EDGE), jnp.float32)])
    zeros_nh = jnp.zeros((N_NODES, HID), jnp.float32)

    degc = _degree_tc(dst.reshape(N_EDGES, 1))
    cnt2d = degc.reshape(NHI * HID)[:N_NODES].reshape(N_NODES, 1)

    h = x
    for i in range(4):
        w1a = W1s[i, :D_FEAT]
        w1b = W1s[i, D_FEAT:]
        pre = _pre_tc(h, w1a)
        eap = _eap_tc(ea_p, w1b, b1s[i].reshape(1, HID))
        parts = _edge_agg_sc(pre, eap.reshape(NCHUNK_PAD, EK, HID), sd,
                             zeros_nh)
        h = _node_tc(h, parts[0], parts[1], cnt2d, W2s[i],
                     b2s[i].reshape(1, HID), Wrs[i], brs[i].reshape(1, HID),
                     prelu_a[i].reshape(1, 1), gammas[i].reshape(1, HID),
                     betas[i].reshape(1, HID))

    return _head_tc(h, batch.astype(jnp.int32).reshape(N_NODES, 1),
                    Wh1, bh1.reshape(1, HID), Wh2, bh2.reshape(1, OUTDIM))

# --- scband reference (transcript-rebuilt; emitter-appended) ---
"""Pipeline reference for scband-gnn-69922067578969 (READ-ONLY COPY).

The authoritative reference and input builder live on the scoring server;
editing this copy changes nothing except your own understanding.
"""

import jax, jax.numpy as jnp
import numpy as np

N_NODES = 10000
N_EDGES = 320000
D_FEAT = 128
D_EDGE = 16
HID = 128
OUTDIM = 10
NUM_GRAPHS = 64


def setup_inputs(seed: int = 0) -> dict:
    key = jax.random.key(seed)
    ks = jax.random.split(key, 32)
    s = 0.05
    inp = {}
    inp['x'] = jax.random.normal(ks[0], (N_NODES, D_FEAT), dtype=jnp.float32)
    inp['edge_index'] = jax.random.randint(ks[1], (2, N_EDGES), 0, N_NODES)
    inp['edge_attr'] = jax.random.normal(ks[2], (N_EDGES, D_EDGE), dtype=jnp.float32)
    inp['batch'] = jnp.sort(jax.random.randint(ks[3], (N_NODES,), 0, NUM_GRAPHS))
    # 4 GNBlocks, all with in=hidden=128 (block1 indim==hiddendim==128)
    inp['W1s'] = jax.random.normal(ks[4], (4, D_FEAT + D_EDGE, HID), dtype=jnp.float32) * s
    inp['b1s'] = jnp.zeros((4, HID), dtype=jnp.float32)
    inp['W2s'] = jax.random.normal(ks[5], (4, HID, HID), dtype=jnp.float32) * s
    inp['b2s'] = jnp.zeros((4, HID), dtype=jnp.float32)
    inp['Wrs'] = jax.random.normal(ks[6], (4, D_FEAT, HID), dtype=jnp.float32) * s
    inp['brs'] = jnp.zeros((4, HID), dtype=jnp.float32)
    inp['prelu_a'] = jnp.full((4,), 0.25, dtype=jnp.float32)
    inp['gammas'] = jnp.ones((4, HID), dtype=jnp.float32)
    inp['betas'] = jnp.zeros((4, HID), dtype=jnp.float32)
    # head MLP [HID, HID, OUTDIM]
    inp['Wh1'] = jax.random.normal(ks[7], (HID, HID), dtype=jnp.float32) * s
    inp['bh1'] = jnp.zeros((HID,), dtype=jnp.float32)
    inp['Wh2'] = jax.random.normal(ks[8], (HID, OUTDIM), dtype=jnp.float32) * s
    inp['bh2'] = jnp.zeros((OUTDIM,), dtype=jnp.float32)
    return inp


def _gn_block(x, src, dst, ea, W1, b1, W2, b2, Wr, br, a, g, beta):
    # GNLayer (assumed MPNN): edge MLP on [x_src, edge_attr], mean-aggregate at dst, plus root transform
    m = jnp.concatenate([x[src], ea], axis=1)
    m = jax.nn.relu(m @ W1 + b1) @ W2 + b2
    agg = jax.ops.segment_sum(m, dst, num_segments=x.shape[0])
    cnt = jax.ops.segment_sum(jnp.ones((src.shape[0],), dtype=x.dtype), dst, num_segments=x.shape[0])
    agg = agg / jnp.maximum(cnt, 1.0)[:, None]
    h = x @ Wr + br + agg
    # PReLU (single parameter)
    h = jnp.where(h >= 0, h, a * h)
    # BatchNorm1d, track_running_stats=False -> always batch stats
    mu = jnp.mean(h, axis=0)
    var = jnp.var(h, axis=0)
    h = (h - mu) / jnp.sqrt(var + 1e-5) * g + beta
    return h


def reference(x, edge_index, edge_attr, batch, W1s, b1s, W2s, b2s, Wrs, brs, prelu_a, gammas, betas, Wh1, bh1, Wh2, bh2):
    src, dst = edge_index[0], edge_index[1]
    h = x
    for i in range(4):
        h = _gn_block(h, src, dst, edge_attr, W1s[i], b1s[i], W2s[i], b2s[i], Wrs[i], brs[i], prelu_a[i], gammas[i], betas[i])
    # global_mean_pool
    psum = jax.ops.segment_sum(h, batch, num_segments=NUM_GRAPHS)
    pcnt = jax.ops.segment_sum(jnp.ones((h.shape[0],), dtype=h.dtype), batch, num_segments=NUM_GRAPHS)
    pooled = psum / jnp.maximum(pcnt, 1.0)[:, None]
    # head MLP [HID, HID, OUTDIM], norm=None, relu between layers
    out = jax.nn.relu(pooled @ Wh1 + bh1) @ Wh2 + bh2
    return out

if __name__ == "__main__":
    import jax
    _d = setup_inputs()
    print(jax.jit(kernel)(*tuple(_d.values())))

</pallas_src>

<mosaic_0001>
#map = affine_map<(d0, d1) -> (0, 0)>
#map1 = affine_map<(d0, d1) -> (0, 0, 0)>
module attributes {stable_mosaic.version = 14 : i64} {
  func.func @_edge_agg_sc(%arg0: i32, %arg1: i32, %arg2: memref<10000x128xf32, #tpu.memory_space<hbm>>, %arg3: memref<2688x128x128xf32, #tpu.memory_space<hbm>>, %arg4: memref<2688x2x128xi32, #tpu.memory_space<hbm>>, %arg5: memref<10000x128xf32, #tpu.memory_space<hbm>>, %arg6: memref<2x10000x128xf32, #tpu.memory_space<hbm>>, %arg7: memref<6x2x128xi32, #tpu.memory_space<vmem>>, %arg8: memref<3x128x128xf32, #tpu.memory_space<vmem>>, %arg9: memref<10000x128xf32, #tpu.memory_space<vmem_shared>>, %arg10: memref<!tpu.dma_semaphore, #tpu.memory_space<semaphore_mem>>, %arg11: memref<!tpu.dma_semaphore, #tpu.memory_space<semaphore_mem>>, %arg12: memref<!tpu.dma_semaphore, #tpu.memory_space<semaphore_mem>>, %arg13: memref<!tpu.dma_semaphore, #tpu.memory_space<semaphore_mem>>, %arg14: memref<!tpu.dma_semaphore, #tpu.memory_space<semaphore_mem>>, %arg15: memref<!tpu.dma_semaphore, #tpu.memory_space<semaphore_mem>>, %arg16: memref<!tpu.dma_semaphore, #tpu.memory_space<semaphore_mem>>, %arg17: memref<!tpu.dma_semaphore, #tpu.memory_space<semaphore_mem>>, %arg18: memref<!tpu.dma_semaphore, #tpu.memory_space<semaphore_mem>>, %arg19: memref<!tpu.dma_semaphore, #tpu.memory_space<semaphore_mem>>, %arg20: memref<!tpu.dma_semaphore, #tpu.memory_space<semaphore_mem>>, %arg21: memref<!tpu.dma_semaphore, #tpu.memory_space<semaphore_mem>>, %arg22: memref<!tpu.dma_semaphore, #tpu.memory_space<semaphore_mem>>, %arg23: memref<!tpu.dma_semaphore, #tpu.memory_space<semaphore_mem>>, %arg24: memref<!tpu.dma_semaphore, #tpu.memory_space<semaphore_mem>>) attributes {dimension_semantics = [#tpu.dimension_semantics<core_parallel>, #tpu.dimension_semantics<subcore_parallel>], iteration_bounds = array<i64: 2, 16>, scalar_prefetch = 0 : i64, scratch_operands = 18 : i64, tpu.core_type = #tpu.core_type<sc_vector_subcore>, window_params = [{transform_indices = #map}, {transform_indices = #map1}, {transform_indices = #map1}, {transform_indices = #map}, {transform_indices = #map1}]} {
    %mul3A = arith.constant 2 : i32
    %mul3A_0 = arith.muli %arg1, %mul3A : i32
    %add3A = arith.addi %mul3A_0, %arg0 : i32
    %mul3A_1 = arith.constant 632 : i32
    %mul3A_2 = arith.muli %arg1, %mul3A_1 : i32
    %multiple_of3A = tpu.assume_multiple %mul3A_2, 8 : i32
    %lt3A = arith.constant 15 : i32
    %lt3A_3 = arith.cmpi slt, %arg1, %lt3A : i32
    %convert_element_type3A = arith.extui %lt3A_3 : i1 to i32
    %cond3A = arith.constant 0 : i32
    %cond3A_4 = arith.cmpi ne, %convert_element_type3A, %cond3A : i32
    scf.if %cond3A_4 {
      "tpu.region"() ({
        %run_scoped3A = tpu.sem_alloc : memref<!tpu.dma_semaphore, #tpu.memory_space<semaphore_mem>>
        %dma_start3A = arith.constant 0 : i32
        %dma_start3A_25 = tpu.memref_slice %arg9[%multiple_of3A, %dma_start3A] : memref<10000x128xf32, #tpu.memory_space<vmem_shared>> -> memref<632x128xf32, #tpu.memory_space<vmem_shared>>
        %dma_start3A_26 = arith.constant 0 : i32
        %dma_start3A_27 = tpu.memref_slice %arg5[%multiple_of3A, %dma_start3A_26] : memref<10000x128xf32, #tpu.memory_space<hbm>> -> memref<632x128xf32, #tpu.memory_space<hbm>>
        tpu.enqueue_dma source(%dma_start3A_27 : memref<632x128xf32, #tpu.memory_space<hbm>>) target(%dma_start3A_25 : memref<632x128xf32, #tpu.memory_space<vmem_shared>>) target_semaphore(%run_scoped3A : memref<!tpu.dma_semaphore, #tpu.memory_space<semaphore_mem>>)
        %dma_wait3A = arith.constant 0 : i32
        %dma_wait3A_28 = tpu.memref_slice %arg9[%multiple_of3A, %dma_wait3A] : memref<10000x128xf32, #tpu.memory_space<vmem_shared>> -> memref<632x128xf32, #tpu.memory_space<vmem_shared>>
        %dma_wait3A_29 = arith.constant 0 : i32
        %dma_wait3A_30 = tpu.memref_slice %arg5[%multiple_of3A, %dma_wait3A_29] : memref<10000x128xf32, #tpu.memory_space<hbm>> -> memref<632x128xf32, #tpu.memory_space<hbm>>
        tpu.wait_dma2 semaphore(%run_scoped3A : memref<!tpu.dma_semaphore, #tpu.memory_space<semaphore_mem>>) src(%dma_wait3A_30 : memref<632x128xf32, #tpu.memory_space<hbm>>) dst(%dma_wait3A_28 : memref<632x128xf32, #tpu.memory_space<vmem_shared>>)
        tpu.yield
      }) : () -> ()
    } else {
    }
    %eq3A = arith.constant 15 : i32
    %eq3A_5 = arith.cmpi eq, %arg1, %eq3A : i32
    %convert_element_type3A_6 = arith.extui %eq3A_5 : i1 to i32
    %cond3A_7 = arith.constant 0 : i32
    %cond3A_8 = arith.cmpi ne, %convert_element_type3A_6, %cond3A_7 : i32
    scf.if %cond3A_8 {
      "tpu.region"() ({
        %run_scoped3A = tpu.sem_alloc : memref<!tpu.dma_semaphore, #tpu.memory_space<semaphore_mem>>
        %dma_start3A = arith.constant 0 : i32
        %dma_start3A_25 = tpu.memref_slice %arg9[%multiple_of3A, %dma_start3A] : memref<10000x128xf32, #tpu.memory_space<vmem_shared>> -> memref<520x128xf32, #tpu.memory_space<vmem_shared>>
        %dma_start3A_26 = arith.constant 0 : i32
        %dma_start3A_27 = tpu.memref_slice %arg5[%multiple_of3A, %dma_start3A_26] : memref<10000x128xf32, #tpu.memory_space<hbm>> -> memref<520x128xf32, #tpu.memory_space<hbm>>
        tpu.enqueue_dma source(%dma_start3A_27 : memref<520x128xf32, #tpu.memory_space<hbm>>) target(%dma_start3A_25 : memref<520x128xf32, #tpu.memory_space<vmem_shared>>) target_semaphore(%run_scoped3A : memref<!tpu.dma_semaphore, #tpu.memory_space<semaphore_mem>>)
        %dma_wait3A = arith.constant 0 : i32
        %dma_wait3A_28 = tpu.memref_slice %arg9[%multiple_of3A, %dma_wait3A] : memref<10000x128xf32, #tpu.memory_space<vmem_shared>> -> memref<520x128xf32, #tpu.memory_space<vmem_shared>>
        %dma_wait3A_29 = arith.constant 0 : i32
        %dma_wait3A_30 = tpu.memref_slice %arg5[%multiple_of3A, %dma_wait3A_29] : memref<10000x128xf32, #tpu.memory_space<hbm>> -> memref<520x128xf32, #tpu.memory_space<hbm>>
        tpu.wait_dma2 semaphore(%run_scoped3A : memref<!tpu.dma_semaphore, #tpu.memory_space<semaphore_mem>>) src(%dma_wait3A_30 : memref<520x128xf32, #tpu.memory_space<hbm>>) dst(%dma_wait3A_28 : memref<520x128xf32, #tpu.memory_space<vmem_shared>>)
        tpu.yield
      }) : () -> ()
    } else {
    }
    %barrier3A = arith.constant 0 : index
    tpu.barrier barrier_id(%barrier3A)
    %scan3A = arith.constant 0 : i32
    %scan3A_9 = arith.constant 0 : i32
    %scan3A_10 = arith.constant 84 : i32
    %scan3A_11 = arith.addi %scan3A_9, %scan3A_10 : i32
    %scan3A_12 = arith.constant 1 : i32
    scf.for %scan3A_25 = %scan3A_9 to %scan3A_11 step %scan3A_12  : i32 {
      %mul3A_26 = arith.constant 32 : i32
      %mul3A_27 = arith.muli %scan3A_25, %mul3A_26 : i32
      %add3A_28 = arith.addi %mul3A_27, %add3A : i32
      %run_scoped3A = arith.constant 0 : i32
      "tpu.region"() ({
        %run_scoped3A_63 = tpu.sem_alloc : memref<!tpu.dma_semaphore, #tpu.memory_space<semaphore_mem>>
        %dma_start3A_64 = arith.constant 0 : i32
        %dma_start3A_65 = arith.constant 0 : i32
        %dma_start3A_66 = tpu.memref_slice %arg7[%run_scoped3A, %dma_start3A_64, %dma_start3A_65] : memref<6x2x128xi32, #tpu.memory_space<vmem>> -> memref<1x2x128xi32, #tpu.memory_space<vmem>>
        %dma_start3A_67 = tpu.memref_squeeze %dma_start3A_66 : memref<1x2x128xi32, #tpu.memory_space<vmem>> -> memref<2x128xi32, #tpu.memory_space<vmem>>
        %dma_start3A_68 = arith.constant 0 : i32
        %dma_start3A_69 = arith.constant 0 : i32
        %dma_start3A_70 = tpu.memref_slice %arg4[%add3A_28, %dma_start3A_68, %dma_start3A_69] : memref<2688x2x128xi32, #tpu.memory_space<hbm>> -> memref<1x2x128xi32, #tpu.memory_space<hbm>>
        %dma_start3A_71 = tpu.memref_squeeze %dma_start3A_70 : memref<1x2x128xi32, #tpu.memory_space<hbm>> -> memref<2x128xi32, #tpu.memory_space<hbm>>
        %dma_start3A_72 = arith.constant 0 : i32
        %dma_start3A_73 = arith.constant 0 : i32
        %dma_start3A_74 = tpu.memref_slice %arg7[%run_scoped3A, %dma_start3A_72, %dma_start3A_73] : memref<6x2x128xi32, #tpu.memory_space<vmem>> -> memref<1x2x128xi32, #tpu.memory_space<vmem>>
        %dma_start3A_75 = tpu.memref_squeeze %dma_start3A_74 : memref<1x2x128xi32, #tpu.memory_space<vmem>> -> memref<2x128xi32, #tpu.memory_space<vmem>>
        %dma_start3A_76 = arith.constant 0 : i32
        %dma_start3A_77 = arith.constant 0 : i32
        %dma_start3A_78 = tpu.memref_slice %arg4[%add3A_28, %dma_start3A_76, %dma_start3A_77] : memref<2688x2x128xi32, #tpu.memory_space<hbm>> -> memref<1x2x128xi32, #tpu.memory_space<hbm>>
        %dma_start3A_79 = tpu.memref_squeeze %dma_start3A_78 : memref<1x2x128xi32, #tpu.memory_space<hbm>> -> memref<2x128xi32, #tpu.memory_space<hbm>>
        tpu.enqueue_dma source(%dma_start3A_79 : memref<2x128xi32, #tpu.memory_space<hbm>>) target(%dma_start3A_75 : memref<2x128xi32, #tpu.memory_space<vmem>>) target_semaphore(%run_scoped3A_63 : memref<!tpu.dma_semaphore, #tpu.memory_space<semaphore_mem>>)
        %dma_wait3A_80 = arith.constant 0 : i32
        %dma_wait3A_81 = arith.constant 0 : i32
        %dma_wait3A_82 = tpu.memref_slice %arg7[%run_scoped3A, %dma_wait3A_80, %dma_wait3A_81] : memref<6x2x128xi32, #tpu.memory_space<vmem>> -> memref<1x2x128xi32, #tpu.memory_space<vmem>>
        %dma_wait3A_83 = tpu.memref_squeeze %dma_wait3A_82 : memref<1x2x128xi32, #tpu.memory_space<vmem>> -> memref<2x128xi32, #tpu.memory_space<vmem>>
        %dma_wait3A_84 = arith.constant 0 : i32
        %dma_wait3A_85 = arith.constant 0 : i32
        %dma_wait3A_86 = tpu.memref_slice %arg4[%add3A_28, %dma_wait3A_84, %dma_wait3A_85] : memref<2688x2x128xi32, #tpu.memory_space<hbm>> -> memref<1x2x128xi32, #tpu.memory_space<hbm>>
        %dma_wait3A_87 = tpu.memref_squeeze %dma_wait3A_86 : memref<1x2x128xi32, #tpu.memory_space<hbm>> -> memref<2x128xi32, #tpu.memory_space<hbm>>
        %dma_wait3A_88 = arith.constant 0 : i32
        %dma_wait3A_89 = arith.constant 0 : i32
        %dma_wait3A_90 = tpu.memref_slice %arg7[%run_scoped3A, %dma_wait3A_88, %dma_wait3A_89] : memref<6x2x128xi32, #tpu.memory_space<vmem>> -> memref<1x2x128xi32, #tpu.memory_space<vmem>>
        %dma_wait3A_91 = tpu.memref_squeeze %dma_wait3A_90 : memref<1x2x128xi32, #tpu.memory_space<vmem>> -> memref<2x128xi32, #tpu.memory_space<vmem>>
        %dma_wait3A_92 = arith.constant 0 : i32
        %dma_wait3A_93 = arith.constant 0 : i32
        %dma_wait3A_94 = tpu.memref_slice %arg4[%add3A_28, %dma_wait3A_92, %dma_wait3A_93] : memref<2688x2x128xi32, #tpu.memory_space<hbm>> -> memref<1x2x128xi32, #tpu.memory_space<hbm>>
        %dma_wait3A_95 = tpu.memref_squeeze %dma_wait3A_94 : memref<1x2x128xi32, #tpu.memory_space<hbm>> -> memref<2x128xi32, #tpu.memory_space<hbm>>
        tpu.wait_dma2 semaphore(%run_scoped3A_63 : memref<!tpu.dma_semaphore, #tpu.memory_space<semaphore_mem>>) src(%dma_wait3A_95 : memref<2x128xi32, #tpu.memory_space<hbm>>) dst(%dma_wait3A_91 : memref<2x128xi32, #tpu.memory_space<vmem>>)
        tpu.yield
      }) : () -> ()
      %run_scoped3A_29 = arith.constant 0 : i32
      "tpu.region"() ({
        %run_scoped3A_63 = tpu.sem_alloc : memref<!tpu.dma_semaphore, #tpu.memory_space<semaphore_mem>>
        %dma_start3A_64 = arith.constant 0 : i32
        %dma_start3A_65 = arith.constant 0 : i32
        %dma_start3A_66 = tpu.memref_slice %arg8[%run_scoped3A_29, %dma_start3A_64, %dma_start3A_65] : memref<3x128x128xf32, #tpu.memory_space<vmem>> -> memref<1x128x128xf32, #tpu.memory_space<vmem>>
        %dma_start3A_67 = tpu.memref_squeeze %dma_start3A_66 : memref<1x128x128xf32, #tpu.memory_space<vmem>> -> memref<128x128xf32, #tpu.memory_space<vmem>>
        %dma_start3A_68 = arith.constant 0 : i32
        %dma_start3A_69 = arith.constant 0 : i32
        %dma_start3A_70 = tpu.memref_slice %arg3[%add3A_28, %dma_start3A_68, %dma_start3A_69] : memref<2688x128x128xf32, #tpu.memory_space<hbm>> -> memref<1x128x128xf32, #tpu.memory_space<hbm>>
        %dma_start3A_71 = tpu.memref_squeeze %dma_start3A_70 : memref<1x128x128xf32, #tpu.memory_space<hbm>> -> memref<128x128xf32, #tpu.memory_space<hbm>>
        %dma_start3A_72 = arith.constant 0 : i32
        %dma_start3A_73 = arith.constant 0 : i32
        %dma_start3A_74 = tpu.memref_slice %arg8[%run_scoped3A_29, %dma_start3A_72, %dma_start3A_73] : memref<3x128x128xf32, #tpu.memory_space<vmem>> -> memref<1x128x128xf32, #tpu.memory_space<vmem>>
        %dma_start3A_75 = tpu.memref_squeeze %dma_start3A_74 : memref<1x128x128xf32, #tpu.memory_space<vmem>> -> memref<128x128xf32, #tpu.memory_space<vmem>>
        %dma_start3A_76 = arith.constant 0 : i32
        %dma_start3A_77 = arith.constant 0 : i32
        %dma_start3A_78 = tpu.memref_slice %arg3[%add3A_28, %dma_start3A_76, %dma_start3A_77] : memref<2688x128x128xf32, #tpu.memory_space<hbm>> -> memref<1x128x128xf32, #tpu.memory_space<hbm>>
        %dma_start3A_79 = tpu.memref_squeeze %dma_start3A_78 : memref<1x128x128xf32, #tpu.memory_space<hbm>> -> memref<128x128xf32, #tpu.memory_space<hbm>>
        tpu.enqueue_dma source(%dma_start3A_79 : memref<128x128xf32, #tpu.memory_space<hbm>>) target(%dma_start3A_75 : memref<128x128xf32, #tpu.memory_space<vmem>>) target_semaphore(%run_scoped3A_63 : memref<!tpu.dma_semaphore, #tpu.memory_space<semaphore_mem>>)
        %dma_wait3A_80 = arith.constant 0 : i32
        %dma_wait3A_81 = arith.constant 0 : i32
        %dma_wait3A_82 = tpu.memref_slice %arg8[%run_scoped3A_29, %dma_wait3A_80, %dma_wait3A_81] : memref<3x128x128xf32, #tpu.memory_space<vmem>> -> memref<1x128x128xf32, #tpu.memory_space<vmem>>
        %dma_wait3A_83 = tpu.memref_squeeze %dma_wait3A_82 : memref<1x128x128xf32, #tpu.memory_space<vmem>> -> memref<128x128xf32, #tpu.memory_space<vmem>>
        %dma_wait3A_84 = arith.constant 0 : i32
        %dma_wait3A_85 = arith.constant 0 : i32
        %dma_wait3A_86 = tpu.memref_slice %arg3[%add3A_28, %dma_wait3A_84, %dma_wait3A_85] : memref<2688x128x128xf32, #tpu.memory_space<hbm>> -> memref<1x128x128xf32, #tpu.memory_space<hbm>>
        %dma_wait3A_87 = tpu.memref_squeeze %dma_wait3A_86 : memref<1x128x128xf32, #tpu.memory_space<hbm>> -> memref<128x128xf32, #tpu.memory_space<hbm>>
        %dma_wait3A_88 = arith.constant 0 : i32
        %dma_wait3A_89 = arith.constant 0 : i32
        %dma_wait3A_90 = tpu.memref_slice %arg8[%run_scoped3A_29, %dma_wait3A_88, %dma_wait3A_89] : memref<3x128x128xf32, #tpu.memory_space<vmem>> -> memref<1x128x128xf32, #tpu.memory_space<vmem>>
        %dma_wait3A_91 = tpu.memref_squeeze %dma_wait3A_90 : memref<1x128x128xf32, #tpu.memory_space<vmem>> -> memref<128x128xf32, #tpu.memory_space<vmem>>
        %dma_wait3A_92 = arith.constant 0 : i32
        %dma_wait3A_93 = arith.constant 0 : i32
        %dma_wait3A_94 = tpu.memref_slice %arg3[%add3A_28, %dma_wait3A_92, %dma_wait3A_93] : memref<2688x128x128xf32, #tpu.memory_space<hbm>> -> memref<1x128x128xf32, #tpu.memory_space<hbm>>
        %dma_wait3A_95 = tpu.memref_squeeze %dma_wait3A_94 : memref<1x128x128xf32, #tpu.memory_space<hbm>> -> memref<128x128xf32, #tpu.memory_space<hbm>>
        tpu.wait_dma2 semaphore(%run_scoped3A_63 : memref<!tpu.dma_semaphore, #tpu.memory_space<semaphore_mem>>) src(%dma_wait3A_95 : memref<128x128xf32, #tpu.memory_space<hbm>>) dst(%dma_wait3A_91 : memref<128x128xf32, #tpu.memory_space<vmem>>)
        tpu.yield
      }) : () -> ()
      %dma_start3A = arith.constant 0 : i32
      %dma_start3A_30 = arith.constant 0 : i32
      %dma_start3A_31 = arith.constant 0 : i32
      %dma_start3A_32 = arith.constant 0 : i32
      %dma_start3A_33 = arith.constant 0 : i32
      %dma_start3A_34 = tpu.memref_slice %arg8[%dma_start3A_31, %dma_start3A_32, %dma_start3A_33] : memref<3x128x128xf32, #tpu.memory_space<vmem>> -> memref<1x128x128xf32, #tpu.memory_space<vmem>>
      %dma_start3A_35 = tpu.memref_squeeze %dma_start3A_34 : memref<1x128x128xf32, #tpu.memory_space<vmem>> -> memref<128x128xf32, #tpu.memory_space<vmem>>
      %dma_start3A_36 = arith.constant 0 : i32
      %dma_start3A_37 = tpu.memref_slice %arg7[%dma_start3A, %dma_start3A_30, %dma_start3A_36] : memref<6x2x128xi32, #tpu.memory_space<vmem>> -> memref<1x1x128xi32, #tpu.memory_space<vmem>>
      %dma_start3A_38 = tpu.memref_squeeze %dma_start3A_37 : memref<1x1x128xi32, #tpu.memory_space<vmem>> -> memref<128xi32, #tpu.memory_space<vmem>>
      %dma_start3A_39 = arith.constant 0 : i32
      %dma_start3A_40 = arith.constant 0 : i32
      %dma_start3A_41 = tpu.memref_slice %arg2[%dma_start3A_39, %dma_start3A_40] : memref<10000x128xf32, #tpu.memory_space<hbm>> -> memref<10000x128xf32, #tpu.memory_space<hbm>>
      tpu.enqueue_indirect_dma source(%dma_start3A_41 : memref<10000x128xf32, #tpu.memory_space<hbm>>) target(%dma_start3A_35 : memref<128x128xf32, #tpu.memory_space<vmem>>) offsets(%dma_start3A_38 : memref<128xi32, #tpu.memory_space<vmem>>) semaphore(%arg10 : memref<!tpu.dma_semaphore, #tpu.memory_space<semaphore_mem>>) {add = true}
      %dma_wait3A = arith.constant 0 : i32
      %dma_wait3A_42 = arith.constant 0 : i32
      %dma_wait3A_43 = arith.constant 0 : i32
      %dma_wait3A_44 = arith.constant 0 : i32
      %dma_wait3A_45 = arith.constant 0 : i32
      %dma_wait3A_46 = tpu.memref_slice %arg8[%dma_wait3A_43, %dma_wait3A_44, %dma_wait3A_45] : memref<3x128x128xf32, #tpu.memory_space<vmem>> -> memref<1x128x128xf32, #tpu.memory_space<vmem>>
      %dma_wait3A_47 = tpu.memref_squeeze %dma_wait3A_46 : memref<1x128x128xf32, #tpu.memory_space<vmem>> -> memref<128x128xf32, #tpu.memory_space<vmem>>
      %dma_wait3A_48 = arith.constant 0 : i32
      %dma_wait3A_49 = tpu.memref_slice %arg7[%dma_wait3A, %dma_wait3A_42, %dma_wait3A_48] : memref<6x2x128xi32, #tpu.memory_space<vmem>> -> memref<1x1x128xi32, #tpu.memory_space<vmem>>
      %dma_wait3A_50 = tpu.memref_squeeze %dma_wait3A_49 : memref<1x1x128xi32, #tpu.memory_space<vmem>> -> memref<128xi32, #tpu.memory_space<vmem>>
      %dma_wait3A_51 = arith.constant 0 : i32
      %dma_wait3A_52 = arith.constant 0 : i32
      %dma_wait3A_53 = tpu.memref_slice %arg2[%dma_wait3A_51, %dma_wait3A_52] : memref<10000x128xf32, #tpu.memory_space<hbm>> -> memref<10000x128xf32, #tpu.memory_space<hbm>>
      tpu.wait_indirect_dma semaphore(%arg10 : memref<!tpu.dma_semaphore, #tpu.memory_space<semaphore_mem>>) src(%dma_wait3A_53 : memref<10000x128xf32, #tpu.memory_space<hbm>>) dst(%dma_wait3A_47 : memref<128x128xf32, #tpu.memory_space<vmem>>)
      %scan3A_54 = arith.constant 0 : i32
      %scan3A_55 = arith.constant 0 : i32
      %scan3A_56 = arith.constant 128 : i32
      %scan3A_57 = arith.addi %scan3A_55, %scan3A_56 : i32
      %scan3A_58 = arith.constant 1 : i32
      scf.for %scan3A_63 = %scan3A_55 to %scan3A_57 step %scan3A_58  : i32 {
        %get3A = arith.constant 0 : i32
        %get3A_64 = arith.index_cast %get3A : i32 to index
        %get3A_65 = arith.index_cast %scan3A_63 : i32 to index
        %get3A_66 = arith.constant 0 : index
        %get3A_67 = tpu.vector_load %arg8[%get3A_64, %get3A_65, %get3A_66] {strides = array<i32>} : memref<3x128x128xf32, #tpu.memory_space<vmem>>, vector<1x1x16xf32>,
        %get3A_68 = vector.shape_cast %get3A_67 : vector<1x1x16xf32> to vector<16xf32>
        %max3A = arith.constant 0.000000e+00 : f32
        %max3A_69 = vector.broadcast %max3A : f32 to vector<16xf32>
        %max3A_70 = arith.maximumf %get3A_68, %max3A_69 : vector<16xf32>
        %swap3A = arith.constant 0 : i32
        %swap3A_71 = arith.index_cast %swap3A : i32 to index
        %swap3A_72 = arith.index_cast %scan3A_63 : i32 to index
        %swap3A_73 = arith.constant 0 : index
        %swap3A_74 = tpu.vector_load %arg8[%swap3A_71, %swap3A_72, %swap3A_73] {strides = array<i32>} : memref<3x128x128xf32, #tpu.memory_space<vmem>>, vector<1x1x16xf32>,
        %swap3A_75 = vector.shape_cast %swap3A_74 : vector<1x1x16xf32> to vector<16xf32>
        %swap3A_76 = vector.shape_cast %max3A_70 : vector<16xf32> to vector<1x1x16xf32>
        tpu.vector_store %arg8[%swap3A_71, %swap3A_72, %swap3A_73], %swap3A_76 {strides = array<i32>} : memref<3x128x128xf32, #tpu.memory_space<vmem>>, vector<1x1x16xf32>,
        %get3A_77 = arith.constant 0 : i32
        %get3A_78 = arith.index_cast %get3A_77 : i32 to index
        %get3A_79 = arith.index_cast %scan3A_63 : i32 to index
        %get3A_80 = arith.constant 16 : index
        %get3A_81 = tpu.vector_load %arg8[%get3A_78, %get3A_79, %get3A_80] {strides = array<i32>} : memref<3x128x128xf32, #tpu.memory_space<vmem>>, vector<1x1x16xf32>,
        %get3A_82 = vector.shape_cast %get3A_81 : vector<1x1x16xf32> to vector<16xf32>
        %max3A_83 = arith.constant 0.000000e+00 : f32
        %max3A_84 = vector.broadcast %max3A_83 : f32 to vector<16xf32>
        %max3A_85 = arith.maximumf %get3A_82, %max3A_84 : vector<16xf32>
        %swap3A_86 = arith.constant 0 : i32
        %swap3A_87 = arith.index_cast %swap3A_86 : i32 to index
        %swap3A_88 = arith.index_cast %scan3A_63 : i32 to index
        %swap3A_89 = arith.constant 16 : index
        %swap3A_90 = tpu.vector_load %arg8[%swap3A_87, %swap3A_88, %swap3A_89] {strides = array<i32>} : memref<3x128x128xf32, #tpu.memory_space<vmem>>, vector<1x1x16xf32>,
        %swap3A_91 = vector.shape_cast %swap3A_90 : vector<1x1x16xf32> to vector<16xf32>
        %swap3A_92 = vector.shape_cast %max3A_85 : vector<16xf32> to vector<1x1x16xf32>
        tpu.vector_store %arg8[%swap3A_87, %swap3A_88, %swap3A_89], %swap3A_92 {strides = array<i32>} : memref<3x128x128xf32, #tpu.memory_space<vmem>>, vector<1x1x16xf32>,
        %get3A_93 = arith.constant 0 : i32
        %get3A_94 = arith.index_cast %get3A_93 : i32 to index
        %get3A_95 = arith.index_cast %scan3A_63 : i32 to index
        %get3A_96 = arith.constant 32 : index
        %get3A_97 = tpu.vector_load %arg8[%get3A_94, %get3A_95, %get3A_96] {strides = array<i32>} : memref<3x128x128xf32, #tpu.memory_space<vmem>>, vector<1x1x16xf32>,
        %get3A_98 = vector.shape_cast %get3A_97 : vector<1x1x16xf32> to vector<16xf32>
        %max3A_99 = arith.constant 0.000000e+00 : f32
        %max3A_100 = vector.broadcast %max3A_99 : f32 to vector<16xf32>
        %max3A_101 = arith.maximumf %get3A_98, %max3A_100 : vector<16xf32>
        %swap3A_102 = arith.constant 0 : i32
        %swap3A_103 = arith.index_cast %swap3A_102 : i32 to index
        %swap3A_104 = arith.index_cast %scan3A_63 : i32 to index
        %swap3A_105 = arith.constant 32 : index
        %swap3A_106 = tpu.vector_load %arg8[%swap3A_103, %swap3A_104, %swap3A_105] {strides = array<i32>} : memref<3x128x128xf32, #tpu.memory_space<vmem>>, vector<1x1x16xf32>,
        %swap3A_107 = vector.shape_cast %swap3A_106 : vector<1x1x16xf32> to vector<16xf32>
        %swap3A_108 = vector.shape_cast %max3A_101 : vector<16xf32> to vector<1x1x16xf32>
        tpu.vector_store %arg8[%swap3A_103, %swap3A_104, %swap3A_105], %swap3A_108 {strides = array<i32>} : memref<3x128x128xf32, #tpu.memory_space<vmem>>, vector<1x1x16xf32>,
        %get3A_109 = arith.constant 0 : i32
        %get3A_110 = arith.index_cast %get3A_109 : i32 to index
        %get3A_111 = arith.index_cast %scan3A_63 : i32 to index
        %get3A_112 = arith.constant 48 : index
        %get3A_113 = tpu.vector_load %arg8[%get3A_110, %get3A_111, %get3A_112] {strides = array<i32>} : memref<3x128x128xf32, #tpu.memory_space<vmem>>, vector<1x1x16xf32>,
        %get3A_114 = vector.shape_cast %get3A_113 : vector<1x1x16xf32> to vector<16xf32>
        %max3A_115 = arith.constant 0.000000e+00 : f32
        %max3A_116 = vector.broadcast %max3A_115 : f32 to vector<16xf32>
        %max3A_117 = arith.maximumf %get3A_114, %max3A_116 : vector<16xf32>
        %swap3A_118 = arith.constant 0 : i32
        %swap3A_119 = arith.index_cast %swap3A_118 : i32 to index
        %swap3A_120 = arith.index_cast %scan3A_63 : i32 to index
        %swap3A_121 = arith.constant 48 : index
        %swap3A_122 = tpu.vector_load %arg8[%swap3A_119, %swap3A_120, %swap3A_121] {strides = array<i32>} : memref<3x128x128xf32, #tpu.memory_space<vmem>>, vector<1x1x16xf32>,
        %swap3A_123 = vector.shape_cast %swap3A_122 : vector<1x1x16xf32> to vector<16xf32>
        %swap3A_124 = vector.shape_cast %max3A_117 : vector<16xf32> to vector<1x1x16xf32>
        tpu.vector_store %arg8[%swap3A_119, %swap3A_120, %swap3A_121], %swap3A_124 {strides = array<i32>} : memref<3x128x128xf32, #tpu.memory_space<vmem>>, vector<1x1x16xf32>,
        %get3A_125 = arith.constant 0 : i32
        %get3A_126 = arith.index_cast %get3A_125 : i32 to index
        %get3A_127 = arith.index_cast %scan3A_63 : i32 to index
        %get3A_128 = arith.constant 64 : index
        %get3A_129 = tpu.vector_load %arg8[%get3A_126, %get3A_127, %get3A_128] {strides = array<i32>} : memref<3x128x128xf32, #tpu.memory_space<vmem>>, vector<1x1x16xf32>,
        %get3A_130 = vector.shape_cast %get3A_129 : vector<1x1x16xf32> to vector<16xf32>
        %max3A_131 = arith.constant 0.000000e+00 : f32
        %max3A_132 = vector.broadcast %max3A_131 : f32 to vector<16xf32>
        %max3A_133 = arith.maximumf %get3A_130, %max3A_132 : vector<16xf32>
        %swap3A_134 = arith.constant 0 : i32
        %swap3A_135 = arith.index_cast %swap3A_134 : i32 to index
        %swap3A_136 = arith.index_cast %scan3A_63 : i32 to index
        %swap3A_137 = arith.constant 64 : index
        %swap3A_138 = tpu.vector_load %arg8[%swap3A_135, %swap3A_136, %swap3A_137] {strides = array<i32>} : memref<3x128x128xf32, #tpu.memory_space<vmem>>, vector<1x1x16xf32>,
        %swap3A_139 = vector.shape_cast %swap3A_138 : vector<1x1x16xf32> to vector<16xf32>
        %swap3A_140 = vector.shape_cast %max3A_133 : vector<16xf32> to vector<1x1x16xf32>
        tpu.vector_store %arg8[%swap3A_135, %swap3A_136, %swap3A_137], %swap3A_140 {strides = array<i32>} : memref<3x128x128xf32, #tpu.memory_space<vmem>>, vector<1x1x16xf32>,
        %get3A_141 = arith.constant 0 : i32
        %get3A_142 = arith.index_cast %get3A_141 : i32 to index
        %get3A_143 = arith.index_cast %scan3A_63 : i32 to index
        %get3A_144 = arith.constant 80 : index
        %get3A_145 = tpu.vector_load %arg8[%get3A_142, %get3A_143, %get3A_144] {strides = array<i32>} : memref<3x128x128xf32, #tpu.memory_space<vmem>>, vector<1x1x16xf32>,
        %get3A_146 = vector.shape_cast %get3A_145 : vector<1x1x16xf32> to vector<16xf32>
        %max3A_147 = arith.constant 0.000000e+00 : f32
        %max3A_148 = vector.broadcast %max3A_147 : f32 to vector<16xf32>
        %max3A_149 = arith.maximumf %get3A_146, %max3A_148 : vector<16xf32>
        %swap3A_150 = arith.constant 0 : i32
        %swap3A_151 = arith.index_cast %swap3A_150 : i32 to index
        %swap3A_152 = arith.index_cast %scan3A_63 : i32 to index
        %swap3A_153 = arith.constant 80 : index
        %swap3A_154 = tpu.vector_load %arg8[%swap3A_151, %swap3A_152, %swap3A_153] {strides = array<i32>} : memref<3x128x128xf32, #tpu.memory_space<vmem>>, vector<1x1x16xf32>,
        %swap3A_155 = vector.shape_cast %swap3A_154 : vector<1x1x16xf32> to vector<16xf32>
        %swap3A_156 = vector.shape_cast %max3A_149 : vector<16xf32> to vector<1x1x16xf32>
        tpu.vector_store %arg8[%swap3A_151, %swap3A_152, %swap3A_153], %swap3A_156 {strides = array<i32>} : memref<3x128x128xf32, #tpu.memory_space<vmem>>, vector<1x1x16xf32>,
        %get3A_157 = arith.constant 0 : i32
        %get3A_158 = arith.index_cast %get3A_157 : i32 to index
        %get3A_159 = arith.index_cast %scan3A_63 : i32 to index
        %get3A_160 = arith.constant 96 : index
        %get3A_161 = tpu.vector_load %arg8[%get3A_158, %get3A_159, %get3A_160] {strides = array<i32>} : memref<3x128x128xf32, #tpu.memory_space<vmem>>, vector<1x1x16xf32>,
        %get3A_162 = vector.shape_cast %get3A_161 : vector<1x1x16xf32> to vector<16xf32>
        %max3A_163 = arith.constant 0.000000e+00 : f32
        %max3A_164 = vector.broadcast %max3A_163 : f32 to vector<16xf32>
        %max3A_165 = arith.maximumf %get3A_162, %max3A_164 : vector<16xf32>
        %swap3A_166 = arith.constant 0 : i32
        %swap3A_167 = arith.index_cast %swap3A_166 : i32 to index
        %swap3A_168 = arith.index_cast %scan3A_63 : i32 to index
        %swap3A_169 = arith.constant 96 : index
        %swap3A_170 = tpu.vector_load %arg8[%swap3A_167, %swap3A_168, %swap3A_169] {strides = array<i32>} : memref<3x128x128xf32, #tpu.memory_space<vmem>>, vector<1x1x16xf32>,
        %swap3A_171 = vector.shape_cast %swap3A_170 : vector<1x1x16xf32> to vector<16xf32>
        %swap3A_172 = vector.shape_cast %max3A_165 : vector<16xf32> to vector<1x1x16xf32>
        tpu.vector_store %arg8[%swap3A_167, %swap3A_168, %swap3A_169], %swap3A_172 {strides = array<i32>} : memref<3x128x128xf32, #tpu.memory_space<vmem>>, vector<1x1x16xf32>,
        %get3A_173 = arith.constant 0 : i32
        %get3A_174 = arith.index_cast %get3A_173 : i32 to index
        %get3A_175 = arith.index_cast %scan3A_63 : i32 to index
        %get3A_176 = arith.constant 112 : index
        %get3A_177 = tpu.vector_load %arg8[%get3A_174, %get3A_175, %get3A_176] {strides = array<i32>} : memref<3x128x128xf32, #tpu.memory_space<vmem>>, vector<1x1x16xf32>,
        %get3A_178 = vector.shape_cast %get3A_177 : vector<1x1x16xf32> to vector<16xf32>
        %max3A_179 = arith.constant 0.000000e+00 : f32
        %max3A_180 = vector.broadcast %max3A_179 : f32 to vector<16xf32>
        %max3A_181 = arith.maximumf %get3A_178, %max3A_180 : vector<16xf32>
        %swap3A_182 = arith.constant 0 : i32
        %swap3A_183 = arith.index_cast %swap3A_182 : i32 to index
        %swap3A_184 = arith.index_cast %scan3A_63 : i32 to index
        %swap3A_185 = arith.constant 112 : index
        %swap3A_186 = tpu.vector_load %arg8[%swap3A_183, %swap3A_184, %swap3A_185] {strides = array<i32>} : memref<3x128x128xf32, #tpu.memory_space<vmem>>, vector<1x1x16xf32>,
        %swap3A_187 = vector.shape_cast %swap3A_186 : vector<1x1x16xf32> to vector<16xf32>
        %swap3A_188 = vector.shape_cast %max3A_181 : vector<16xf32> to vector<1x1x16xf32>
        tpu.vector_store %arg8[%swap3A_183, %swap3A_184, %swap3A_185], %swap3A_188 {strides = array<i32>} : memref<3x128x128xf32, #tpu.memory_space<vmem>>, vector<1x1x16xf32>,
      }
      %scan3A_59 = arith.constant 128 : i32
      %run_scoped3A_60 = arith.constant 0 : i32
      %run_scoped3A_61 = arith.constant 0 : i32
      %run_scoped3A_62 = arith.constant 1 : i32
      "tpu.region"() ({
        %run_scoped3A_63 = tpu.sem_alloc : memref<!tpu.dma_semaphore, #tpu.memory_space<semaphore_mem>>
        %dma_start3A_64 = arith.constant 0 : i32
        %dma_start3A_65 = arith.constant 0 : i32
        %dma_start3A_66 = tpu.memref_slice %arg8[%run_scoped3A_60, %dma_start3A_64, %dma_start3A_65] : memref<3x128x128xf32, #tpu.memory_space<vmem>> -> memref<1x128x128xf32, #tpu.memory_space<vmem>>
        %dma_start3A_67 = tpu.memref_squeeze %dma_start3A_66 : memref<1x128x128xf32, #tpu.memory_space<vmem>> -> memref<128x128xf32, #tpu.memory_space<vmem>>
        %dma_start3A_68 = arith.constant 0 : i32
        %dma_start3A_69 = tpu.memref_slice %arg7[%run_scoped3A_61, %run_scoped3A_62, %dma_start3A_68] : memref<6x2x128xi32, #tpu.memory_space<vmem>> -> memref<1x1x128xi32, #tpu.memory_space<vmem>>
        %dma_start3A_70 = tpu.memref_squeeze %dma_start3A_69 : memref<1x1x128xi32, #tpu.memory_space<vmem>> -> memref<128xi32, #tpu.memory_space<vmem>>
        %dma_start3A_71 = arith.constant 0 : i32
        %dma_start3A_72 = arith.constant 0 : i32
        %dma_start3A_73 = tpu.memref_slice %arg9[%dma_start3A_71, %dma_start3A_72] : memref<10000x128xf32, #tpu.memory_space<vmem_shared>> -> memref<10000x128xf32, #tpu.memory_space<vmem_shared>>
        tpu.enqueue_indirect_dma source(%dma_start3A_67 : memref<128x128xf32, #tpu.memory_space<vmem>>) target(%dma_start3A_73 : memref<10000x128xf32, #tpu.memory_space<vmem_shared>>) offsets(%dma_start3A_70 : memref<128xi32, #tpu.memory_space<vmem>>) semaphore(%run_scoped3A_63 : memref<!tpu.dma_semaphore, #tpu.memory_space<semaphore_mem>>) {add = true}
        %dma_wait3A_74 = arith.constant 0 : i32
        %dma_wait3A_75 = arith.constant 0 : i32
        %dma_wait3A_76 = tpu.memref_slice %arg8[%run_scoped3A_60, %dma_wait3A_74, %dma_wait3A_75] : memref<3x128x128xf32, #tpu.memory_space<vmem>> -> memref<1x128x128xf32, #tpu.memory_space<vmem>>
        %dma_wait3A_77 = tpu.memref_squeeze %dma_wait3A_76 : memref<1x128x128xf32, #tpu.memory_space<vmem>> -> memref<128x128xf32, #tpu.memory_space<vmem>>
        %dma_wait3A_78 = arith.constant 0 : i32
        %dma_wait3A_79 = tpu.memref_slice %arg7[%run_scoped3A_61, %run_scoped3A_62, %dma_wait3A_78] : memref<6x2x128xi32, #tpu.memory_space<vmem>> -> memref<1x1x128xi32, #tpu.memory_space<vmem>>
        %dma_wait3A_80 = tpu.memref_squeeze %dma_wait3A_79 : memref<1x1x128xi32, #tpu.memory_space<vmem>> -> memref<128xi32, #tpu.memory_space<vmem>>
        %dma_wait3A_81 = arith.constant 0 : i32
        %dma_wait3A_82 = arith.constant 0 : i32
        %dma_wait3A_83 = tpu.memref_slice %arg9[%dma_wait3A_81, %dma_wait3A_82] : memref<10000x128xf32, #tpu.memory_space<vmem_shared>> -> memref<10000x128xf32, #tpu.memory_space<vmem_shared>>
        tpu.wait_indirect_dma semaphore(%run_scoped3A_63 : memref<!tpu.dma_semaphore, #tpu.memory_space<semaphore_mem>>) src(%dma_wait3A_77 : memref<128x128xf32, #tpu.memory_space<vmem>>) dst(%dma_wait3A_83 : memref<10000x128xf32, #tpu.memory_space<vmem_shared>>)
        tpu.yield
      }) : () -> ()
    }
    %scan3A_13 = arith.constant 84 : i32
    %barrier3A_14 = arith.constant 0 : index
    tpu.barrier barrier_id(%barrier3A_14)
    %lt3A_15 = arith.constant 15 : i32
    %lt3A_16 = arith.cmpi slt, %arg1, %lt3A_15 : i32
    %convert_element_type3A_17 = arith.extui %lt3A_16 : i1 to i32
    %cond3A_18 = arith.constant 0 : i32
    %cond3A_19 = arith.cmpi ne, %convert_element_type3A_17, %cond3A_18 : i32
    scf.if %cond3A_19 {
      "tpu.region"() ({
        %run_scoped3A = tpu.sem_alloc : memref<!tpu.dma_semaphore, #tpu.memory_space<semaphore_mem>>
        %dma_start3A = arith.constant 0 : i32
        %dma_start3A_25 = tpu.memref_slice %arg6[%arg0, %multiple_of3A, %dma_start3A] : memref<2x10000x128xf32, #tpu.memory_space<hbm>> -> memref<1x632x128xf32, #tpu.memory_space<hbm>>
        %dma_start3A_26 = tpu.memref_squeeze %dma_start3A_25 : memref<1x632x128xf32, #tpu.memory_space<hbm>> -> memref<632x128xf32, #tpu.memory_space<hbm>>
        %dma_start3A_27 = arith.constant 0 : i32
        %dma_start3A_28 = tpu.memref_slice %arg9[%multiple_of3A, %dma_start3A_27] : memref<10000x128xf32, #tpu.memory_space<vmem_shared>> -> memref<632x128xf32, #tpu.memory_space<vmem_shared>>
        tpu.enqueue_dma source(%dma_start3A_28 : memref<632x128xf32, #tpu.memory_space<vmem_shared>>) target(%dma_start3A_26 : memref<632x128xf32, #tpu.memory_space<hbm>>) target_semaphore(%run_scoped3A : memref<!tpu.dma_semaphore, #tpu.memory_space<semaphore_mem>>)
        %dma_wait3A = arith.constant 0 : i32
        %dma_wait3A_29 = tpu.memref_slice %arg6[%arg0, %multiple_of3A, %dma_wait3A] : memref<2x10000x128xf32, #tpu.memory_space<hbm>> -> memref<1x632x128xf32, #tpu.memory_space<hbm>>
        %dma_wait3A_30 = tpu.memref_squeeze %dma_wait3A_29 : memref<1x632x128xf32, #tpu.memory_space<hbm>> -> memref<632x128xf32, #tpu.memory_space<hbm>>
        %dma_wait3A_31 = arith.constant 0 : i32
        %dma_wait3A_32 = tpu.memref_slice %arg9[%multiple_of3A, %dma_wait3A_31] : memref<10000x128xf32, #tpu.memory_space<vmem_shared>> -> memref<632x128xf32, #tpu.memory_space<vmem_shared>>
        tpu.wait_dma2 semaphore(%run_scoped3A : memref<!tpu.dma_semaphore, #tpu.memory_space<semaphore_mem>>) src(%dma_wait3A_32 : memref<632x128xf32, #tpu.memory_space<vmem_shared>>) dst(%dma_wait3A_30 : memref<632x128xf32, #tpu.memory_space<hbm>>)
        tpu.yield
      }) : () -> ()
    } else {
    }
    %eq3A_20 = arith.constant 15 : i32
    %eq3A_21 = arith.cmpi eq, %arg1, %eq3A_20 : i32
    %convert_element_type3A_22 = arith.extui %eq3A_21 : i1 to i32
    %cond3A_23 = arith.constant 0 : i32
    %cond3A_24 = arith.cmpi ne, %convert_element_type3A_22, %cond3A_23 : i32
    scf.if %cond3A_24 {
      "tpu.region"() ({
        %run_scoped3A = tpu.sem_alloc : memref<!tpu.dma_semaphore, #tpu.memory_space<semaphore_mem>>
        %dma_start3A = arith.constant 0 : i32
        %dma_start3A_25 = tpu.memref_slice %arg6[%arg0, %multiple_of3A, %dma_start3A] : memref<2x10000x128xf32, #tpu.memory_space<hbm>> -> memref<1x520x128xf32, #tpu.memory_space<hbm>>
        %dma_start3A_26 = tpu.memref_squeeze %dma_start3A_25 : memref<1x520x128xf32, #tpu.memory_space<hbm>> -> memref<520x128xf32, #tpu.memory_space<hbm>>
        %dma_start3A_27 = arith.constant 0 : i32
        %dma_start3A_28 = tpu.memref_slice %arg9[%multiple_of3A, %dma_start3A_27] : memref<10000x128xf32, #tpu.memory_space<vmem_shared>> -> memref<520x128xf32, #tpu.memory_space<vmem_shared>>
        tpu.enqueue_dma source(%dma_start3A_28 : memref<520x128xf32, #tpu.memory_space<vmem_shared>>) target(%dma_start3A_26 : memref<520x128xf32, #tpu.memory_space<hbm>>) target_semaphore(%run_scoped3A : memref<!tpu.dma_semaphore, #tpu.memory_space<semaphore_mem>>)
        %dma_wait3A = arith.constant 0 : i32
        %dma_wait3A_29 = tpu.memref_slice %arg6[%arg0, %multiple_of3A, %dma_wait3A] : memref<2x10000x128xf32, #tpu.memory_space<hbm>> -> memref<1x520x128xf32, #tpu.memory_space<hbm>>
        %dma_wait3A_30 = tpu.memref_squeeze %dma_wait3A_29 : memref<1x520x128xf32, #tpu.memory_space<hbm>> -> memref<520x128xf32, #tpu.memory_space<hbm>>
        %dma_wait3A_31 = arith.constant 0 : i32
        %dma_wait3A_32 = tpu.memref_slice %arg9[%multiple_of3A, %dma_wait3A_31] : memref<10000x128xf32, #tpu.memory_space<vmem_shared>> -> memref<520x128xf32, #tpu.memory_space<vmem_shared>>
        tpu.wait_dma2 semaphore(%run_scoped3A : memref<!tpu.dma_semaphore, #tpu.memory_space<semaphore_mem>>) src(%dma_wait3A_32 : memref<520x128xf32, #tpu.memory_space<vmem_shared>>) dst(%dma_wait3A_30 : memref<520x128xf32, #tpu.memory_space<hbm>>)
        tpu.yield
      }) : () -> ()
    } else {
    }
    return
  }
}

#map = affine_map<(d0, d1) -> (0, 0)>
#map1 = affine_map<(d0, d1) -> (0, 0, 0)>
module attributes {stable_mosaic.version = 14 : i64} {
  func.func @_edge_agg_sc(%arg0: i32, %arg1: i32, %arg2: memref<10000x128xf32, #tpu.memory_space<hbm>>, %arg3: memref<2688x128x128xf32, #tpu.memory_space<hbm>>, %arg4: memref<2688x2x128xi32, #tpu.memory_space<hbm>>, %arg5: memref<10000x128xf32, #tpu.memory_space<hbm>>, %arg6: memref<2x10000x128xf32, #tpu.memory_space<hbm>>, %arg7: memref<6x2x128xi32, #tpu.memory_space<vmem>>, %arg8: memref<3x128x128xf32, #tpu.memory_space<vmem>>, %arg9: memref<10000x128xf32, #tpu.memory_space<vmem_shared>>, %arg10: memref<!tpu.dma_semaphore, #tpu.memory_space<semaphore_mem>>, %arg11: memref<!tpu.dma_semaphore, #tpu.memory_space<semaphore_mem>>, %arg12: memref<!tpu.dma_semaphore, #tpu.memory_space<semaphore_mem>>, %arg13: memref<!tpu.dma_semaphore, #tpu.memory_space<semaphore_mem>>, %arg14: memref<!tpu.dma_semaphore, #tpu.memory_space<semaphore_mem>>, %arg15: memref<!tpu.dma_semaphore, #tpu.memory_space<semaphore_mem>>, %arg16: memref<!tpu.dma_semaphore, #tpu.memory_space<semaphore_mem>>, %arg17: memref<!tpu.dma_semaphore, #tpu.memory_space<semaphore_mem>>, %arg18: memref<!tpu.dma_semaphore, #tpu.memory_space<semaphore_mem>>, %arg19: memref<!tpu.dma_semaphore, #tpu.memory_space<semaphore_mem>>, %arg20: memref<!tpu.dma_semaphore, #tpu.memory_space<semaphore_mem>>, %arg21: memref<!tpu.dma_semaphore, #tpu.memory_space<semaphore_mem>>, %arg22: memref<!tpu.dma_semaphore, #tpu.memory_space<semaphore_mem>>, %arg23: memref<!tpu.dma_semaphore, #tpu.memory_space<semaphore_mem>>, %arg24: memref<!tpu.dma_semaphore, #tpu.memory_space<semaphore_mem>>) attributes {dimension_semantics = [#tpu.dimension_semantics<core_parallel>, #tpu.dimension_semantics<subcore_parallel>], iteration_bounds = array<i64: 2, 16>, scalar_prefetch = 0 : i64, scratch_operands = 18 : i64, tpu.core_type = #tpu.core_type<sc_vector_subcore>, window_params = [{transform_indices = #map}, {transform_indices = #map1}, {transform_indices = #map1}, {transform_indices = #map}, {transform_indices = #map1}]} {
    %mul3A = arith.constant 2 : i32
    %mul3A_0 = arith.muli %arg1, %mul3A : i32
    %add3A = arith.addi %mul3A_0, %arg0 : i32
    %mul3A_1 = arith.constant 632 : i32
    %mul3A_2 = arith.muli %arg1, %mul3A_1 : i32
    %multiple_of3A = tpu.assume_multiple %mul3A_2, 8 : i32
    %lt3A = arith.constant 15 : i32
    %lt3A_3 = arith.cmpi slt, %arg1, %lt3A : i32
    %convert_element_type3A = arith.extui %lt3A_3 : i1 to i32
    %cond3A = arith.constant 0 : i32
    %cond3A_4 = arith.cmpi ne, %convert_element_type3A, %cond3A : i32
    scf.if %cond3A_4 {
      "tpu.region"() ({
        %run_scoped3A = tpu.sem_alloc : memref<!tpu.dma_semaphore, #tpu.memory_space<semaphore_mem>>
        %dma_start3A = arith.constant 0 : i32
        %dma_start3A_25 = tpu.memref_slice %arg9[%multiple_of3A, %dma_start3A] : memref<10000x128xf32, #tpu.memory_space<vmem_shared>> -> memref<632x128xf32, #tpu.memory_space<vmem_shared>>
        %dma_start3A_26 = arith.constant 0 : i32
        %dma_start3A_27 = tpu.memref_slice %arg5[%multiple_of3A, %dma_start3A_26] : memref<10000x128xf32, #tpu.memory_space<hbm>> -> memref<632x128xf32, #tpu.memory_space<hbm>>
        tpu.enqueue_dma source(%dma_start3A_27 : memref<632x128xf32, #tpu.memory_space<hbm>>) target(%dma_start3A_25 : memref<632x128xf32, #tpu.memory_space<vmem_shared>>) target_semaphore(%run_scoped3A : memref<!tpu.dma_semaphore, #tpu.memory_space<semaphore_mem>>)
        %dma_wait3A = arith.constant 0 : i32
        %dma_wait3A_28 = tpu.memref_slice %arg9[%multiple_of3A, %dma_wait3A] : memref<10000x128xf32, #tpu.memory_space<vmem_shared>> -> memref<632x128xf32, #tpu.memory_space<vmem_shared>>
        %dma_wait3A_29 = arith.constant 0 : i32
        %dma_wait3A_30 = tpu.memref_slice %arg5[%multiple_of3A, %dma_wait3A_29] : memref<10000x128xf32, #tpu.memory_space<hbm>> -> memref<632x128xf32, #tpu.memory_space<hbm>>
        tpu.wait_dma2 semaphore(%run_scoped3A : memref<!tpu.dma_semaphore, #tpu.memory_space<semaphore_mem>>) src(%dma_wait3A_30 : memref<632x128xf32, #tpu.memory_space<hbm>>) dst(%dma_wait3A_28 : memref<632x128xf32, #tpu.memory_space<vmem_shared>>)
        tpu.yield
      }) : () -> ()
    } else {
    }
    %eq3A = arith.constant 15 : i32
    %eq3A_5 = arith.cmpi eq, %arg1, %eq3A : i32
    %convert_element_type3A_6 = arith.extui %eq3A_5 : i1 to i32
    %cond3A_7 = arith.constant 0 : i32
    %cond3A_8 = arith.cmpi ne, %convert_element_type3A_6, %cond3A_7 : i32
    scf.if %cond3A_8 {
      "tpu.region"() ({
        %run_scoped3A = tpu.sem_alloc : memref<!tpu.dma_semaphore, #tpu.memory_space<semaphore_mem>>
        %dma_start3A = arith.constant 0 : i32
        %dma_start3A_25 = tpu.memref_slice %arg9[%multiple_of3A, %dma_start3A] : memref<10000x128xf32, #tpu.memory_space<vmem_shared>> -> memref<520x128xf32, #tpu.memory_space<vmem_shared>>
        %dma_start3A_26 = arith.constant 0 : i32
        %dma_start3A_27 = tpu.memref_slice %arg5[%multiple_of3A, %dma_start3A_26] : memref<10000x128xf32, #tpu.memory_space<hbm>> -> memref<520x128xf32, #tpu.memory_space<hbm>>
        tpu.enqueue_dma source(%dma_start3A_27 : memref<520x128xf32, #tpu.memory_space<hbm>>) target(%dma_start3A_25 : memref<520x128xf32, #tpu.memory_space<vmem_shared>>) target_semaphore(%run_scoped3A : memref<!tpu.dma_semaphore, #tpu.memory_space<semaphore_mem>>)
        %dma_wait3A = arith.constant 0 : i32
        %dma_wait3A_28 = tpu.memref_slice %arg9[%multiple_of3A, %dma_wait3A] : memref<10000x128xf32, #tpu.memory_space<vmem_shared>> -> memref<520x128xf32, #tpu.memory_space<vmem_shared>>
        %dma_wait3A_29 = arith.constant 0 : i32
        %dma_wait3A_30 = tpu.memref_slice %arg5[%multiple_of3A, %dma_wait3A_29] : memref<10000x128xf32, #tpu.memory_space<hbm>> -> memref<520x128xf32, #tpu.memory_space<hbm>>
        tpu.wait_dma2 semaphore(%run_scoped3A : memref<!tpu.dma_semaphore, #tpu.memory_space<semaphore_mem>>) src(%dma_wait3A_30 : memref<520x128xf32, #tpu.memory_space<hbm>>) dst(%dma_wait3A_28 : memref<520x128xf32, #tpu.memory_space<vmem_shared>>)
        tpu.yield
      }) : () -> ()
    } else {
    }
    %barrier3A = arith.constant 0 : index
    tpu.barrier barrier_id(%barrier3A)
    %scan3A = arith.constant 0 : i32
    %scan3A_9 = arith.constant 0 : i32
    %scan3A_10 = arith.constant 84 : i32
    %scan3A_11 = arith.addi %scan3A_9, %scan3A_10 : i32
    %scan3A_12 = arith.constant 1 : i32
    scf.for %scan3A_25 = %scan3A_9 to %scan3A_11 step %scan3A_12  : i32 {
      %mul3A_26 = arith.constant 32 : i32
      %mul3A_27 = arith.muli %scan3A_25, %mul3A_26 : i32
      %add3A_28 = arith.addi %mul3A_27, %add3A : i32
      %run_scoped3A = arith.constant 0 : i32
      "tpu.region"() ({
        %run_scoped3A_63 = tpu.sem_alloc : memref<!tpu.dma_semaphore, #tpu.memory_space<semaphore_mem>>
        %dma_start3A_64 = arith.constant 0 : i32
        %dma_start3A_65 = arith.constant 0 : i32
        %dma_start3A_66 = tpu.memref_slice %arg7[%run_scoped3A, %dma_start3A_64, %dma_start3A_65] : memref<6x2x128xi32, #tpu.memory_space<vmem>> -> memref<1x2x128xi32, #tpu.memory_space<vmem>>
        %dma_start3A_67 = tpu.memref_squeeze %dma_start3A_66 : memref<1x2x128xi32, #tpu.memory_space<vmem>> -> memref<2x128xi32, #tpu.memory_space<vmem>>
        %dma_start3A_68 = arith.constant 0 : i32
        %dma_start3A_69 = arith.constant 0 : i32
        %dma_start3A_70 = tpu.memref_slice %arg4[%add3A_28, %dma_start3A_68, %dma_start3A_69] : memref<2688x2x128xi32, #tpu.memory_space<hbm>> -> memref<1x2x128xi32, #tpu.memory_space<hbm>>
        %dma_start3A_71 = tpu.memref_squeeze %dma_start3A_70 : memref<1x2x128xi32, #tpu.memory_space<hbm>> -> memref<2x128xi32, #tpu.memory_space<hbm>>
        %dma_start3A_72 = arith.constant 0 : i32
        %dma_start3A_73 = arith.constant 0 : i32
        %dma_start3A_74 = tpu.memref_slice %arg7[%run_scoped3A, %dma_start3A_72, %dma_start3A_73] : memref<6x2x128xi32, #tpu.memory_space<vmem>> -> memref<1x2x128xi32, #tpu.memory_space<vmem>>
        %dma_start3A_75 = tpu.memref_squeeze %dma_start3A_74 : memref<1x2x128xi32, #tpu.memory_space<vmem>> -> memref<2x128xi32, #tpu.memory_space<vmem>>
        %dma_start3A_76 = arith.constant 0 : i32
        %dma_start3A_77 = arith.constant 0 : i32
        %dma_start3A_78 = tpu.memref_slice %arg4[%add3A_28, %dma_start3A_76, %dma_start3A_77] : memref<2688x2x128xi32, #tpu.memory_space<hbm>> -> memref<1x2x128xi32, #tpu.memory_space<hbm>>
        %dma_start3A_79 = tpu.memref_squeeze %dma_start3A_78 : memref<1x2x128xi32, #tpu.memory_space<hbm>> -> memref<2x128xi32, #tpu.memory_space<hbm>>
        tpu.enqueue_dma source(%dma_start3A_79 : memref<2x128xi32, #tpu.memory_space<hbm>>) target(%dma_start3A_75 : memref<2x128xi32, #tpu.memory_space<vmem>>) target_semaphore(%run_scoped3A_63 : memref<!tpu.dma_semaphore, #tpu.memory_space<semaphore_mem>>)
        %dma_wait3A_80 = arith.constant 0 : i32
        %dma_wait3A_81 = arith.constant 0 : i32
        %dma_wait3A_82 = tpu.memref_slice %arg7[%run_scoped3A, %dma_wait3A_80, %dma_wait3A_81] : memref<6x2x128xi32, #tpu.memory_space<vmem>> -> memref<1x2x128xi32, #tpu.memory_space<vmem>>
        %dma_wait3A_83 = tpu.memref_squeeze %dma_wait3A_82 : memref<1x2x128xi32, #tpu.memory_space<vmem>> -> memref<2x128xi32, #tpu.memory_space<vmem>>
        %dma_wait3A_84 = arith.constant 0 : i32
        %dma_wait3A_85 = arith.constant 0 : i32
        %dma_wait3A_86 = tpu.memref_slice %arg4[%add3A_28, %dma_wait3A_84, %dma_wait3A_85] : memref<2688x2x128xi32, #tpu.memory_space<hbm>> -> memref<1x2x128xi32, #tpu.memory_space<hbm>>
        %dma_wait3A_87 = tpu.memref_squeeze %dma_wait3A_86 : memref<1x2x128xi32, #tpu.memory_space<hbm>> -> memref<2x128xi32, #tpu.memory_space<hbm>>
        %dma_wait3A_88 = arith.constant 0 : i32
        %dma_wait3A_89 = arith.constant 0 : i32
        %dma_wait3A_90 = tpu.memref_slice %arg7[%run_scoped3A, %dma_wait3A_88, %dma_wait3A_89] : memref<6x2x128xi32, #tpu.memory_space<vmem>> -> memref<1x2x128xi32, #tpu.memory_space<vmem>>
        %dma_wait3A_91 = tpu.memref_squeeze %dma_wait3A_90 : memref<1x2x128xi32, #tpu.memory_space<vmem>> -> memref<2x128xi32, #tpu.memory_space<vmem>>
        %dma_wait3A_92 = arith.constant 0 : i32
        %dma_wait3A_93 = arith.constant 0 : i32
        %dma_wait3A_94 = tpu.memref_slice %arg4[%add3A_28, %dma_wait3A_92, %dma_wait3A_93] : memref<2688x2x128xi32, #tpu.memory_space<hbm>> -> memref<1x2x128xi32, #tpu.memory_space<hbm>>
        %dma_wait3A_95 = tpu.memref_squeeze %dma_wait3A_94 : memref<1x2x128xi32, #tpu.memory_space<hbm>> -> memref<2x128xi32, #tpu.memory_space<hbm>>
        tpu.wait_dma2 semaphore(%run_scoped3A_63 : memref<!tpu.dma_semaphore, #tpu.memory_space<semaphore_mem>>) src(%dma_wait3A_95 : memref<2x128xi32, #tpu.memory_space<hbm>>) dst(%dma_wait3A_91 : memref<2x128xi32, #tpu.memory_space<vmem>>)
        tpu.yield
      }) : () -> ()
      %run_scoped3A_29 = arith.constant 0 : i32
      "tpu.region"() ({
        %run_scoped3A_63 = tpu.sem_alloc : memref<!tpu.dma_semaphore, #tpu.memory_space<semaphore_mem>>
        %dma_start3A_64 = arith.constant 0 : i32
        %dma_start3A_65 = arith.constant 0 : i32
        %dma_start3A_66 = tpu.memref_slice %arg8[%run_scoped3A_29, %dma_start3A_64, %dma_start3A_65] : memref<3x128x128xf32, #tpu.memory_space<vmem>> -> memref<1x128x128xf32, #tpu.memory_space<vmem>>
        %dma_start3A_67 = tpu.memref_squeeze %dma_start3A_66 : memref<1x128x128xf32, #tpu.memory_space<vmem>> -> memref<128x128xf32, #tpu.memory_space<vmem>>
        %dma_start3A_68 = arith.constant 0 : i32
        %dma_start3A_69 = arith.constant 0 : i32
        %dma_start3A_70 = tpu.memref_slice %arg3[%add3A_28, %dma_start3A_68, %dma_start3A_69] : memref<2688x128x128xf32, #tpu.memory_space<hbm>> -> memref<1x128x128xf32, #tpu.memory_space<hbm>>
        %dma_start3A_71 = tpu.memref_squeeze %dma_start3A_70 : memref<1x128x128xf32, #tpu.memory_space<hbm>> -> memref<128x128xf32, #tpu.memory_space<hbm>>
        %dma_start3A_72 = arith.constant 0 : i32
        %dma_start3A_73 = arith.constant 0 : i32
        %dma_start3A_74 = tpu.memref_slice %arg8[%run_scoped3A_29, %dma_start3A_72, %dma_start3A_73] : memref<3x128x128xf32, #tpu.memory_space<vmem>> -> memref<1x128x128xf32, #tpu.memory_space<vmem>>
        %dma_start3A_75 = tpu.memref_squeeze %dma_start3A_74 : memref<1x128x128xf32, #tpu.memory_space<vmem>> -> memref<128x128xf32, #tpu.memory_space<vmem>>
        %dma_start3A_76 = arith.constant 0 : i32
        %dma_start3A_77 = arith.constant 0 : i32
        %dma_start3A_78 = tpu.memref_slice %arg3[%add3A_28, %dma_start3A_76, %dma_start3A_77] : memref<2688x128x128xf32, #tpu.memory_space<hbm>> -> memref<1x128x128xf32, #tpu.memory_space<hbm>>
        %dma_start3A_79 = tpu.memref_squeeze %dma_start3A_78 : memref<1x128x128xf32, #tpu.memory_space<hbm>> -> memref<128x128xf32, #tpu.memory_space<hbm>>
        tpu.enqueue_dma source(%dma_start3A_79 : memref<128x128xf32, #tpu.memory_space<hbm>>) target(%dma_start3A_75 : memref<128x128xf32, #tpu.memory_space<vmem>>) target_semaphore(%run_scoped3A_63 : memref<!tpu.dma_semaphore, #tpu.memory_space<semaphore_mem>>)
        %dma_wait3A_80 = arith.constant 0 : i32
        %dma_wait3A_81 = arith.constant 0 : i32
        %dma_wait3A_82 = tpu.memref_slice %arg8[%run_scoped3A_29, %dma_wait3A_80, %dma_wait3A_81] : memref<3x128x128xf32, #tpu.memory_space<vmem>> -> memref<1x128x128xf32, #tpu.memory_space<vmem>>
        %dma_wait3A_83 = tpu.memref_squeeze %dma_wait3A_82 : memref<1x128x128xf32, #tpu.memory_space<vmem>> -> memref<128x128xf32, #tpu.memory_space<vmem>>
        %dma_wait3A_84 = arith.constant 0 : i32
        %dma_wait3A_85 = arith.constant 0 : i32
        %dma_wait3A_86 = tpu.memref_slice %arg3[%add3A_28, %dma_wait3A_84, %dma_wait3A_85] : memref<2688x128x128xf32, #tpu.memory_space<hbm>> -> memref<1x128x128xf32, #tpu.memory_space<hbm>>
        %dma_wait3A_87 = tpu.memref_squeeze %dma_wait3A_86 : memref<1x128x128xf32, #tpu.memory_space<hbm>> -> memref<128x128xf32, #tpu.memory_space<hbm>>
        %dma_wait3A_88 = arith.constant 0 : i32
        %dma_wait3A_89 = arith.constant 0 : i32
        %dma_wait3A_90 = tpu.memref_slice %arg8[%run_scoped3A_29, %dma_wait3A_88, %dma_wait3A_89] : memref<3x128x128xf32, #tpu.memory_space<vmem>> -> memref<1x128x128xf32, #tpu.memory_space<vmem>>
        %dma_wait3A_91 = tpu.memref_squeeze %dma_wait3A_90 : memref<1x128x128xf32, #tpu.memory_space<vmem>> -> memref<128x128xf32, #tpu.memory_space<vmem>>
        %dma_wait3A_92 = arith.constant 0 : i32
        %dma_wait3A_93 = arith.constant 0 : i32
        %dma_wait3A_94 = tpu.memref_slice %arg3[%add3A_28, %dma_wait3A_92, %dma_wait3A_93] : memref<2688x128x128xf32, #tpu.memory_space<hbm>> -> memref<1x128x128xf32, #tpu.memory_space<hbm>>
        %dma_wait3A_95 = tpu.memref_squeeze %dma_wait3A_94 : memref<1x128x128xf32, #tpu.memory_space<hbm>> -> memref<128x128xf32, #tpu.memory_space<hbm>>
        tpu.wait_dma2 semaphore(%run_scoped3A_63 : memref<!tpu.dma_semaphore, #tpu.memory_space<semaphore_mem>>) src(%dma_wait3A_95 : memref<128x128xf32, #tpu.memory_space<hbm>>) dst(%dma_wait3A_91 : memref<128x128xf32, #tpu.memory_space<vmem>>)
        tpu.yield
      }) : () -> ()
      %dma_start3A = arith.constant 0 : i32
      %dma_start3A_30 = arith.constant 0 : i32
      %dma_start3A_31 = arith.constant 0 : i32
      %dma_start3A_32 = arith.constant 0 : i32
      %dma_start3A_33 = arith.constant 0 : i32
      %dma_start3A_34 = tpu.memref_slice %arg8[%dma_start3A_31, %dma_start3A_32, %dma_start3A_33] : memref<3x128x128xf32, #tpu.memory_space<vmem>> -> memref<1x128x128xf32, #tpu.memory_space<vmem>>
      %dma_start3A_35 = tpu.memref_squeeze %dma_start3A_34 : memref<1x128x128xf32, #tpu.memory_space<vmem>> -> memref<128x128xf32, #tpu.memory_space<vmem>>
      %dma_start3A_36 = arith.constant 0 : i32
      %dma_start3A_37 = tpu.memref_slice %arg7[%dma_start3A, %dma_start3A_30, %dma_start3A_36] : memref<6x2x128xi32, #tpu.memory_space<vmem>> -> memref<1x1x128xi32, #tpu.memory_space<vmem>>
      %dma_start3A_38 = tpu.memref_squeeze %dma_start3A_37 : memref<1x1x128xi32, #tpu.memory_space<vmem>> -> memref<128xi32, #tpu.memory_space<vmem>>
      %dma_start3A_39 = arith.constant 0 : i32
      %dma_start3A_40 = arith.constant 0 : i32
      %dma_start3A_41 = tpu.memref_slice %arg2[%dma_start3A_39, %dma_start3A_40] : memref<10000x128xf32, #tpu.memory_space<hbm>> -> memref<10000x128xf32, #tpu.memory_space<hbm>>
      tpu.enqueue_indirect_dma source(%dma_start3A_41 : memref<10000x128xf32, #tpu.memory_space<hbm>>) target(%dma_start3A_35 : memref<128x128xf32, #tpu.memory_space<vmem>>) offsets(%dma_start3A_38 : memref<128xi32, #tpu.memory_space<vmem>>) semaphore(%arg10 : memref<!tpu.dma_semaphore, #tpu.memory_space<semaphore_mem>>) {add = true}
      %dma_wait3A = arith.constant 0 : i32
      %dma_wait3A_42 = arith.constant 0 : i32
      %dma_wait3A_43 = arith.constant 0 : i32
      %dma_wait3A_44 = arith.constant 0 : i32
      %dma_wait3A_45 = arith.constant 0 : i32
      %dma_wait3A_46 = tpu.memref_slice %arg8[%dma_wait3A_43, %dma_wait3A_44, %dma_wait3A_45] : memref<3x128x128xf32, #tpu.memory_space<vmem>> -> memref<1x128x128xf32, #tpu.memory_space<vmem>>
      %dma_wait3A_47 = tpu.memref_squeeze %dma_wait3A_46 : memref<1x128x128xf32, #tpu.memory_space<vmem>> -> memref<128x128xf32, #tpu.memory_space<vmem>>
      %dma_wait3A_48 = arith.constant 0 : i32
      %dma_wait3A_49 = tpu.memref_slice %arg7[%dma_wait3A, %dma_wait3A_42, %dma_wait3A_48] : memref<6x2x128xi32, #tpu.memory_space<vmem>> -> memref<1x1x128xi32, #tpu.memory_space<vmem>>
      %dma_wait3A_50 = tpu.memref_squeeze %dma_wait3A_49 : memref<1x1x128xi32, #tpu.memory_space<vmem>> -> memref<128xi32, #tpu.memory_space<vmem>>
      %dma_wait3A_51 = arith.constant 0 : i32
      %dma_wait3A_52 = arith.constant 0 : i32
      %dma_wait3A_53 = tpu.memref_slice %arg2[%dma_wait3A_51, %dma_wait3A_52] : memref<10000x128xf32, #tpu.memory_space<hbm>> -> memref<10000x128xf32, #tpu.memory_space<hbm>>
      tpu.wait_indirect_dma semaphore(%arg10 : memref<!tpu.dma_semaphore, #tpu.memory_space<semaphore_mem>>) src(%dma_wait3A_53 : memref<10000x128xf32, #tpu.memory_space<hbm>>) dst(%dma_wait3A_47 : memref<128x128xf32, #tpu.memory_space<vmem>>)
      %scan3A_54 = arith.constant 0 : i32
      %scan3A_55 = arith.constant 0 : i32
      %scan3A_56 = arith.constant 128 : i32
      %scan3A_57 = arith.addi %scan3A_55, %scan3A_56 : i32
      %scan3A_58 = arith.constant 1 : i32
      scf.for %scan3A_63 = %scan3A_55 to %scan3A_57 step %scan3A_58  : i32 {
        %get3A = arith.constant 0 : i32
        %get3A_64 = arith.index_cast %get3A : i32 to index
        %get3A_65 = arith.index_cast %scan3A_63 : i32 to index
        %get3A_66 = arith.constant 0 : index
        %get3A_67 = tpu.vector_load %arg8[%get3A_64, %get3A_65, %get3A_66] {strides = array<i32>} : memref<3x128x128xf32, #tpu.memory_space<vmem>>, vector<1x1x16xf32>,
        %get3A_68 = vector.shape_cast %get3A_67 : vector<1x1x16xf32> to vector<16xf32>
        %max3A = arith.constant 0.000000e+00 : f32
        %max3A_69 = vector.broadcast %max3A : f32 to vector<16xf32>
        %max3A_70 = arith.maximumf %get3A_68, %max3A_69 : vector<16xf32>
        %swap3A = arith.constant 0 : i32
        %swap3A_71 = arith.index_cast %swap3A : i32 to index
        %swap3A_72 = arith.index_cast %scan3A_63 : i32 to index
        %swap3A_73 = arith.constant 0 : index
        %swap3A_74 = tpu.vector_load %arg8[%swap3A_71, %swap3A_72, %swap3A_73] {strides = array<i32>} : memref<3x128x128xf32, #tpu.memory_space<vmem>>, vector<1x1x16xf32>,
        %swap3A_75 = vector.shape_cast %swap3A_74 : vector<1x1x16xf32> to vector<16xf32>
        %swap3A_76 = vector.shape_cast %max3A_70 : vector<16xf32> to vector<1x1x16xf32>
        tpu.vector_store %arg8[%swap3A_71, %swap3A_72, %swap3A_73], %swap3A_76 {strides = array<i32>} : memref<3x128x128xf32, #tpu.memory_space<vmem>>, vector<1x1x16xf32>,
        %get3A_77 = arith.constant 0 : i32
        %get3A_78 = arith.index_cast %get3A_77 : i32 to index
        %get3A_79 = arith.index_cast %scan3A_63 : i32 to index
        %get3A_80 = arith.constant 16 : index
        %get3A_81 = tpu.vector_load %arg8[%get3A_78, %get3A_79, %get3A_80] {strides = array<i32>} : memref<3x128x128xf32, #tpu.memory_space<vmem>>, vector<1x1x16xf32>,
        %get3A_82 = vector.shape_cast %get3A_81 : vector<1x1x16xf32> to vector<16xf32>
        %max3A_83 = arith.constant 0.000000e+00 : f32
        %max3A_84 = vector.broadcast %max3A_83 : f32 to vector<16xf32>
        %max3A_85 = arith.maximumf %get3A_82, %max3A_84 : vector<16xf32>
        %swap3A_86 = arith.constant 0 : i32
        %swap3A_87 = arith.index_cast %swap3A_86 : i32 to index
        %swap3A_88 = arith.index_cast %scan3A_63 : i32 to index
        %swap3A_89 = arith.constant 16 : index
        %swap3A_90 = tpu.vector_load %arg8[%swap3A_87, %swap3A_88, %swap3A_89] {strides = array<i32>} : memref<3x128x128xf32, #tpu.memory_space<vmem>>, vector<1x1x16xf32>,
        %swap3A_91 = vector.shape_cast %swap3A_90 : vector<1x1x16xf32> to vector<16xf32>
        %swap3A_92 = vector.shape_cast %max3A_85 : vector<16xf32> to vector<1x1x16xf32>
        tpu.vector_store %arg8[%swap3A_87, %swap3A_88, %swap3A_89], %swap3A_92 {strides = array<i32>} : memref<3x128x128xf32, #tpu.memory_space<vmem>>, vector<1x1x16xf32>,
        %get3A_93 = arith.constant 0 : i32
        %get3A_94 = arith.index_cast %get3A_93 : i32 to index
        %get3A_95 = arith.index_cast %scan3A_63 : i32 to index
        %get3A_96 = arith.constant 32 : index
        %get3A_97 = tpu.vector_load %arg8[%get3A_94, %get3A_95, %get3A_96] {strides = array<i32>} : memref<3x128x128xf32, #tpu.memory_space<vmem>>, vector<1x1x16xf32>,
        %get3A_98 = vector.shape_cast %get3A_97 : vector<1x1x16xf32> to vector<16xf32>
        %max3A_99 = arith.constant 0.000000e+00 : f32
        %max3A_100 = vector.broadcast %max3A_99 : f32 to vector<16xf32>
        %max3A_101 = arith.maximumf %get3A_98, %max3A_100 : vector<16xf32>
        %swap3A_102 = arith.constant 0 : i32
        %swap3A_103 = arith.index_cast %swap3A_102 : i32 to index
        %swap3A_104 = arith.index_cast %scan3A_63 : i32 to index
        %swap3A_105 = arith.constant 32 : index
        %swap3A_106 = tpu.vector_load %arg8[%swap3A_103, %swap3A_104, %swap3A_105] {strides = array<i32>} : memref<3x128x128xf32, #tpu.memory_space<vmem>>, vector<1x1x16xf32>,
        %swap3A_107 = vector.shape_cast %swap3A_106 : vector<1x1x16xf32> to vector<16xf32>
        %swap3A_108 = vector.shape_cast %max3A_101 : vector<16xf32> to vector<1x1x16xf32>
        tpu.vector_store %arg8[%swap3A_103, %swap3A_104, %swap3A_105], %swap3A_108 {strides = array<i32>} : memref<3x128x128xf32, #tpu.memory_space<vmem>>, vector<1x1x16xf32>,
        %get3A_109 = arith.constant 0 : i32
        %get3A_110 = arith.index_cast %get3A_109 : i32 to index
        %get3A_111 = arith.index_cast %scan3A_63 : i32 to index
        %get3A_112 = arith.constant 48 : index
        %get3A_113 = tpu.vector_load %arg8[%get3A_110, %get3A_111, %get3A_112] {strides = array<i32>} : memref<3x128x128xf32, #tpu.memory_space<vmem>>, vector<1x1x16xf32>,
        %get3A_114 = vector.shape_cast %get3A_113 : vector<1x1x16xf32> to vector<16xf32>
        %max3A_115 = arith.constant 0.000000e+00 : f32
        %max3A_116 = vector.broadcast %max3A_115 : f32 to vector<16xf32>
        %max3A_117 = arith.maximumf %get3A_114, %max3A_116 : vector<16xf32>
        %swap3A_118 = arith.constant 0 : i32
        %swap3A_119 = arith.index_cast %swap3A_118 : i32 to index
        %swap3A_120 = arith.index_cast %scan3A_63 : i32 to index
        %swap3A_121 = arith.constant 48 : index
        %swap3A_122 = tpu.vector_load %arg8[%swap3A_119, %swap3A_120, %swap3A_121] {strides = array<i32>} : memref<3x128x128xf32, #tpu.memory_space<vmem>>, vector<1x1x16xf32>,
        %swap3A_123 = vector.shape_cast %swap3A_122 : vector<1x1x16xf32> to vector<16xf32>
        %swap3A_124 = vector.shape_cast %max3A_117 : vector<16xf32> to vector<1x1x16xf32>
        tpu.vector_store %arg8[%swap3A_119, %swap3A_120, %swap3A_121], %swap3A_124 {strides = array<i32>} : memref<3x128x128xf32, #tpu.memory_space<vmem>>, vector<1x1x16xf32>,
        %get3A_125 = arith.constant 0 : i32
        %get3A_126 = arith.index_cast %get3A_125 : i32 to index
        %get3A_127 = arith.index_cast %scan3A_63 : i32 to index
        %get3A_128 = arith.constant 64 : index
        %get3A_129 = tpu.vector_load %arg8[%get3A_126, %get3A_127, %get3A_128] {strides = array<i32>} : memref<3x128x128xf32, #tpu.memory_space<vmem>>, vector<1x1x16xf32>,
        %get3A_130 = vector.shape_cast %get3A_129 : vector<1x1x16xf32> to vector<16xf32>
        %max3A_131 = arith.constant 0.000000e+00 : f32
        %max3A_132 = vector.broadcast %max3A_131 : f32 to vector<16xf32>
        %max3A_133 = arith.maximumf %get3A_130, %max3A_132 : vector<16xf32>
        %swap3A_134 = arith.constant 0 : i32
        %swap3A_135 = arith.index_cast %swap3A_134 : i32 to index
        %swap3A_136 = arith.index_cast %scan3A_63 : i32 to index
        %swap3A_137 = arith.constant 64 : index
        %swap3A_138 = tpu.vector_load %arg8[%swap3A_135, %swap3A_136, %swap3A_137] {strides = array<i32>} : memref<3x128x128xf32, #tpu.memory_space<vmem>>, vector<1x1x16xf32>,
        %swap3A_139 = vector.shape_cast %swap3A_138 : vector<1x1x16xf32> to vector<16xf32>
        %swap3A_140 = vector.shape_cast %max3A_133 : vector<16xf32> to vector<1x1x16xf32>
        tpu.vector_store %arg8[%swap3A_135, %swap3A_136, %swap3A_137], %swap3A_140 {strides = array<i32>} : memref<3x128x128xf32, #tpu.memory_space<vmem>>, vector<1x1x16xf32>,
        %get3A_141 = arith.constant 0 : i32
        %get3A_142 = arith.index_cast %get3A_141 : i32 to index
        %get3A_143 = arith.index_cast %scan3A_63 : i32 to index
        %get3A_144 = arith.constant 80 : index
        %get3A_145 = tpu.vector_load %arg8[%get3A_142, %get3A_143, %get3A_144] {strides = array<i32>} : memref<3x128x128xf32, #tpu.memory_space<vmem>>, vector<1x1x16xf32>,
        %get3A_146 = vector.shape_cast %get3A_145 : vector<1x1x16xf32> to vector<16xf32>
        %max3A_147 = arith.constant 0.000000e+00 : f32
        %max3A_148 = vector.broadcast %max3A_147 : f32 to vector<16xf32>
        %max3A_149 = arith.maximumf %get3A_146, %max3A_148 : vector<16xf32>
        %swap3A_150 = arith.constant 0 : i32
        %swap3A_151 = arith.index_cast %swap3A_150 : i32 to index
        %swap3A_152 = arith.index_cast %scan3A_63 : i32 to index
        %swap3A_153 = arith.constant 80 : index
        %swap3A_154 = tpu.vector_load %arg8[%swap3A_151, %swap3A_152, %swap3A_153] {strides = array<i32>} : memref<3x128x128xf32, #tpu.memory_space<vmem>>, vector<1x1x16xf32>,
        %swap3A_155 = vector.shape_cast %swap3A_154 : vector<1x1x16xf32> to vector<16xf32>
        %swap3A_156 = vector.shape_cast %max3A_149 : vector<16xf32> to vector<1x1x16xf32>
        tpu.vector_store %arg8[%swap3A_151, %swap3A_152, %swap3A_153], %swap3A_156 {strides = array<i32>} : memref<3x128x128xf32, #tpu.memory_space<vmem>>, vector<1x1x16xf32>,
        %get3A_157 = arith.constant 0 : i32
        %get3A_158 = arith.index_cast %get3A_157 : i32 to index
        %get3A_159 = arith.index_cast %scan3A_63 : i32 to index
        %get3A_160 = arith.constant 96 : index
        %get3A_161 = tpu.vector_load %arg8[%get3A_158, %get3A_159, %get3A_160] {strides = array<i32>} : memref<3x128x128xf32, #tpu.memory_space<vmem>>, vector<1x1x16xf32>,
        %get3A_162 = vector.shape_cast %get3A_161 : vector<1x1x16xf32> to vector<16xf32>
        %max3A_163 = arith.constant 0.000000e+00 : f32
        %max3A_164 = vector.broadcast %max3A_163 : f32 to vector<16xf32>
        %max3A_165 = arith.maximumf %get3A_162, %max3A_164 : vector<16xf32>
        %swap3A_166 = arith.constant 0 : i32
        %swap3A_167 = arith.index_cast %swap3A_166 : i32 to index
        %swap3A_168 = arith.index_cast %scan3A_63 : i32 to index
        %swap3A_169 = arith.constant 96 : index
        %swap3A_170 = tpu.vector_load %arg8[%swap3A_167, %swap3A_168, %swap3A_169] {strides = array<i32>} : memref<3x128x128xf32, #tpu.memory_space<vmem>>, vector<1x1x16xf32>,
        %swap3A_171 = vector.shape_cast %swap3A_170 : vector<1x1x16xf32> to vector<16xf32>
        %swap3A_172 = vector.shape_cast %max3A_165 : vector<16xf32> to vector<1x1x16xf32>
        tpu.vector_store %arg8[%swap3A_167, %swap3A_168, %swap3A_169], %swap3A_172 {strides = array<i32>} : memref<3x128x128xf32, #tpu.memory_space<vmem>>, vector<1x1x16xf32>,
        %get3A_173 = arith.constant 0 : i32
        %get3A_174 = arith.index_cast %get3A_173 : i32 to index
        %get3A_175 = arith.index_cast %scan3A_63 : i32 to index
        %get3A_176 = arith.constant 112 : index
        %get3A_177 = tpu.vector_load %arg8[%get3A_174, %get3A_175, %get3A_176] {strides = array<i32>} : memref<3x128x128xf32, #tpu.memory_space<vmem>>, vector<1x1x16xf32>,
        %get3A_178 = vector.shape_cast %get3A_177 : vector<1x1x16xf32> to vector<16xf32>
        %max3A_179 = arith.constant 0.000000e+00 : f32
        %max3A_180 = vector.broadcast %max3A_179 : f32 to vector<16xf32>
        %max3A_181 = arith.maximumf %get3A_178, %max3A_180 : vector<16xf32>
        %swap3A_182 = arith.constant 0 : i32
        %swap3A_183 = arith.index_cast %swap3A_182 : i32 to index
        %swap3A_184 = arith.index_cast %scan3A_63 : i32 to index
        %swap3A_185 = arith.constant 112 : index
        %swap3A_186 = tpu.vector_load %arg8[%swap3A_183, %swap3A_184, %swap3A_185] {strides = array<i32>} : memref<3x128x128xf32, #tpu.memory_space<vmem>>, vector<1x1x16xf32>,
        %swap3A_187 = vector.shape_cast %swap3A_186 : vector<1x1x16xf32> to vector<16xf32>
        %swap3A_188 = vector.shape_cast %max3A_181 : vector<16xf32> to vector<1x1x16xf32>
        tpu.vector_store %arg8[%swap3A_183, %swap3A_184, %swap3A_185], %swap3A_188 {strides = array<i32>} : memref<3x128x128xf32, #tpu.memory_space<vmem>>, vector<1x1x16xf32>,
      }
      %scan3A_59 = arith.constant 128 : i32
      %run_scoped3A_60 = arith.constant 0 : i32
      %run_scoped3A_61 = arith.constant 0 : i32
      %run_scoped3A_62 = arith.constant 1 : i32
      "tpu.region"() ({
        %run_scoped3A_63 = tpu.sem_alloc : memref<!tpu.dma_semaphore, #tpu.memory_space<semaphore_mem>>
        %dma_start3A_64 = arith.constant 0 : i32
        %dma_start3A_65 = arith.constant 0 : i32
        %dma_start3A_66 = tpu.memref_slice %arg8[%run_scoped3A_60, %dma_start3A_64, %dma_start3A_65] : memref<3x128x128xf32, #tpu.memory_space<vmem>> -> memref<1x128x128xf32, #tpu.memory_space<vmem>>
        %dma_start3A_67 = tpu.memref_squeeze %dma_start3A_66 : memref<1x128x128xf32, #tpu.memory_space<vmem>> -> memref<128x128xf32, #tpu.memory_space<vmem>>
        %dma_start3A_68 = arith.constant 0 : i32
        %dma_start3A_69 = tpu.memref_slice %arg7[%run_scoped3A_61, %run_scoped3A_62, %dma_start3A_68] : memref<6x2x128xi32, #tpu.memory_space<vmem>> -> memref<1x1x128xi32, #tpu.memory_space<vmem>>
        %dma_start3A_70 = tpu.memref_squeeze %dma_start3A_69 : memref<1x1x128xi32, #tpu.memory_space<vmem>> -> memref<128xi32, #tpu.memory_space<vmem>>
        %dma_start3A_71 = arith.constant 0 : i32
        %dma_start3A_72 = arith.constant 0 : i32
        %dma_start3A_73 = tpu.memref_slice %arg9[%dma_start3A_71, %dma_start3A_72] : memref<10000x128xf32, #tpu.memory_space<vmem_shared>> -> memref<10000x128xf32, #tpu.memory_space<vmem_shared>>
        tpu.enqueue_indirect_dma source(%dma_start3A_67 : memref<128x128xf32, #tpu.memory_space<vmem>>) target(%dma_start3A_73 : memref<10000x128xf32, #tpu.memory_space<vmem_shared>>) offsets(%dma_start3A_70 : memref<128xi32, #tpu.memory_space<vmem>>) semaphore(%run_scoped3A_63 : memref<!tpu.dma_semaphore, #tpu.memory_space<semaphore_mem>>) {add = true}
        %dma_wait3A_74 = arith.constant 0 : i32
        %dma_wait3A_75 = arith.constant 0 : i32
        %dma_wait3A_76 = tpu.memref_slice %arg8[%run_scoped3A_60, %dma_wait3A_74, %dma_wait3A_75] : memref<3x128x128xf32, #tpu.memory_space<vmem>> -> memref<1x128x128xf32, #tpu.memory_space<vmem>>
        %dma_wait3A_77 = tpu.memref_squeeze %dma_wait3A_76 : memref<1x128x128xf32, #tpu.memory_space<vmem>> -> memref<128x128xf32, #tpu.memory_space<vmem>>
        %dma_wait3A_78 = arith.constant 0 : i32
        %dma_wait3A_79 = tpu.memref_slice %arg7[%run_scoped3A_61, %run_scoped3A_62, %dma_wait3A_78] : memref<6x2x128xi32, #tpu.memory_space<vmem>> -> memref<1x1x128xi32, #tpu.memory_space<vmem>>
        %dma_wait3A_80 = tpu.memref_squeeze %dma_wait3A_79 : memref<1x1x128xi32, #tpu.memory_space<vmem>> -> memref<128xi32, #tpu.memory_space<vmem>>
        %dma_wait3A_81 = arith.constant 0 : i32
        %dma_wait3A_82 = arith.constant 0 : i32
        %dma_wait3A_83 = tpu.memref_slice %arg9[%dma_wait3A_81, %dma_wait3A_82] : memref<10000x128xf32, #tpu.memory_space<vmem_shared>> -> memref<10000x128xf32, #tpu.memory_space<vmem_shared>>
        tpu.wait_indirect_dma semaphore(%run_scoped3A_63 : memref<!tpu.dma_semaphore, #tpu.memory_space<semaphore_mem>>) src(%dma_wait3A_77 : memref<128x128xf32, #tpu.memory_space<vmem>>) dst(%dma_wait3A_83 : memref<10000x128xf32, #tpu.memory_space<vmem_shared>>)
        tpu.yield
      }) : () -> ()
    }
    %scan3A_13 = arith.constant 84 : i32
    %barrier3A_14 = arith.constant 0 : index
    tpu.barrier barrier_id(%barrier3A_14)
    %lt3A_15 = arith.constant 15 : i32
    %lt3A_16 = arith.cmpi slt, %arg1, %lt3A_15 : i32
    %convert_element_type3A_17 = arith.extui %lt3A_16 : i1 to i32
    %cond3A_18 = arith.constant 0 : i32
    %cond3A_19 = arith.cmpi ne, %convert_element_type3A_17, %cond3A_18 : i32
    scf.if %cond3A_19 {
      "tpu.region"() ({
        %run_scoped3A = tpu.sem_alloc : memref<!tpu.dma_semaphore, #tpu.memory_space<semaphore_mem>>
        %dma_start3A = arith.constant 0 : i32
        %dma_start3A_25 = tpu.memref_slice %arg6[%arg0, %multiple_of3A, %dma_start3A] : memref<2x10000x128xf32, #tpu.memory_space<hbm>> -> memref<1x632x128xf32, #tpu.memory_space<hbm>>
        %dma_start3A_26 = tpu.memref_squeeze %dma_start3A_25 : memref<1x632x128xf32, #tpu.memory_space<hbm>> -> memref<632x128xf32, #tpu.memory_space<hbm>>
        %dma_start3A_27 = arith.constant 0 : i32
        %dma_start3A_28 = tpu.memref_slice %arg9[%multiple_of3A, %dma_start3A_27] : memref<10000x128xf32, #tpu.memory_space<vmem_shared>> -> memref<632x128xf32, #tpu.memory_space<vmem_shared>>
        tpu.enqueue_dma source(%dma_start3A_28 : memref<632x128xf32, #tpu.memory_space<vmem_shared>>) target(%dma_start3A_26 : memref<632x128xf32, #tpu.memory_space<hbm>>) target_semaphore(%run_scoped3A : memref<!tpu.dma_semaphore, #tpu.memory_space<semaphore_mem>>)
        %dma_wait3A = arith.constant 0 : i32
        %dma_wait3A_29 = tpu.memref_slice %arg6[%arg0, %multiple_of3A, %dma_wait3A] : memref<2x10000x128xf32, #tpu.memory_space<hbm>> -> memref<1x632x128xf32, #tpu.memory_space<hbm>>
        %dma_wait3A_30 = tpu.memref_squeeze %dma_wait3A_29 : memref<1x632x128xf32, #tpu.memory_space<hbm>> -> memref<632x128xf32, #tpu.memory_space<hbm>>
        %dma_wait3A_31 = arith.constant 0 : i32
        %dma_wait3A_32 = tpu.memref_slice %arg9[%multiple_of3A, %dma_wait3A_31] : memref<10000x128xf32, #tpu.memory_space<vmem_shared>> -> memref<632x128xf32, #tpu.memory_space<vmem_shared>>
        tpu.wait_dma2 semaphore(%run_scoped3A : memref<!tpu.dma_semaphore, #tpu.memory_space<semaphore_mem>>) src(%dma_wait3A_32 : memref<632x128xf32, #tpu.memory_space<vmem_shared>>) dst(%dma_wait3A_30 : memref<632x128xf32, #tpu.memory_space<hbm>>)
        tpu.yield
      }) : () -> ()
    } else {
    }
    %eq3A_20 = arith.constant 15 : i32
    %eq3A_21 = arith.cmpi eq, %arg1, %eq3A_20 : i32
    %convert_element_type3A_22 = arith.extui %eq3A_21 : i1 to i32
    %cond3A_23 = arith.constant 0 : i32
    %cond3A_24 = arith.cmpi ne, %convert_element_type3A_22, %cond3A_23 : i32
    scf.if %cond3A_24 {
      "tpu.region"() ({
        %run_scoped3A = tpu.sem_alloc : memref<!tpu.dma_semaphore, #tpu.memory_space<semaphore_mem>>
        %dma_start3A = arith.constant 0 : i32
        %dma_start3A_25 = tpu.memref_slice %arg6[%arg0, %multiple_of3A, %dma_start3A] : memref<2x10000x128xf32, #tpu.memory_space<hbm>> -> memref<1x520x128xf32, #tpu.memory_space<hbm>>
        %dma_start3A_26 = tpu.memref_squeeze %dma_start3A_25 : memref<1x520x128xf32, #tpu.memory_space<hbm>> -> memref<520x128xf32, #tpu.memory_space<hbm>>
        %dma_start3A_27 = arith.constant 0 : i32
        %dma_start3A_28 = tpu.memref_slice %arg9[%multiple_of3A, %dma_start3A_27] : memref<10000x128xf32, #tpu.memory_space<vmem_shared>> -> memref<520x128xf32, #tpu.memory_space<vmem_shared>>
        tpu.enqueue_dma source(%dma_start3A_28 : memref<520x128xf32, #tpu.memory_space<vmem_shared>>) target(%dma_start3A_26 : memref<520x128xf32, #tpu.memory_space<hbm>>) target_semaphore(%run_scoped3A : memref<!tpu.dma_semaphore, #tpu.memory_space<semaphore_mem>>)
        %dma_wait3A = arith.constant 0 : i32
        %dma_wait3A_29 = tpu.memref_slice %arg6[%arg0, %multiple_of3A, %dma_wait3A] : memref<2x10000x128xf32, #tpu.memory_space<hbm>> -> memref<1x520x128xf32, #tpu.memory_space<hbm>>
        %dma_wait3A_30 = tpu.memref_squeeze %dma_wait3A_29 : memref<1x520x128xf32, #tpu.memory_space<hbm>> -> memref<520x128xf32, #tpu.memory_space<hbm>>
        %dma_wait3A_31 = arith.constant 0 : i32
        %dma_wait3A_32 = tpu.memref_slice %arg9[%multiple_of3A, %dma_wait3A_31] : memref<10000x128xf32, #tpu.memory_space<vmem_shared>> -> memref<520x128xf32, #tpu.memory_space<vmem_shared>>
        tpu.wait_dma2 semaphore(%run_scoped3A : memref<!tpu.dma_semaphore, #tpu.memory_space<semaphore_mem>>) src(%dma_wait3A_32 : memref<520x128xf32, #tpu.memory_space<vmem_shared>>) dst(%dma_wait3A_30 : memref<520x128xf32, #tpu.memory_space<hbm>>)
        tpu.yield
      }) : () -> ()
    } else {
    }
    return
  }
}

#map = affine_map<(d0, d1) -> (0, 0)>
#map1 = affine_map<(d0, d1) -> (0, 0, 0)>
module attributes {stable_mosaic.version = 14 : i64} {
  func.func @_edge_agg_sc(%arg0: i32, %arg1: i32, %arg2: memref<10000x128xf32, #tpu.memory_space<hbm>>, %arg3: memref<2688x128x128xf32, #tpu.memory_space<hbm>>, %arg4: memref<2688x2x128xi32, #tpu.memory_space<hbm>>, %arg5: memref<10000x128xf32, #tpu.memory_space<hbm>>, %arg6: memref<2x10000x128xf32, #tpu.memory_space<hbm>>, %arg7: memref<6x2x128xi32, #tpu.memory_space<vmem>>, %arg8: memref<3x128x128xf32, #tpu.memory_space<vmem>>, %arg9: memref<10000x128xf32, #tpu.memory_space<vmem_shared>>, %arg10: memref<!tpu.dma_semaphore, #tpu.memory_space<semaphore_mem>>, %arg11: memref<!tpu.dma_semaphore, #tpu.memory_space<semaphore_mem>>, %arg12: memref<!tpu.dma_semaphore, #tpu.memory_space<semaphore_mem>>, %arg13: memref<!tpu.dma_semaphore, #tpu.memory_space<semaphore_mem>>, %arg14: memref<!tpu.dma_semaphore, #tpu.memory_space<semaphore_mem>>, %arg15: memref<!tpu.dma_semaphore, #tpu.memory_space<semaphore_mem>>, %arg16: memref<!tpu.dma_semaphore, #tpu.memory_space<semaphore_mem>>, %arg17: memref<!tpu.dma_semaphore, #tpu.memory_space<semaphore_mem>>, %arg18: memref<!tpu.dma_semaphore, #tpu.memory_space<semaphore_mem>>, %arg19: memref<!tpu.dma_semaphore, #tpu.memory_space<semaphore_mem>>, %arg20: memref<!tpu.dma_semaphore, #tpu.memory_space<semaphore_mem>>, %arg21: memref<!tpu.dma_semaphore, #tpu.memory_space<semaphore_mem>>, %arg22: memref<!tpu.dma_semaphore, #tpu.memory_space<semaphore_mem>>, %arg23: memref<!tpu.dma_semaphore, #tpu.memory_space<semaphore_mem>>, %arg24: memref<!tpu.dma_semaphore, #tpu.memory_space<semaphore_mem>>) attributes {dimension_semantics = [#tpu.dimension_semantics<core_parallel>, #tpu.dimension_semantics<subcore_parallel>], iteration_bounds = array<i64: 2, 16>, scalar_prefetch = 0 : i64, scratch_operands = 18 : i64, tpu.core_type = #tpu.core_type<sc_vector_subcore>, window_params = [{transform_indices = #map}, {transform_indices = #map1}, {transform_indices = #map1}, {transform_indices = #map}, {transform_indices = #map1}]} {
    %mul3A = arith.constant 2 : i32
    %mul3A_0 = arith.muli %arg1, %mul3A : i32
    %add3A = arith.addi %mul3A_0, %arg0 : i32
    %mul3A_1 = arith.constant 632 : i32
    %mul3A_2 = arith.muli %arg1, %mul3A_1 : i32
    %multiple_of3A = tpu.assume_multiple %mul3A_2, 8 : i32
    %lt3A = arith.constant 15 : i32
    %lt3A_3 = arith.cmpi slt, %arg1, %lt3A : i32
    %convert_element_type3A = arith.extui %lt3A_3 : i1 to i32
    %cond3A = arith.constant 0 : i32
    %cond3A_4 = arith.cmpi ne, %convert_element_type3A, %cond3A : i32
    scf.if %cond3A_4 {
      "tpu.region"() ({
        %run_scoped3A = tpu.sem_alloc : memref<!tpu.dma_semaphore, #tpu.memory_space<semaphore_mem>>
        %dma_start3A = arith.constant 0 : i32
        %dma_start3A_25 = tpu.memref_slice %arg9[%multiple_of3A, %dma_start3A] : memref<10000x128xf32, #tpu.memory_space<vmem_shared>> -> memref<632x128xf32, #tpu.memory_space<vmem_shared>>
        %dma_start3A_26 = arith.constant 0 : i32
        %dma_start3A_27 = tpu.memref_slice %arg5[%multiple_of3A, %dma_start3A_26] : memref<10000x128xf32, #tpu.memory_space<hbm>> -> memref<632x128xf32, #tpu.memory_space<hbm>>
        tpu.enqueue_dma source(%dma_start3A_27 : memref<632x128xf32, #tpu.memory_space<hbm>>) target(%dma_start3A_25 : memref<632x128xf32, #tpu.memory_space<vmem_shared>>) target_semaphore(%run_scoped3A : memref<!tpu.dma_semaphore, #tpu.memory_space<semaphore_mem>>)
        %dma_wait3A = arith.constant 0 : i32
        %dma_wait3A_28 = tpu.memref_slice %arg9[%multiple_of3A, %dma_wait3A] : memref<10000x128xf32, #tpu.memory_space<vmem_shared>> -> memref<632x128xf32, #tpu.memory_space<vmem_shared>>
        %dma_wait3A_29 = arith.constant 0 : i32
        %dma_wait3A_30 = tpu.memref_slice %arg5[%multiple_of3A, %dma_wait3A_29] : memref<10000x128xf32, #tpu.memory_space<hbm>> -> memref<632x128xf32, #tpu.memory_space<hbm>>
        tpu.wait_dma2 semaphore(%run_scoped3A : memref<!tpu.dma_semaphore, #tpu.memory_space<semaphore_mem>>) src(%dma_wait3A_30 : memref<632x128xf32, #tpu.memory_space<hbm>>) dst(%dma_wait3A_28 : memref<632x128xf32, #tpu.memory_space<vmem_shared>>)
        tpu.yield
      }) : () -> ()
    } else {
    }
    %eq3A = arith.constant 15 : i32
    %eq3A_5 = arith.cmpi eq, %arg1, %eq3A : i32
    %convert_element_type3A_6 = arith.extui %eq3A_5 : i1 to i32
    %cond3A_7 = arith.constant 0 : i32
    %cond3A_8 = arith.cmpi ne, %convert_element_type3A_6, %cond3A_7 : i32
    scf.if %cond3A_8 {
      "tpu.region"() ({
        %run_scoped3A = tpu.sem_alloc : memref<!tpu.dma_semaphore, #tpu.memory_space<semaphore_mem>>
        %dma_start3A = arith.constant 0 : i32
        %dma_start3A_25 = tpu.memref_slice %arg9[%multiple_of3A, %dma_start3A] : memref<10000x128xf32, #tpu.memory_space<vmem_shared>> -> memref<520x128xf32, #tpu.memory_space<vmem_shared>>
        %dma_start3A_26 = arith.constant 0 : i32
        %dma_start3A_27 = tpu.memref_slice %arg5[%multiple_of3A, %dma_start3A_26] : memref<10000x128xf32, #tpu.memory_space<hbm>> -> memref<520x128xf32, #tpu.memory_space<hbm>>
        tpu.enqueue_dma source(%dma_start3A_27 : memref<520x128xf32, #tpu.memory_space<hbm>>) target(%dma_start3A_25 : memref<520x128xf32, #tpu.memory_space<vmem_shared>>) target_semaphore(%run_scoped3A : memref<!tpu.dma_semaphore, #tpu.memory_space<semaphore_mem>>)
        %dma_wait3A = arith.constant 0 : i32
        %dma_wait3A_28 = tpu.memref_slice %arg9[%multiple_of3A, %dma_wait3A] : memref<10000x128xf32, #tpu.memory_space<vmem_shared>> -> memref<520x128xf32, #tpu.memory_space<vmem_shared>>
        %dma_wait3A_29 = arith.constant 0 : i32
        %dma_wait3A_30 = tpu.memref_slice %arg5[%multiple_of3A, %dma_wait3A_29] : memref<10000x128xf32, #tpu.memory_space<hbm>> -> memref<520x128xf32, #tpu.memory_space<hbm>>
        tpu.wait_dma2 semaphore(%run_scoped3A : memref<!tpu.dma_semaphore, #tpu.memory_space<semaphore_mem>>) src(%dma_wait3A_30 : memref<520x128xf32, #tpu.memory_space<hbm>>) dst(%dma_wait3A_28 : memref<520x128xf32, #tpu.memory_space<vmem_shared>>)
        tpu.yield
      }) : () -> ()
    } else {
    }
    %barrier3A = arith.constant 0 : index
    tpu.barrier barrier_id(%barrier3A)
    %scan3A = arith.constant 0 : i32
    %scan3A_9 = arith.constant 0 : i32
    %scan3A_10 = arith.constant 84 : i32
    %scan3A_11 = arith.addi %scan3A_9, %scan3A_10 : i32
    %scan3A_12 = arith.constant 1 : i32
    scf.for %scan3A_25 = %scan3A_9 to %scan3A_11 step %scan3A_12  : i32 {
      %mul3A_26 = arith.constant 32 : i32
      %mul3A_27 = arith.muli %scan3A_25, %mul3A_26 : i32
      %add3A_28 = arith.addi %mul3A_27, %add3A : i32
      %run_scoped3A = arith.constant 0 : i32
      "tpu.region"() ({
        %run_scoped3A_63 = tpu.sem_alloc : memref<!tpu.dma_semaphore, #tpu.memory_space<semaphore_mem>>
        %dma_start3A_64 = arith.constant 0 : i32
        %dma_start3A_65 = arith.constant 0 : i32
        %dma_start3A_66 = tpu.memref_slice %arg7[%run_scoped3A, %dma_start3A_64, %dma_start3A_65] : memref<6x2x128xi32, #tpu.memory_space<vmem>> -> memref<1x2x128xi32, #tpu.memory_space<vmem>>
        %dma_start3A_67 = tpu.memref_squeeze %dma_start3A_66 : memref<1x2x128xi32, #tpu.memory_space<vmem>> -> memref<2x128xi32, #tpu.memory_space<vmem>>
        %dma_start3A_68 = arith.constant 0 : i32
        %dma_start3A_69 = arith.constant 0 : i32
        %dma_start3A_70 = tpu.memref_slice %arg4[%add3A_28, %dma_start3A_68, %dma_start3A_69] : memref<2688x2x128xi32, #tpu.memory_space<hbm>> -> memref<1x2x128xi32, #tpu.memory_space<hbm>>
        %dma_start3A_71 = tpu.memref_squeeze %dma_start3A_70 : memref<1x2x128xi32, #tpu.memory_space<hbm>> -> memref<2x128xi32, #tpu.memory_space<hbm>>
        %dma_start3A_72 = arith.constant 0 : i32
        %dma_start3A_73 = arith.constant 0 : i32
        %dma_start3A_74 = tpu.memref_slice %arg7[%run_scoped3A, %dma_start3A_72, %dma_start3A_73] : memref<6x2x128xi32, #tpu.memory_space<vmem>> -> memref<1x2x128xi32, #tpu.memory_space<vmem>>
        %dma_start3A_75 = tpu.memref_squeeze %dma_start3A_74 : memref<1x2x128xi32, #tpu.memory_space<vmem>> -> memref<2x128xi32, #tpu.memory_space<vmem>>
        %dma_start3A_76 = arith.constant 0 : i32
        %dma_start3A_77 = arith.constant 0 : i32
        %dma_start3A_78 = tpu.memref_slice %arg4[%add3A_28, %dma_start3A_76, %dma_start3A_77] : memref<2688x2x128xi32, #tpu.memory_space<hbm>> -> memref<1x2x128xi32, #tpu.memory_space<hbm>>
        %dma_start3A_79 = tpu.memref_squeeze %dma_start3A_78 : memref<1x2x128xi32, #tpu.memory_space<hbm>> -> memref<2x128xi32, #tpu.memory_space<hbm>>
        tpu.enqueue_dma source(%dma_start3A_79 : memref<2x128xi32, #tpu.memory_space<hbm>>) target(%dma_start3A_75 : memref<2x128xi32, #tpu.memory_space<vmem>>) target_semaphore(%run_scoped3A_63 : memref<!tpu.dma_semaphore, #tpu.memory_space<semaphore_mem>>)
        %dma_wait3A_80 = arith.constant 0 : i32
        %dma_wait3A_81 = arith.constant 0 : i32
        %dma_wait3A_82 = tpu.memref_slice %arg7[%run_scoped3A, %dma_wait3A_80, %dma_wait3A_81] : memref<6x2x128xi32, #tpu.memory_space<vmem>> -> memref<1x2x128xi32, #tpu.memory_space<vmem>>
        %dma_wait3A_83 = tpu.memref_squeeze %dma_wait3A_82 : memref<1x2x128xi32, #tpu.memory_space<vmem>> -> memref<2x128xi32, #tpu.memory_space<vmem>>
        %dma_wait3A_84 = arith.constant 0 : i32
        %dma_wait3A_85 = arith.constant 0 : i32
        %dma_wait3A_86 = tpu.memref_slice %arg4[%add3A_28, %dma_wait3A_84, %dma_wait3A_85] : memref<2688x2x128xi32, #tpu.memory_space<hbm>> -> memref<1x2x128xi32, #tpu.memory_space<hbm>>
        %dma_wait3A_87 = tpu.memref_squeeze %dma_wait3A_86 : memref<1x2x128xi32, #tpu.memory_space<hbm>> -> memref<2x128xi32, #tpu.memory_space<hbm>>
        %dma_wait3A_88 = arith.constant 0 : i32
        %dma_wait3A_89 = arith.constant 0 : i32
        %dma_wait3A_90 = tpu.memref_slice %arg7[%run_scoped3A, %dma_wait3A_88, %dma_wait3A_89] : memref<6x2x128xi32, #tpu.memory_space<vmem>> -> memref<1x2x128xi32, #tpu.memory_space<vmem>>
        %dma_wait3A_91 = tpu.memref_squeeze %dma_wait3A_90 : memref<1x2x128xi32, #tpu.memory_space<vmem>> -> memref<2x128xi32, #tpu.memory_space<vmem>>
        %dma_wait3A_92 = arith.constant 0 : i32
        %dma_wait3A_93 = arith.constant 0 : i32
        %dma_wait3A_94 = tpu.memref_slice %arg4[%add3A_28, %dma_wait3A_92, %dma_wait3A_93] : memref<2688x2x128xi32, #tpu.memory_space<hbm>> -> memref<1x2x128xi32, #tpu.memory_space<hbm>>
        %dma_wait3A_95 = tpu.memref_squeeze %dma_wait3A_94 : memref<1x2x128xi32, #tpu.memory_space<hbm>> -> memref<2x128xi32, #tpu.memory_space<hbm>>
        tpu.wait_dma2 semaphore(%run_scoped3A_63 : memref<!tpu.dma_semaphore, #tpu.memory_space<semaphore_mem>>) src(%dma_wait3A_95 : memref<2x128xi32, #tpu.memory_space<hbm>>) dst(%dma_wait3A_91 : memref<2x128xi32, #tpu.memory_space<vmem>>)
        tpu.yield
      }) : () -> ()
      %run_scoped3A_29 = arith.constant 0 : i32
      "tpu.region"() ({
        %run_scoped3A_63 = tpu.sem_alloc : memref<!tpu.dma_semaphore, #tpu.memory_space<semaphore_mem>>
        %dma_start3A_64 = arith.constant 0 : i32
        %dma_start3A_65 = arith.constant 0 : i32
        %dma_start3A_66 = tpu.memref_slice %arg8[%run_scoped3A_29, %dma_start3A_64, %dma_start3A_65] : memref<3x128x128xf32, #tpu.memory_space<vmem>> -> memref<1x128x128xf32, #tpu.memory_space<vmem>>
        %dma_start3A_67 = tpu.memref_squeeze %dma_start3A_66 : memref<1x128x128xf32, #tpu.memory_space<vmem>> -> memref<128x128xf32, #tpu.memory_space<vmem>>
        %dma_start3A_68 = arith.constant 0 : i32
        %dma_start3A_69 = arith.constant 0 : i32
        %dma_start3A_70 = tpu.memref_slice %arg3[%add3A_28, %dma_start3A_68, %dma_start3A_69] : memref<2688x128x128xf32, #tpu.memory_space<hbm>> -> memref<1x128x128xf32, #tpu.memory_space<hbm>>
        %dma_start3A_71 = tpu.memref_squeeze %dma_start3A_70 : memref<1x128x128xf32, #tpu.memory_space<hbm>> -> memref<128x128xf32, #tpu.memory_space<hbm>>
        %dma_start3A_72 = arith.constant 0 : i32
        %dma_start3A_73 = arith.constant 0 : i32
        %dma_start3A_74 = tpu.memref_slice %arg8[%run_scoped3A_29, %dma_start3A_72, %dma_start3A_73] : memref<3x128x128xf32, #tpu.memory_space<vmem>> -> memref<1x128x128xf32, #tpu.memory_space<vmem>>
        %dma_start3A_75 = tpu.memref_squeeze %dma_start3A_74 : memref<1x128x128xf32, #tpu.memory_space<vmem>> -> memref<128x128xf32, #tpu.memory_space<vmem>>
        %dma_start3A_76 = arith.constant 0 : i32
        %dma_start3A_77 = arith.constant 0 : i32
        %dma_start3A_78 = tpu.memref_slice %arg3[%add3A_28, %dma_start3A_76, %dma_start3A_77] : memref<2688x128x128xf32, #tpu.memory_space<hbm>> -> memref<1x128x128xf32, #tpu.memory_space<hbm>>
        %dma_start3A_79 = tpu.memref_squeeze %dma_start3A_78 : memref<1x128x128xf32, #tpu.memory_space<hbm>> -> memref<128x128xf32, #tpu.memory_space<hbm>>
        tpu.enqueue_dma source(%dma_start3A_79 : memref<128x128xf32, #tpu.memory_space<hbm>>) target(%dma_start3A_75 : memref<128x128xf32, #tpu.memory_space<vmem>>) target_semaphore(%run_scoped3A_63 : memref<!tpu.dma_semaphore, #tpu.memory_space<semaphore_mem>>)
        %dma_wait3A_80 = arith.constant 0 : i32
        %dma_wait3A_81 = arith.constant 0 : i32
        %dma_wait3A_82 = tpu.memref_slice %arg8[%run_scoped3A_29, %dma_wait3A_80, %dma_wait3A_81] : memref<3x128x128xf32, #tpu.memory_space<vmem>> -> memref<1x128x128xf32, #tpu.memory_space<vmem>>
        %dma_wait3A_83 = tpu.memref_squeeze %dma_wait3A_82 : memref<1x128x128xf32, #tpu.memory_space<vmem>> -> memref<128x128xf32, #tpu.memory_space<vmem>>
        %dma_wait3A_84 = arith.constant 0 : i32
        %dma_wait3A_85 = arith.constant 0 : i32
        %dma_wait3A_86 = tpu.memref_slice %arg3[%add3A_28, %dma_wait3A_84, %dma_wait3A_85] : memref<2688x128x128xf32, #tpu.memory_space<hbm>> -> memref<1x128x128xf32, #tpu.memory_space<hbm>>
        %dma_wait3A_87 = tpu.memref_squeeze %dma_wait3A_86 : memref<1x128x128xf32, #tpu.memory_space<hbm>> -> memref<128x128xf32, #tpu.memory_space<hbm>>
        %dma_wait3A_88 = arith.constant 0 : i32
        %dma_wait3A_89 = arith.constant 0 : i32
        %dma_wait3A_90 = tpu.memref_slice %arg8[%run_scoped3A_29, %dma_wait3A_88, %dma_wait3A_89] : memref<3x128x128xf32, #tpu.memory_space<vmem>> -> memref<1x128x128xf32, #tpu.memory_space<vmem>>
        %dma_wait3A_91 = tpu.memref_squeeze %dma_wait3A_90 : memref<1x128x128xf32, #tpu.memory_space<vmem>> -> memref<128x128xf32, #tpu.memory_space<vmem>>
        %dma_wait3A_92 = arith.constant 0 : i32
        %dma_wait3A_93 = arith.constant 0 : i32
        %dma_wait3A_94 = tpu.memref_slice %arg3[%add3A_28, %dma_wait3A_92, %dma_wait3A_93] : memref<2688x128x128xf32, #tpu.memory_space<hbm>> -> memref<1x128x128xf32, #tpu.memory_space<hbm>>
        %dma_wait3A_95 = tpu.memref_squeeze %dma_wait3A_94 : memref<1x128x128xf32, #tpu.memory_space<hbm>> -> memref<128x128xf32, #tpu.memory_space<hbm>>
        tpu.wait_dma2 semaphore(%run_scoped3A_63 : memref<!tpu.dma_semaphore, #tpu.memory_space<semaphore_mem>>) src(%dma_wait3A_95 : memref<128x128xf32, #tpu.memory_space<hbm>>) dst(%dma_wait3A_91 : memref<128x128xf32, #tpu.memory_space<vmem>>)
        tpu.yield
      }) : () -> ()
      %dma_start3A = arith.constant 0 : i32
      %dma_start3A_30 = arith.constant 0 : i32
      %dma_start3A_31 = arith.constant 0 : i32
      %dma_start3A_32 = arith.constant 0 : i32
      %dma_start3A_33 = arith.constant 0 : i32
      %dma_start3A_34 = tpu.memref_slice %arg8[%dma_start3A_31, %dma_start3A_32, %dma_start3A_33] : memref<3x128x128xf32, #tpu.memory_space<vmem>> -> memref<1x128x128xf32, #tpu.memory_space<vmem>>
      %dma_start3A_35 = tpu.memref_squeeze %dma_start3A_34 : memref<1x128x128xf32, #tpu.memory_space<vmem>> -> memref<128x128xf32, #tpu.memory_space<vmem>>
      %dma_start3A_36 = arith.constant 0 : i32
      %dma_start3A_37 = tpu.memref_slice %arg7[%dma_start3A, %dma_start3A_30, %dma_start3A_36] : memref<6x2x128xi32, #tpu.memory_space<vmem>> -> memref<1x1x128xi32, #tpu.memory_space<vmem>>
      %dma_start3A_38 = tpu.memref_squeeze %dma_start3A_37 : memref<1x1x128xi32, #tpu.memory_space<vmem>> -> memref<128xi32, #tpu.memory_space<vmem>>
      %dma_start3A_39 = arith.constant 0 : i32
      %dma_start3A_40 = arith.constant 0 : i32
      %dma_start3A_41 = tpu.memref_slice %arg2[%dma_start3A_39, %dma_start3A_40] : memref<10000x128xf32, #tpu.memory_space<hbm>> -> memref<10000x128xf32, #tpu.memory_space<hbm>>
      tpu.enqueue_indirect_dma source(%dma_start3A_41 : memref<10000x128xf32, #tpu.memory_space<hbm>>) target(%dma_start3A_35 : memref<128x128xf32, #tpu.memory_space<vmem>>) offsets(%dma_start3A_38 : memref<128xi32, #tpu.memory_space<vmem>>) semaphore(%arg10 : memref<!tpu.dma_semaphore, #tpu.memory_space<semaphore_mem>>) {add = true}
      %dma_wait3A = arith.constant 0 : i32
      %dma_wait3A_42 = arith.constant 0 : i32
      %dma_wait3A_43 = arith.constant 0 : i32
      %dma_wait3A_44 = arith.constant 0 : i32
      %dma_wait3A_45 = arith.constant 0 : i32
      %dma_wait3A_46 = tpu.memref_slice %arg8[%dma_wait3A_43, %dma_wait3A_44, %dma_wait3A_45] : memref<3x128x128xf32, #tpu.memory_space<vmem>> -> memref<1x128x128xf32, #tpu.memory_space<vmem>>
      %dma_wait3A_47 = tpu.memref_squeeze %dma_wait3A_46 : memref<1x128x128xf32, #tpu.memory_space<vmem>> -> memref<128x128xf32, #tpu.memory_space<vmem>>
      %dma_wait3A_48 = arith.constant 0 : i32
      %dma_wait3A_49 = tpu.memref_slice %arg7[%dma_wait3A, %dma_wait3A_42, %dma_wait3A_48] : memref<6x2x128xi32, #tpu.memory_space<vmem>> -> memref<1x1x128xi32, #tpu.memory_space<vmem>>
      %dma_wait3A_50 = tpu.memref_squeeze %dma_wait3A_49 : memref<1x1x128xi32, #tpu.memory_space<vmem>> -> memref<128xi32, #tpu.memory_space<vmem>>
      %dma_wait3A_51 = arith.constant 0 : i32
      %dma_wait3A_52 = arith.constant 0 : i32
      %dma_wait3A_53 = tpu.memref_slice %arg2[%dma_wait3A_51, %dma_wait3A_52] : memref<10000x128xf32, #tpu.memory_space<hbm>> -> memref<10000x128xf32, #tpu.memory_space<hbm>>
      tpu.wait_indirect_dma semaphore(%arg10 : memref<!tpu.dma_semaphore, #tpu.memory_space<semaphore_mem>>) src(%dma_wait3A_53 : memref<10000x128xf32, #tpu.memory_space<hbm>>) dst(%dma_wait3A_47 : memref<128x128xf32, #tpu.memory_space<vmem>>)
      %scan3A_54 = arith.constant 0 : i32
      %scan3A_55 = arith.constant 0 : i32
      %scan3A_56 = arith.constant 128 : i32
      %scan3A_57 = arith.addi %scan3A_55, %scan3A_56 : i32
      %scan3A_58 = arith.constant 1 : i32
      scf.for %scan3A_63 = %scan3A_55 to %scan3A_57 step %scan3A_58  : i32 {
        %get3A = arith.constant 0 : i32
        %get3A_64 = arith.index_cast %get3A : i32 to index
        %get3A_65 = arith.index_cast %scan3A_63 : i32 to index
        %get3A_66 = arith.constant 0 : index
        %get3A_67 = tpu.vector_load %arg8[%get3A_64, %get3A_65, %get3A_66] {strides = array<i32>} : memref<3x128x128xf32, #tpu.memory_space<vmem>>, vector<1x1x16xf32>,
        %get3A_68 = vector.shape_cast %get3A_67 : vector<1x1x16xf32> to vector<16xf32>
        %max3A = arith.constant 0.000000e+00 : f32
        %max3A_69 = vector.broadcast %max3A : f32 to vector<16xf32>
        %max3A_70 = arith.maximumf %get3A_68, %max3A_69 : vector<16xf32>
        %swap3A = arith.constant 0 : i32
        %swap3A_71 = arith.index_cast %swap3A : i32 to index
        %swap3A_72 = arith.index_cast %scan3A_63 : i32 to index
        %swap3A_73 = arith.constant 0 : index
        %swap3A_74 = tpu.vector_load %arg8[%swap3A_71, %swap3A_72, %swap3A_73] {strides = array<i32>} : memref<3x128x128xf32, #tpu.memory_space<vmem>>, vector<1x1x16xf32>,
        %swap3A_75 = vector.shape_cast %swap3A_74 : vector<1x1x16xf32> to vector<16xf32>
        %swap3A_76 = vector.shape_cast %max3A_70 : vector<16xf32> to vector<1x1x16xf32>
        tpu.vector_store %arg8[%swap3A_71, %swap3A_72, %swap3A_73], %swap3A_76 {strides = array<i32>} : memref<3x128x128xf32, #tpu.memory_space<vmem>>, vector<1x1x16xf32>,
        %get3A_77 = arith.constant 0 : i32
        %get3A_78 = arith.index_cast %get3A_77 : i32 to index
        %get3A_79 = arith.index_cast %scan3A_63 : i32 to index
        %get3A_80 = arith.constant 16 : index
        %get3A_81 = tpu.vector_load %arg8[%get3A_78, %get3A_79, %get3A_80] {strides = array<i32>} : memref<3x128x128xf32, #tpu.memory_space<vmem>>, vector<1x1x16xf32>,
        %get3A_82 = vector.shape_cast %get3A_81 : vector<1x1x16xf32> to vector<16xf32>
        %max3A_83 = arith.constant 0.000000e+00 : f32
        %max3A_84 = vector.broadcast %max3A_83 : f32 to vector<16xf32>
        %max3A_85 = arith.maximumf %get3A_82, %max3A_84 : vector<16xf32>
        %swap3A_86 = arith.constant 0 : i32
        %swap3A_87 = arith.index_cast %swap3A_86 : i32 to index
        %swap3A_88 = arith.index_cast %scan3A_63 : i32 to index
        %swap3A_89 = arith.constant 16 : index
        %swap3A_90 = tpu.vector_load %arg8[%swap3A_87, %swap3A_88, %swap3A_89] {strides = array<i32>} : memref<3x128x128xf32, #tpu.memory_space<vmem>>, vector<1x1x16xf32>,
        %swap3A_91 = vector.shape_cast %swap3A_90 : vector<1x1x16xf32> to vector<16xf32>
        %swap3A_92 = vector.shape_cast %max3A_85 : vector<16xf32> to vector<1x1x16xf32>
        tpu.vector_store %arg8[%swap3A_87, %swap3A_88, %swap3A_89], %swap3A_92 {strides = array<i32>} : memref<3x128x128xf32, #tpu.memory_space<vmem>>, vector<1x1x16xf32>,
        %get3A_93 = arith.constant 0 : i32
        %get3A_94 = arith.index_cast %get3A_93 : i32 to index
        %get3A_95 = arith.index_cast %scan3A_63 : i32 to index
        %get3A_96 = arith.constant 32 : index
        %get3A_97 = tpu.vector_load %arg8[%get3A_94, %get3A_95, %get3A_96] {strides = array<i32>} : memref<3x128x128xf32, #tpu.memory_space<vmem>>, vector<1x1x16xf32>,
        %get3A_98 = vector.shape_cast %get3A_97 : vector<1x1x16xf32> to vector<16xf32>
        %max3A_99 = arith.constant 0.000000e+00 : f32
        %max3A_100 = vector.broadcast %max3A_99 : f32 to vector<16xf32>
        %max3A_101 = arith.maximumf %get3A_98, %max3A_100 : vector<16xf32>
        %swap3A_102 = arith.constant 0 : i32
        %swap3A_103 = arith.index_cast %swap3A_102 : i32 to index
        %swap3A_104 = arith.index_cast %scan3A_63 : i32 to index
        %swap3A_105 = arith.constant 32 : index
        %swap3A_106 = tpu.vector_load %arg8[%swap3A_103, %swap3A_104, %swap3A_105] {strides = array<i32>} : memref<3x128x128xf32, #tpu.memory_space<vmem>>, vector<1x1x16xf32>,
        %swap3A_107 = vector.shape_cast %swap3A_106 : vector<1x1x16xf32> to vector<16xf32>
        %swap3A_108 = vector.shape_cast %max3A_101 : vector<16xf32> to vector<1x1x16xf32>
        tpu.vector_store %arg8[%swap3A_103, %swap3A_104, %swap3A_105], %swap3A_108 {strides = array<i32>} : memref<3x128x128xf32, #tpu.memory_space<vmem>>, vector<1x1x16xf32>,
        %get3A_109 = arith.constant 0 : i32
        %get3A_110 = arith.index_cast %get3A_109 : i32 to index
        %get3A_111 = arith.index_cast %scan3A_63 : i32 to index
        %get3A_112 = arith.constant 48 : index
        %get3A_113 = tpu.vector_load %arg8[%get3A_110, %get3A_111, %get3A_112] {strides = array<i32>} : memref<3x128x128xf32, #tpu.memory_space<vmem>>, vector<1x1x16xf32>,
        %get3A_114 = vector.shape_cast %get3A_113 : vector<1x1x16xf32> to vector<16xf32>
        %max3A_115 = arith.constant 0.000000e+00 : f32
        %max3A_116 = vector.broadcast %max3A_115 : f32 to vector<16xf32>
        %max3A_117 = arith.maximumf %get3A_114, %max3A_116 : vector<16xf32>
        %swap3A_118 = arith.constant 0 : i32
        %swap3A_119 = arith.index_cast %swap3A_118 : i32 to index
        %swap3A_120 = arith.index_cast %scan3A_63 : i32 to index
        %swap3A_121 = arith.constant 48 : index
        %swap3A_122 = tpu.vector_load %arg8[%swap3A_119, %swap3A_120, %swap3A_121] {strides = array<i32>} : memref<3x128x128xf32, #tpu.memory_space<vmem>>, vector<1x1x16xf32>,
        %swap3A_123 = vector.shape_cast %swap3A_122 : vector<1x1x16xf32> to vector<16xf32>
        %swap3A_124 = vector.shape_cast %max3A_117 : vector<16xf32> to vector<1x1x16xf32>
        tpu.vector_store %arg8[%swap3A_119, %swap3A_120, %swap3A_121], %swap3A_124 {strides = array<i32>} : memref<3x128x128xf32, #tpu.memory_space<vmem>>, vector<1x1x16xf32>,
        %get3A_125 = arith.constant 0 : i32
        %get3A_126 = arith.index_cast %get3A_125 : i32 to index
        %get3A_127 = arith.index_cast %scan3A_63 : i32 to index
        %get3A_128 = arith.constant 64 : index
        %get3A_129 = tpu.vector_load %arg8[%get3A_126, %get3A_127, %get3A_128] {strides = array<i32>} : memref<3x128x128xf32, #tpu.memory_space<vmem>>, vector<1x1x16xf32>,
        %get3A_130 = vector.shape_cast %get3A_129 : vector<1x1x16xf32> to vector<16xf32>
        %max3A_131 = arith.constant 0.000000e+00 : f32
        %max3A_132 = vector.broadcast %max3A_131 : f32 to vector<16xf32>
        %max3A_133 = arith.maximumf %get3A_130, %max3A_132 : vector<16xf32>
        %swap3A_134 = arith.constant 0 : i32
        %swap3A_135 = arith.index_cast %swap3A_134 : i32 to index
        %swap3A_136 = arith.index_cast %scan3A_63 : i32 to index
        %swap3A_137 = arith.constant 64 : index
        %swap3A_138 = tpu.vector_load %arg8[%swap3A_135, %swap3A_136, %swap3A_137] {strides = array<i32>} : memref<3x128x128xf32, #tpu.memory_space<vmem>>, vector<1x1x16xf32>,
        %swap3A_139 = vector.shape_cast %swap3A_138 : vector<1x1x16xf32> to vector<16xf32>
        %swap3A_140 = vector.shape_cast %max3A_133 : vector<16xf32> to vector<1x1x16xf32>
        tpu.vector_store %arg8[%swap3A_135, %swap3A_136, %swap3A_137], %swap3A_140 {strides = array<i32>} : memref<3x128x128xf32, #tpu.memory_space<vmem>>, vector<1x1x16xf32>,
        %get3A_141 = arith.constant 0 : i32
        %get3A_142 = arith.index_cast %get3A_141 : i32 to index
        %get3A_143 = arith.index_cast %scan3A_63 : i32 to index
        %get3A_144 = arith.constant 80 : index
        %get3A_145 = tpu.vector_load %arg8[%get3A_142, %get3A_143, %get3A_144] {strides = array<i32>} : memref<3x128x128xf32, #tpu.memory_space<vmem>>, vector<1x1x16xf32>,
        %get3A_146 = vector.shape_cast %get3A_145 : vector<1x1x16xf32> to vector<16xf32>
        %max3A_147 = arith.constant 0.000000e+00 : f32
        %max3A_148 = vector.broadcast %max3A_147 : f32 to vector<16xf32>
        %max3A_149 = arith.maximumf %get3A_146, %max3A_148 : vector<16xf32>
        %swap3A_150 = arith.constant 0 : i32
        %swap3A_151 = arith.index_cast %swap3A_150 : i32 to index
        %swap3A_152 = arith.index_cast %scan3A_63 : i32 to index
        %swap3A_153 = arith.constant 80 : index
        %swap3A_154 = tpu.vector_load %arg8[%swap3A_151, %swap3A_152, %swap3A_153] {strides = array<i32>} : memref<3x128x128xf32, #tpu.memory_space<vmem>>, vector<1x1x16xf32>,
        %swap3A_155 = vector.shape_cast %swap3A_154 : vector<1x1x16xf32> to vector<16xf32>
        %swap3A_156 = vector.shape_cast %max3A_149 : vector<16xf32> to vector<1x1x16xf32>
        tpu.vector_store %arg8[%swap3A_151, %swap3A_152, %swap3A_153], %swap3A_156 {strides = array<i32>} : memref<3x128x128xf32, #tpu.memory_space<vmem>>, vector<1x1x16xf32>,
        %get3A_157 = arith.constant 0 : i32
        %get3A_158 = arith.index_cast %get3A_157 : i32 to index
        %get3A_159 = arith.index_cast %scan3A_63 : i32 to index
        %get3A_160 = arith.constant 96 : index
        %get3A_161 = tpu.vector_load %arg8[%get3A_158, %get3A_159, %get3A_160] {strides = array<i32>} : memref<3x128x128xf32, #tpu.memory_space<vmem>>, vector<1x1x16xf32>,
        %get3A_162 = vector.shape_cast %get3A_161 : vector<1x1x16xf32> to vector<16xf32>
        %max3A_163 = arith.constant 0.000000e+00 : f32
        %max3A_164 = vector.broadcast %max3A_163 : f32 to vector<16xf32>
        %max3A_165 = arith.maximumf %get3A_162, %max3A_164 : vector<16xf32>
        %swap3A_166 = arith.constant 0 : i32
        %swap3A_167 = arith.index_cast %swap3A_166 : i32 to index
        %swap3A_168 = arith.index_cast %scan3A_63 : i32 to index
        %swap3A_169 = arith.constant 96 : index
        %swap3A_170 = tpu.vector_load %arg8[%swap3A_167, %swap3A_168, %swap3A_169] {strides = array<i32>} : memref<3x128x128xf32, #tpu.memory_space<vmem>>, vector<1x1x16xf32>,
        %swap3A_171 = vector.shape_cast %swap3A_170 : vector<1x1x16xf32> to vector<16xf32>
        %swap3A_172 = vector.shape_cast %max3A_165 : vector<16xf32> to vector<1x1x16xf32>
        tpu.vector_store %arg8[%swap3A_167, %swap3A_168, %swap3A_169], %swap3A_172 {strides = array<i32>} : memref<3x128x128xf32, #tpu.memory_space<vmem>>, vector<1x1x16xf32>,
        %get3A_173 = arith.constant 0 : i32
        %get3A_174 = arith.index_cast %get3A_173 : i32 to index
        %get3A_175 = arith.index_cast %scan3A_63 : i32 to index
        %get3A_176 = arith.constant 112 : index
        %get3A_177 = tpu.vector_load %arg8[%get3A_174, %get3A_175, %get3A_176] {strides = array<i32>} : memref<3x128x128xf32, #tpu.memory_space<vmem>>, vector<1x1x16xf32>,
        %get3A_178 = vector.shape_cast %get3A_177 : vector<1x1x16xf32> to vector<16xf32>
        %max3A_179 = arith.constant 0.000000e+00 : f32
        %max3A_180 = vector.broadcast %max3A_179 : f32 to vector<16xf32>
        %max3A_181 = arith.maximumf %get3A_178, %max3A_180 : vector<16xf32>
        %swap3A_182 = arith.constant 0 : i32
        %swap3A_183 = arith.index_cast %swap3A_182 : i32 to index
        %swap3A_184 = arith.index_cast %scan3A_63 : i32 to index
        %swap3A_185 = arith.constant 112 : index
        %swap3A_186 = tpu.vector_load %arg8[%swap3A_183, %swap3A_184, %swap3A_185] {strides = array<i32>} : memref<3x128x128xf32, #tpu.memory_space<vmem>>, vector<1x1x16xf32>,
        %swap3A_187 = vector.shape_cast %swap3A_186 : vector<1x1x16xf32> to vector<16xf32>
        %swap3A_188 = vector.shape_cast %max3A_181 : vector<16xf32> to vector<1x1x16xf32>
        tpu.vector_store %arg8[%swap3A_183, %swap3A_184, %swap3A_185], %swap3A_188 {strides = array<i32>} : memref<3x128x128xf32, #tpu.memory_space<vmem>>, vector<1x1x16xf32>,
      }
      %scan3A_59 = arith.constant 128 : i32
      %run_scoped3A_60 = arith.constant 0 : i32
      %run_scoped3A_61 = arith.constant 0 : i32
      %run_scoped3A_62 = arith.constant 1 : i32
      "tpu.region"() ({
        %run_scoped3A_63 = tpu.sem_alloc : memref<!tpu.dma_semaphore, #tpu.memory_space<semaphore_mem>>
        %dma_start3A_64 = arith.constant 0 : i32
        %dma_start3A_65 = arith.constant 0 : i32
        %dma_start3A_66 = tpu.memref_slice %arg8[%run_scoped3A_60, %dma_start3A_64, %dma_start3A_65] : memref<3x128x128xf32, #tpu.memory_space<vmem>> -> memref<1x128x128xf32, #tpu.memory_space<vmem>>
        %dma_start3A_67 = tpu.memref_squeeze %dma_start3A_66 : memref<1x128x128xf32, #tpu.memory_space<vmem>> -> memref<128x128xf32, #tpu.memory_space<vmem>>
        %dma_start3A_68 = arith.constant 0 : i32
        %dma_start3A_69 = tpu.memref_slice %arg7[%run_scoped3A_61, %run_scoped3A_62, %dma_start3A_68] : memref<6x2x128xi32, #tpu.memory_space<vmem>> -> memref<1x1x128xi32, #tpu.memory_space<vmem>>
        %dma_start3A_70 = tpu.memref_squeeze %dma_start3A_69 : memref<1x1x128xi32, #tpu.memory_space<vmem>> -> memref<128xi32, #tpu.memory_space<vmem>>
        %dma_start3A_71 = arith.constant 0 : i32
        %dma_start3A_72 = arith.constant 0 : i32
        %dma_start3A_73 = tpu.memref_slice %arg9[%dma_start3A_71, %dma_start3A_72] : memref<10000x128xf32, #tpu.memory_space<vmem_shared>> -> memref<10000x128xf32, #tpu.memory_space<vmem_shared>>
        tpu.enqueue_indirect_dma source(%dma_start3A_67 : memref<128x128xf32, #tpu.memory_space<vmem>>) target(%dma_start3A_73 : memref<10000x128xf32, #tpu.memory_space<vmem_shared>>) offsets(%dma_start3A_70 : memref<128xi32, #tpu.memory_space<vmem>>) semaphore(%run_scoped3A_63 : memref<!tpu.dma_semaphore, #tpu.memory_space<semaphore_mem>>) {add = true}
        %dma_wait3A_74 = arith.constant 0 : i32
        %dma_wait3A_75 = arith.constant 0 : i32
        %dma_wait3A_76 = tpu.memref_slice %arg8[%run_scoped3A_60, %dma_wait3A_74, %dma_wait3A_75] : memref<3x128x128xf32, #tpu.memory_space<vmem>> -> memref<1x128x128xf32, #tpu.memory_space<vmem>>
        %dma_wait3A_77 = tpu.memref_squeeze %dma_wait3A_76 : memref<1x128x128xf32, #tpu.memory_space<vmem>> -> memref<128x128xf32, #tpu.memory_space<vmem>>
        %dma_wait3A_78 = arith.constant 0 : i32
        %dma_wait3A_79 = tpu.memref_slice %arg7[%run_scoped3A_61, %run_scoped3A_62, %dma_wait3A_78] : memref<6x2x128xi32, #tpu.memory_space<vmem>> -> memref<1x1x128xi32, #tpu.memory_space<vmem>>
        %dma_wait3A_80 = tpu.memref_squeeze %dma_wait3A_79 : memref<1x1x128xi32, #tpu.memory_space<vmem>> -> memref<128xi32, #tpu.memory_space<vmem>>
        %dma_wait3A_81 = arith.constant 0 : i32
        %dma_wait3A_82 = arith.constant 0 : i32
        %dma_wait3A_83 = tpu.memref_slice %arg9[%dma_wait3A_81, %dma_wait3A_82] : memref<10000x128xf32, #tpu.memory_space<vmem_shared>> -> memref<10000x128xf32, #tpu.memory_space<vmem_shared>>
        tpu.wait_indirect_dma semaphore(%run_scoped3A_63 : memref<!tpu.dma_semaphore, #tpu.memory_space<semaphore_mem>>) src(%dma_wait3A_77 : memref<128x128xf32, #tpu.memory_space<vmem>>) dst(%dma_wait3A_83 : memref<10000x128xf32, #tpu.memory_space<vmem_shared>>)
        tpu.yield
      }) : () -> ()
    }
    %scan3A_13 = arith.constant 84 : i32
    %barrier3A_14 = arith.constant 0 : index
    tpu.barrier barrier_id(%barrier3A_14)
    %lt3A_15 = arith.constant 15 : i32
    %lt3A_16 = arith.cmpi slt, %arg1, %lt3A_15 : i32
    %convert_element_type3A_17 = arith.extui %lt3A_16 : i1 to i32
    %cond3A_18 = arith.constant 0 : i32
    %cond3A_19 = arith.cmpi ne, %convert_element_type3A_17, %cond3A_18 : i32
    scf.if %cond3A_19 {
      "tpu.region"() ({
        %run_scoped3A = tpu.sem_alloc : memref<!tpu.dma_semaphore, #tpu.memory_space<semaphore_mem>>
        %dma_start3A = arith.constant 0 : i32
        %dma_start3A_25 = tpu.memref_slice %arg6[%arg0, %multiple_of3A, %dma_start3A] : memref<2x10000x128xf32, #tpu.memory_space<hbm>> -> memref<1x632x128xf32, #tpu.memory_space<hbm>>
        %dma_start3A_26 = tpu.memref_squeeze %dma_start3A_25 : memref<1x632x128xf32, #tpu.memory_space<hbm>> -> memref<632x128xf32, #tpu.memory_space<hbm>>
        %dma_start3A_27 = arith.constant 0 : i32
        %dma_start3A_28 = tpu.memref_slice %arg9[%multiple_of3A, %dma_start3A_27] : memref<10000x128xf32, #tpu.memory_space<vmem_shared>> -> memref<632x128xf32, #tpu.memory_space<vmem_shared>>
        tpu.enqueue_dma source(%dma_start3A_28 : memref<632x128xf32, #tpu.memory_space<vmem_shared>>) target(%dma_start3A_26 : memref<632x128xf32, #tpu.memory_space<hbm>>) target_semaphore(%run_scoped3A : memref<!tpu.dma_semaphore, #tpu.memory_space<semaphore_mem>>)
        %dma_wait3A = arith.constant 0 : i32
        %dma_wait3A_29 = tpu.memref_slice %arg6[%arg0, %multiple_of3A, %dma_wait3A] : memref<2x10000x128xf32, #tpu.memory_space<hbm>> -> memref<1x632x128xf32, #tpu.memory_space<hbm>>
        %dma_wait3A_30 = tpu.memref_squeeze %dma_wait3A_29 : memref<1x632x128xf32, #tpu.memory_space<hbm>> -> memref<632x128xf32, #tpu.memory_space<hbm>>
        %dma_wait3A_31 = arith.constant 0 : i32
        %dma_wait3A_32 = tpu.memref_slice %arg9[%multiple_of3A, %dma_wait3A_31] : memref<10000x128xf32, #tpu.memory_space<vmem_shared>> -> memref<632x128xf32, #tpu.memory_space<vmem_shared>>
        tpu.wait_dma2 semaphore(%run_scoped3A : memref<!tpu.dma_semaphore, #tpu.memory_space<semaphore_mem>>) src(%dma_wait3A_32 : memref<632x128xf32, #tpu.memory_space<vmem_shared>>) dst(%dma_wait3A_30 : memref<632x128xf32, #tpu.memory_space<hbm>>)
        tpu.yield
      }) : () -> ()
    } else {
    }
    %eq3A_20 = arith.constant 15 : i32
    %eq3A_21 = arith.cmpi eq, %arg1, %eq3A_20 : i32
    %convert_element_type3A_22 = arith.extui %eq3A_21 : i1 to i32
    %cond3A_23 = arith.constant 0 : i32
    %cond3A_24 = arith.cmpi ne, %convert_element_type3A_22, %cond3A_23 : i32
    scf.if %cond3A_24 {
      "tpu.region"() ({
        %run_scoped3A = tpu.sem_alloc : memref<!tpu.dma_semaphore, #tpu.memory_space<semaphore_mem>>
        %dma_start3A = arith.constant 0 : i32
        %dma_start3A_25 = tpu.memref_slice %arg6[%arg0, %multiple_of3A, %dma_start3A] : memref<2x10000x128xf32, #tpu.memory_space<hbm>> -> memref<1x520x128xf32, #tpu.memory_space<hbm>>
        %dma_start3A_26 = tpu.memref_squeeze %dma_start3A_25 : memref<1x520x128xf32, #tpu.memory_space<hbm>> -> memref<520x128xf32, #tpu.memory_space<hbm>>
        %dma_start3A_27 = arith.constant 0 : i32
        %dma_start3A_28 = tpu.memref_slice %arg9[%multiple_of3A, %dma_start3A_27] : memref<10000x128xf32, #tpu.memory_space<vmem_shared>> -> memref<520x128xf32, #tpu.memory_space<vmem_shared>>
        tpu.enqueue_dma source(%dma_start3A_28 : memref<520x128xf32, #tpu.memory_space<vmem_shared>>) target(%dma_start3A_26 : memref<520x128xf32, #tpu.memory_space<hbm>>) target_semaphore(%run_scoped3A : memref<!tpu.dma_semaphore, #tpu.memory_space<semaphore_mem>>)
        %dma_wait3A = arith.constant 0 : i32
        %dma_wait3A_29 = tpu.memref_slice %arg6[%arg0, %multiple_of3A, %dma_wait3A] : memref<2x10000x128xf32, #tpu.memory_space<hbm>> -> memref<1x520x128xf32, #tpu.memory_space<hbm>>
        %dma_wait3A_30 = tpu.memref_squeeze %dma_wait3A_29 : memref<1x520x128xf32, #tpu.memory_space<hbm>> -> memref<520x128xf32, #tpu.memory_space<hbm>>
        %dma_wait3A_31 = arith.constant 0 : i32
        %dma_wait3A_32 = tpu.memref_slice %arg9[%multiple_of3A, %dma_wait3A_31] : memref<10000x128xf32, #tpu.memory_space<vmem_shared>> -> memref<520x128xf32, #tpu.memory_space<vmem_shared>>
        tpu.wait_dma2 semaphore(%run_scoped3A : memref<!tpu.dma_semaphore, #tpu.memory_space<semaphore_mem>>) src(%dma_wait3A_32 : memref<520x128xf32, #tpu.memory_space<vmem_shared>>) dst(%dma_wait3A_30 : memref<520x128xf32, #tpu.memory_space<hbm>>)
        tpu.yield
      }) : () -> ()
    } else {
    }
    return
  }
}

#map = affine_map<(d0, d1) -> (0, 0)>
#map1 = affine_map<(d0, d1) -> (0, 0, 0)>
module attributes {stable_mosaic.version = 14 : i64} {
  func.func @_edge_agg_sc(%arg0: i32, %arg1: i32, %arg2: memref<10000x128xf32, #tpu.memory_space<hbm>>, %arg3: memref<2688x128x128xf32, #tpu.memory_space<hbm>>, %arg4: memref<2688x2x128xi32, #tpu.memory_space<hbm>>, %arg5: memref<10000x128xf32, #tpu.memory_space<hbm>>, %arg6: memref<2x10000x128xf32, #tpu.memory_space<hbm>>, %arg7: memref<6x2x128xi32, #tpu.memory_space<vmem>>, %arg8: memref<3x128x128xf32, #tpu.memory_space<vmem>>, %arg9: memref<10000x128xf32, #tpu.memory_space<vmem_shared>>, %arg10: memref<!tpu.dma_semaphore, #tpu.memory_space<semaphore_mem>>, %arg11: memref<!tpu.dma_semaphore, #tpu.memory_space<semaphore_mem>>, %arg12: memref<!tpu.dma_semaphore, #tpu.memory_space<semaphore_mem>>, %arg13: memref<!tpu.dma_semaphore, #tpu.memory_space<semaphore_mem>>, %arg14: memref<!tpu.dma_semaphore, #tpu.memory_space<semaphore_mem>>, %arg15: memref<!tpu.dma_semaphore, #tpu.memory_space<semaphore_mem>>, %arg16: memref<!tpu.dma_semaphore, #tpu.memory_space<semaphore_mem>>, %arg17: memref<!tpu.dma_semaphore, #tpu.memory_space<semaphore_mem>>, %arg18: memref<!tpu.dma_semaphore, #tpu.memory_space<semaphore_mem>>, %arg19: memref<!tpu.dma_semaphore, #tpu.memory_space<semaphore_mem>>, %arg20: memref<!tpu.dma_semaphore, #tpu.memory_space<semaphore_mem>>, %arg21: memref<!tpu.dma_semaphore, #tpu.memory_space<semaphore_mem>>, %arg22: memref<!tpu.dma_semaphore, #tpu.memory_space<semaphore_mem>>, %arg23: memref<!tpu.dma_semaphore, #tpu.memory_space<semaphore_mem>>, %arg24: memref<!tpu.dma_semaphore, #tpu.memory_space<semaphore_mem>>) attributes {dimension_semantics = [#tpu.dimension_semantics<core_parallel>, #tpu.dimension_semantics<subcore_parallel>], iteration_bounds = array<i64: 2, 16>, scalar_prefetch = 0 : i64, scratch_operands = 18 : i64, tpu.core_type = #tpu.core_type<sc_vector_subcore>, window_params = [{transform_indices = #map}, {transform_indices = #map1}, {transform_indices = #map1}, {transform_indices = #map}, {transform_indices = #map1}]} {
    %mul3A = arith.constant 2 : i32
    %mul3A_0 = arith.muli %arg1, %mul3A : i32
    %add3A = arith.addi %mul3A_0, %arg0 : i32
    %mul3A_1 = arith.constant 632 : i32
    %mul3A_2 = arith.muli %arg1, %mul3A_1 : i32
    %multiple_of3A = tpu.assume_multiple %mul3A_2, 8 : i32
    %lt3A = arith.constant 15 : i32
    %lt3A_3 = arith.cmpi slt, %arg1, %lt3A : i32
    %convert_element_type3A = arith.extui %lt3A_3 : i1 to i32
    %cond3A = arith.constant 0 : i32
    %cond3A_4 = arith.cmpi ne, %convert_element_type3A, %cond3A : i32
    scf.if %cond3A_4 {
      "tpu.region"() ({
        %run_scoped3A = tpu.sem_alloc : memref<!tpu.dma_semaphore, #tpu.memory_space<semaphore_mem>>
        %dma_start3A = arith.constant 0 : i32
        %dma_start3A_25 = tpu.memref_slice %arg9[%multiple_of3A, %dma_start3A] : memref<10000x128xf32, #tpu.memory_space<vmem_shared>> -> memref<632x128xf32, #tpu.memory_space<vmem_shared>>
        %dma_start3A_26 = arith.constant 0 : i32
        %dma_start3A_27 = tpu.memref_slice %arg5[%multiple_of3A, %dma_start3A_26] : memref<10000x128xf32, #tpu.memory_space<hbm>> -> memref<632x128xf32, #tpu.memory_space<hbm>>
        tpu.enqueue_dma source(%dma_start3A_27 : memref<632x128xf32, #tpu.memory_space<hbm>>) target(%dma_start3A_25 : memref<632x128xf32, #tpu.memory_space<vmem_shared>>) target_semaphore(%run_scoped3A : memref<!tpu.dma_semaphore, #tpu.memory_space<semaphore_mem>>)
        %dma_wait3A = arith.constant 0 : i32
        %dma_wait3A_28 = tpu.memref_slice %arg9[%multiple_of3A, %dma_wait3A] : memref<10000x128xf32, #tpu.memory_space<vmem_shared>> -> memref<632x128xf32, #tpu.memory_space<vmem_shared>>
        %dma_wait3A_29 = arith.constant 0 : i32
        %dma_wait3A_30 = tpu.memref_slice %arg5[%multiple_of3A, %dma_wait3A_29] : memref<10000x128xf32, #tpu.memory_space<hbm>> -> memref<632x128xf32, #tpu.memory_space<hbm>>
        tpu.wait_dma2 semaphore(%run_scoped3A : memref<!tpu.dma_semaphore, #tpu.memory_space<semaphore_mem>>) src(%dma_wait3A_30 : memref<632x128xf32, #tpu.memory_space<hbm>>) dst(%dma_wait3A_28 : memref<632x128xf32, #tpu.memory_space<vmem_shared>>)
        tpu.yield
      }) : () -> ()
    } else {
    }
    %eq3A = arith.constant 15 : i32
    %eq3A_5 = arith.cmpi eq, %arg1, %eq3A : i32
    %convert_element_type3A_6 = arith.extui %eq3A_5 : i1 to i32
    %cond3A_7 = arith.constant 0 : i32
    %cond3A_8 = arith.cmpi ne, %convert_element_type3A_6, %cond3A_7 : i32
    scf.if %cond3A_8 {
      "tpu.region"() ({
        %run_scoped3A = tpu.sem_alloc : memref<!tpu.dma_semaphore, #tpu.memory_space<semaphore_mem>>
        %dma_start3A = arith.constant 0 : i32
        %dma_start3A_25 = tpu.memref_slice %arg9[%multiple_of3A, %dma_start3A] : memref<10000x128xf32, #tpu.memory_space<vmem_shared>> -> memref<520x128xf32, #tpu.memory_space<vmem_shared>>
        %dma_start3A_26 = arith.constant 0 : i32
        %dma_start3A_27 = tpu.memref_slice %arg5[%multiple_of3A, %dma_start3A_26] : memref<10000x128xf32, #tpu.memory_space<hbm>> -> memref<520x128xf32, #tpu.memory_space<hbm>>
        tpu.enqueue_dma source(%dma_start3A_27 : memref<520x128xf32, #tpu.memory_space<hbm>>) target(%dma_start3A_25 : memref<520x128xf32, #tpu.memory_space<vmem_shared>>) target_semaphore(%run_scoped3A : memref<!tpu.dma_semaphore, #tpu.memory_space<semaphore_mem>>)
        %dma_wait3A = arith.constant 0 : i32
        %dma_wait3A_28 = tpu.memref_slice %arg9[%multiple_of3A, %dma_wait3A] : memref<10000x128xf32, #tpu.memory_space<vmem_shared>> -> memref<520x128xf32, #tpu.memory_space<vmem_shared>>
        %dma_wait3A_29 = arith.constant 0 : i32
        %dma_wait3A_30 = tpu.memref_slice %arg5[%multiple_of3A, %dma_wait3A_29] : memref<10000x128xf32, #tpu.memory_space<hbm>> -> memref<520x128xf32, #tpu.memory_space<hbm>>
        tpu.wait_dma2 semaphore(%run_scoped3A : memref<!tpu.dma_semaphore, #tpu.memory_space<semaphore_mem>>) src(%dma_wait3A_30 : memref<520x128xf32, #tpu.memory_space<hbm>>) dst(%dma_wait3A_28 : memref<520x128xf32, #tpu.memory_space<vmem_shared>>)
        tpu.yield
      }) : () -> ()
    } else {
    }
    %barrier3A = arith.constant 0 : index
    tpu.barrier barrier_id(%barrier3A)
    %scan3A = arith.constant 0 : i32
    %scan3A_9 = arith.constant 0 : i32
    %scan3A_10 = arith.constant 84 : i32
    %scan3A_11 = arith.addi %scan3A_9, %scan3A_10 : i32
    %scan3A_12 = arith.constant 1 : i32
    scf.for %scan3A_25 = %scan3A_9 to %scan3A_11 step %scan3A_12  : i32 {
      %mul3A_26 = arith.constant 32 : i32
      %mul3A_27 = arith.muli %scan3A_25, %mul3A_26 : i32
      %add3A_28 = arith.addi %mul3A_27, %add3A : i32
      %run_scoped3A = arith.constant 0 : i32
      "tpu.region"() ({
        %run_scoped3A_63 = tpu.sem_alloc : memref<!tpu.dma_semaphore, #tpu.memory_space<semaphore_mem>>
        %dma_start3A_64 = arith.constant 0 : i32
        %dma_start3A_65 = arith.constant 0 : i32
        %dma_start3A_66 = tpu.memref_slice %arg7[%run_scoped3A, %dma_start3A_64, %dma_start3A_65] : memref<6x2x128xi32, #tpu.memory_space<vmem>> -> memref<1x2x128xi32, #tpu.memory_space<vmem>>
        %dma_start3A_67 = tpu.memref_squeeze %dma_start3A_66 : memref<1x2x128xi32, #tpu.memory_space<vmem>> -> memref<2x128xi32, #tpu.memory_space<vmem>>
        %dma_start3A_68 = arith.constant 0 : i32
        %dma_start3A_69 = arith.constant 0 : i32
        %dma_start3A_70 = tpu.memref_slice %arg4[%add3A_28, %dma_start3A_68, %dma_start3A_69] : memref<2688x2x128xi32, #tpu.memory_space<hbm>> -> memref<1x2x128xi32, #tpu.memory_space<hbm>>
        %dma_start3A_71 = tpu.memref_squeeze %dma_start3A_70 : memref<1x2x128xi32, #tpu.memory_space<hbm>> -> memref<2x128xi32, #tpu.memory_space<hbm>>
        %dma_start3A_72 = arith.constant 0 : i32
        %dma_start3A_73 = arith.constant 0 : i32
        %dma_start3A_74 = tpu.memref_slice %arg7[%run_scoped3A, %dma_start3A_72, %dma_start3A_73] : memref<6x2x128xi32, #tpu.memory_space<vmem>> -> memref<1x2x128xi32, #tpu.memory_space<vmem>>
        %dma_start3A_75 = tpu.memref_squeeze %dma_start3A_74 : memref<1x2x128xi32, #tpu.memory_space<vmem>> -> memref<2x128xi32, #tpu.memory_space<vmem>>
        %dma_start3A_76 = arith.constant 0 : i32
        %dma_start3A_77 = arith.constant 0 : i32
        %dma_start3A_78 = tpu.memref_slice %arg4[%add3A_28, %dma_start3A_76, %dma_start3A_77] : memref<2688x2x128xi32, #tpu.memory_space<hbm>> -> memref<1x2x128xi32, #tpu.memory_space<hbm>>
        %dma_start3A_79 = tpu.memref_squeeze %dma_start3A_78 : memref<1x2x128xi32, #tpu.memory_space<hbm>> -> memref<2x128xi32, #tpu.memory_space<hbm>>
        tpu.enqueue_dma source(%dma_start3A_79 : memref<2x128xi32, #tpu.memory_space<hbm>>) target(%dma_start3A_75 : memref<2x128xi32, #tpu.memory_space<vmem>>) target_semaphore(%run_scoped3A_63 : memref<!tpu.dma_semaphore, #tpu.memory_space<semaphore_mem>>)
        %dma_wait3A_80 = arith.constant 0 : i32
        %dma_wait3A_81 = arith.constant 0 : i32
        %dma_wait3A_82 = tpu.memref_slice %arg7[%run_scoped3A, %dma_wait3A_80, %dma_wait3A_81] : memref<6x2x128xi32, #tpu.memory_space<vmem>> -> memref<1x2x128xi32, #tpu.memory_space<vmem>>
        %dma_wait3A_83 = tpu.memref_squeeze %dma_wait3A_82 : memref<1x2x128xi32, #tpu.memory_space<vmem>> -> memref<2x128xi32, #tpu.memory_space<vmem>>
        %dma_wait3A_84 = arith.constant 0 : i32
        %dma_wait3A_85 = arith.constant 0 : i32
        %dma_wait3A_86 = tpu.memref_slice %arg4[%add3A_28, %dma_wait3A_84, %dma_wait3A_85] : memref<2688x2x128xi32, #tpu.memory_space<hbm>> -> memref<1x2x128xi32, #tpu.memory_space<hbm>>
        %dma_wait3A_87 = tpu.memref_squeeze %dma_wait3A_86 : memref<1x2x128xi32, #tpu.memory_space<hbm>> -> memref<2x128xi32, #tpu.memory_space<hbm>>
        %dma_wait3A_88 = arith.constant 0 : i32
        %dma_wait3A_89 = arith.constant 0 : i32
        %dma_wait3A_90 = tpu.memref_slice %arg7[%run_scoped3A, %dma_wait3A_88, %dma_wait3A_89] : memref<6x2x128xi32, #tpu.memory_space<vmem>> -> memref<1x2x128xi32, #tpu.memory_space<vmem>>
        %dma_wait3A_91 = tpu.memref_squeeze %dma_wait3A_90 : memref<1x2x128xi32, #tpu.memory_space<vmem>> -> memref<2x128xi32, #tpu.memory_space<vmem>>
        %dma_wait3A_92 = arith.constant 0 : i32
        %dma_wait3A_93 = arith.constant 0 : i32
        %dma_wait3A_94 = tpu.memref_slice %arg4[%add3A_28, %dma_wait3A_92, %dma_wait3A_93] : memref<2688x2x128xi32, #tpu.memory_space<hbm>> -> memref<1x2x128xi32, #tpu.memory_space<hbm>>
        %dma_wait3A_95 = tpu.memref_squeeze %dma_wait3A_94 : memref<1x2x128xi32, #tpu.memory_space<hbm>> -> memref<2x128xi32, #tpu.memory_space<hbm>>
        tpu.wait_dma2 semaphore(%run_scoped3A_63 : memref<!tpu.dma_semaphore, #tpu.memory_space<semaphore_mem>>) src(%dma_wait3A_95 : memref<2x128xi32, #tpu.memory_space<hbm>>) dst(%dma_wait3A_91 : memref<2x128xi32, #tpu.memory_space<vmem>>)
        tpu.yield
      }) : () -> ()
      %run_scoped3A_29 = arith.constant 0 : i32
      "tpu.region"() ({
        %run_scoped3A_63 = tpu.sem_alloc : memref<!tpu.dma_semaphore, #tpu.memory_space<semaphore_mem>>
        %dma_start3A_64 = arith.constant 0 : i32
        %dma_start3A_65 = arith.constant 0 : i32
        %dma_start3A_66 = tpu.memref_slice %arg8[%run_scoped3A_29, %dma_start3A_64, %dma_start3A_65] : memref<3x128x128xf32, #tpu.memory_space<vmem>> -> memref<1x128x128xf32, #tpu.memory_space<vmem>>
        %dma_start3A_67 = tpu.memref_squeeze %dma_start3A_66 : memref<1x128x128xf32, #tpu.memory_space<vmem>> -> memref<128x128xf32, #tpu.memory_space<vmem>>
        %dma_start3A_68 = arith.constant 0 : i32
        %dma_start3A_69 = arith.constant 0 : i32
        %dma_start3A_70 = tpu.memref_slice %arg3[%add3A_28, %dma_start3A_68, %dma_start3A_69] : memref<2688x128x128xf32, #tpu.memory_space<hbm>> -> memref<1x128x128xf32, #tpu.memory_space<hbm>>
        %dma_start3A_71 = tpu.memref_squeeze %dma_start3A_70 : memref<1x128x128xf32, #tpu.memory_space<hbm>> -> memref<128x128xf32, #tpu.memory_space<hbm>>
        %dma_start3A_72 = arith.constant 0 : i32
        %dma_start3A_73 = arith.constant 0 : i32
        %dma_start3A_74 = tpu.memref_slice %arg8[%run_scoped3A_29, %dma_start3A_72, %dma_start3A_73] : memref<3x128x128xf32, #tpu.memory_space<vmem>> -> memref<1x128x128xf32, #tpu.memory_space<vmem>>
        %dma_start3A_75 = tpu.memref_squeeze %dma_start3A_74 : memref<1x128x128xf32, #tpu.memory_space<vmem>> -> memref<128x128xf32, #tpu.memory_space<vmem>>
        %dma_start3A_76 = arith.constant 0 : i32
        %dma_start3A_77 = arith.constant 0 : i32
        %dma_start3A_78 = tpu.memref_slice %arg3[%add3A_28, %dma_start3A_76, %dma_start3A_77] : memref<2688x128x128xf32, #tpu.memory_space<hbm>> -> memref<1x128x128xf32, #tpu.memory_space<hbm>>
        %dma_start3A_79 = tpu.memref_squeeze %dma_start3A_78 : memref<1x128x128xf32, #tpu.memory_space<hbm>> -> memref<128x128xf32, #tpu.memory_space<hbm>>
        tpu.enqueue_dma source(%dma_start3A_79 : memref<128x128xf32, #tpu.memory_space<hbm>>) target(%dma_start3A_75 : memref<128x128xf32, #tpu.memory_space<vmem>>) target_semaphore(%run_scoped3A_63 : memref<!tpu.dma_semaphore, #tpu.memory_space<semaphore_mem>>)
        %dma_wait3A_80 = arith.constant 0 : i32
        %dma_wait3A_81 = arith.constant 0 : i32
        %dma_wait3A_82 = tpu.memref_slice %arg8[%run_scoped3A_29, %dma_wait3A_80, %dma_wait3A_81] : memref<3x128x128xf32, #tpu.memory_space<vmem>> -> memref<1x128x128xf32, #tpu.memory_space<vmem>>
        %dma_wait3A_83 = tpu.memref_squeeze %dma_wait3A_82 : memref<1x128x128xf32, #tpu.memory_space<vmem>> -> memref<128x128xf32, #tpu.memory_space<vmem>>
        %dma_wait3A_84 = arith.constant 0 : i32
        %dma_wait3A_85 = arith.constant 0 : i32
        %dma_wait3A_86 = tpu.memref_slice %arg3[%add3A_28, %dma_wait3A_84, %dma_wait3A_85] : memref<2688x128x128xf32, #tpu.memory_space<hbm>> -> memref<1x128x128xf32, #tpu.memory_space<hbm>>
        %dma_wait3A_87 = tpu.memref_squeeze %dma_wait3A_86 : memref<1x128x128xf32, #tpu.memory_space<hbm>> -> memref<128x128xf32, #tpu.memory_space<hbm>>
        %dma_wait3A_88 = arith.constant 0 : i32
        %dma_wait3A_89 = arith.constant 0 : i32
        %dma_wait3A_90 = tpu.memref_slice %arg8[%run_scoped3A_29, %dma_wait3A_88, %dma_wait3A_89] : memref<3x128x128xf32, #tpu.memory_space<vmem>> -> memref<1x128x128xf32, #tpu.memory_space<vmem>>
        %dma_wait3A_91 = tpu.memref_squeeze %dma_wait3A_90 : memref<1x128x128xf32, #tpu.memory_space<vmem>> -> memref<128x128xf32, #tpu.memory_space<vmem>>
        %dma_wait3A_92 = arith.constant 0 : i32
        %dma_wait3A_93 = arith.constant 0 : i32
        %dma_wait3A_94 = tpu.memref_slice %arg3[%add3A_28, %dma_wait3A_92, %dma_wait3A_93] : memref<2688x128x128xf32, #tpu.memory_space<hbm>> -> memref<1x128x128xf32, #tpu.memory_space<hbm>>
        %dma_wait3A_95 = tpu.memref_squeeze %dma_wait3A_94 : memref<1x128x128xf32, #tpu.memory_space<hbm>> -> memref<128x128xf32, #tpu.memory_space<hbm>>
        tpu.wait_dma2 semaphore(%run_scoped3A_63 : memref<!tpu.dma_semaphore, #tpu.memory_space<semaphore_mem>>) src(%dma_wait3A_95 : memref<128x128xf32, #tpu.memory_space<hbm>>) dst(%dma_wait3A_91 : memref<128x128xf32, #tpu.memory_space<vmem>>)
        tpu.yield
      }) : () -> ()
      %dma_start3A = arith.constant 0 : i32
      %dma_start3A_30 = arith.constant 0 : i32
      %dma_start3A_31 = arith.constant 0 : i32
      %dma_start3A_32 = arith.constant 0 : i32
      %dma_start3A_33 = arith.constant 0 : i32
      %dma_start3A_34 = tpu.memref_slice %arg8[%dma_start3A_31, %dma_start3A_32, %dma_start3A_33] : memref<3x128x128xf32, #tpu.memory_space<vmem>> -> memref<1x128x128xf32, #tpu.memory_space<vmem>>
      %dma_start3A_35 = tpu.memref_squeeze %dma_start3A_34 : memref<1x128x128xf32, #tpu.memory_space<vmem>> -> memref<128x128xf32, #tpu.memory_space<vmem>>
      %dma_start3A_36 = arith.constant 0 : i32
      %dma_start3A_37 = tpu.memref_slice %arg7[%dma_start3A, %dma_start3A_30, %dma_start3A_36] : memref<6x2x128xi32, #tpu.memory_space<vmem>> -> memref<1x1x128xi32, #tpu.memory_space<vmem>>
      %dma_start3A_38 = tpu.memref_squeeze %dma_start3A_37 : memref<1x1x128xi32, #tpu.memory_space<vmem>> -> memref<128xi32, #tpu.memory_space<vmem>>
      %dma_start3A_39 = arith.constant 0 : i32
      %dma_start3A_40 = arith.constant 0 : i32
      %dma_start3A_41 = tpu.memref_slice %arg2[%dma_start3A_39, %dma_start3A_40] : memref<10000x128xf32, #tpu.memory_space<hbm>> -> memref<10000x128xf32, #tpu.memory_space<hbm>>
      tpu.enqueue_indirect_dma source(%dma_start3A_41 : memref<10000x128xf32, #tpu.memory_space<hbm>>) target(%dma_start3A_35 : memref<128x128xf32, #tpu.memory_space<vmem>>) offsets(%dma_start3A_38 : memref<128xi32, #tpu.memory_space<vmem>>) semaphore(%arg10 : memref<!tpu.dma_semaphore, #tpu.memory_space<semaphore_mem>>) {add = true}
      %dma_wait3A = arith.constant 0 : i32
      %dma_wait3A_42 = arith.constant 0 : i32
      %dma_wait3A_43 = arith.constant 0 : i32
      %dma_wait3A_44 = arith.constant 0 : i32
      %dma_wait3A_45 = arith.constant 0 : i32
      %dma_wait3A_46 = tpu.memref_slice %arg8[%dma_wait3A_43, %dma_wait3A_44, %dma_wait3A_45] : memref<3x128x128xf32, #tpu.memory_space<vmem>> -> memref<1x128x128xf32, #tpu.memory_space<vmem>>
      %dma_wait3A_47 = tpu.memref_squeeze %dma_wait3A_46 : memref<1x128x128xf32, #tpu.memory_space<vmem>> -> memref<128x128xf32, #tpu.memory_space<vmem>>
      %dma_wait3A_48 = arith.constant 0 : i32
      %dma_wait3A_49 = tpu.memref_slice %arg7[%dma_wait3A, %dma_wait3A_42, %dma_wait3A_48] : memref<6x2x128xi32, #tpu.memory_space<vmem>> -> memref<1x1x128xi32, #tpu.memory_space<vmem>>
      %dma_wait3A_50 = tpu.memref_squeeze %dma_wait3A_49 : memref<1x1x128xi32, #tpu.memory_space<vmem>> -> memref<128xi32, #tpu.memory_space<vmem>>
      %dma_wait3A_51 = arith.constant 0 : i32
      %dma_wait3A_52 = arith.constant 0 : i32
      %dma_wait3A_53 = tpu.memref_slice %arg2[%dma_wait3A_51, %dma_wait3A_52] : memref<10000x128xf32, #tpu.memory_space<hbm>> -> memref<10000x128xf32, #tpu.memory_space<hbm>>
      tpu.wait_indirect_dma semaphore(%arg10 : memref<!tpu.dma_semaphore, #tpu.memory_space<semaphore_mem>>) src(%dma_wait3A_53 : memref<10000x128xf32, #tpu.memory_space<hbm>>) dst(%dma_wait3A_47 : memref<128x128xf32, #tpu.memory_space<vmem>>)
      %scan3A_54 = arith.constant 0 : i32
      %scan3A_55 = arith.constant 0 : i32
      %scan3A_56 = arith.constant 128 : i32
      %scan3A_57 = arith.addi %scan3A_55, %scan3A_56 : i32
      %scan3A_58 = arith.constant 1 : i32
      scf.for %scan3A_63 = %scan3A_55 to %scan3A_57 step %scan3A_58  : i32 {
        %get3A = arith.constant 0 : i32
        %get3A_64 = arith.index_cast %get3A : i32 to index
        %get3A_65 = arith.index_cast %scan3A_63 : i32 to index
        %get3A_66 = arith.constant 0 : index
        %get3A_67 = tpu.vector_load %arg8[%get3A_64, %get3A_65, %get3A_66] {strides = array<i32>} : memref<3x128x128xf32, #tpu.memory_space<vmem>>, vector<1x1x16xf32>,
        %get3A_68 = vector.shape_cast %get3A_67 : vector<1x1x16xf32> to vector<16xf32>
        %max3A = arith.constant 0.000000e+00 : f32
        %max3A_69 = vector.broadcast %max3A : f32 to vector<16xf32>
        %max3A_70 = arith.maximumf %get3A_68, %max3A_69 : vector<16xf32>
        %swap3A = arith.constant 0 : i32
        %swap3A_71 = arith.index_cast %swap3A : i32 to index
        %swap3A_72 = arith.index_cast %scan3A_63 : i32 to index
        %swap3A_73 = arith.constant 0 : index
        %swap3A_74 = tpu.vector_load %arg8[%swap3A_71, %swap3A_72, %swap3A_73] {strides = array<i32>} : memref<3x128x128xf32, #tpu.memory_space<vmem>>, vector<1x1x16xf32>,
        %swap3A_75 = vector.shape_cast %swap3A_74 : vector<1x1x16xf32> to vector<16xf32>
        %swap3A_76 = vector.shape_cast %max3A_70 : vector<16xf32> to vector<1x1x16xf32>
        tpu.vector_store %arg8[%swap3A_71, %swap3A_72, %swap3A_73], %swap3A_76 {strides = array<i32>} : memref<3x128x128xf32, #tpu.memory_space<vmem>>, vector<1x1x16xf32>,
        %get3A_77 = arith.constant 0 : i32
        %get3A_78 = arith.index_cast %get3A_77 : i32 to index
        %get3A_79 = arith.index_cast %scan3A_63 : i32 to index
        %get3A_80 = arith.constant 16 : index
        %get3A_81 = tpu.vector_load %arg8[%get3A_78, %get3A_79, %get3A_80] {strides = array<i32>} : memref<3x128x128xf32, #tpu.memory_space<vmem>>, vector<1x1x16xf32>,
        %get3A_82 = vector.shape_cast %get3A_81 : vector<1x1x16xf32> to vector<16xf32>
        %max3A_83 = arith.constant 0.000000e+00 : f32
        %max3A_84 = vector.broadcast %max3A_83 : f32 to vector<16xf32>
        %max3A_85 = arith.maximumf %get3A_82, %max3A_84 : vector<16xf32>
        %swap3A_86 = arith.constant 0 : i32
        %swap3A_87 = arith.index_cast %swap3A_86 : i32 to index
        %swap3A_88 = arith.index_cast %scan3A_63 : i32 to index
        %swap3A_89 = arith.constant 16 : index
        %swap3A_90 = tpu.vector_load %arg8[%swap3A_87, %swap3A_88, %swap3A_89] {strides = array<i32>} : memref<3x128x128xf32, #tpu.memory_space<vmem>>, vector<1x1x16xf32>,
        %swap3A_91 = vector.shape_cast %swap3A_90 : vector<1x1x16xf32> to vector<16xf32>
        %swap3A_92 = vector.shape_cast %max3A_85 : vector<16xf32> to vector<1x1x16xf32>
        tpu.vector_store %arg8[%swap3A_87, %swap3A_88, %swap3A_89], %swap3A_92 {strides = array<i32>} : memref<3x128x128xf32, #tpu.memory_space<vmem>>, vector<1x1x16xf32>,
        %get3A_93 = arith.constant 0 : i32
        %get3A_94 = arith.index_cast %get3A_93 : i32 to index
        %get3A_95 = arith.index_cast %scan3A_63 : i32 to index
        %get3A_96 = arith.constant 32 : index
        %get3A_97 = tpu.vector_load %arg8[%get3A_94, %get3A_95, %get3A_96] {strides = array<i32>} : memref<3x128x128xf32, #tpu.memory_space<vmem>>, vector<1x1x16xf32>,
        %get3A_98 = vector.shape_cast %get3A_97 : vector<1x1x16xf32> to vector<16xf32>
        %max3A_99 = arith.constant 0.000000e+00 : f32
        %max3A_100 = vector.broadcast %max3A_99 : f32 to vector<16xf32>
        %max3A_101 = arith.maximumf %get3A_98, %max3A_100 : vector<16xf32>
        %swap3A_102 = arith.constant 0 : i32
        %swap3A_103 = arith.index_cast %swap3A_102 : i32 to index
        %swap3A_104 = arith.index_cast %scan3A_63 : i32 to index
        %swap3A_105 = arith.constant 32 : index
        %swap3A_106 = tpu.vector_load %arg8[%swap3A_103, %swap3A_104, %swap3A_105] {strides = array<i32>} : memref<3x128x128xf32, #tpu.memory_space<vmem>>, vector<1x1x16xf32>,
        %swap3A_107 = vector.shape_cast %swap3A_106 : vector<1x1x16xf32> to vector<16xf32>
        %swap3A_108 = vector.shape_cast %max3A_101 : vector<16xf32> to vector<1x1x16xf32>
        tpu.vector_store %arg8[%swap3A_103, %swap3A_104, %swap3A_105], %swap3A_108 {strides = array<i32>} : memref<3x128x128xf32, #tpu.memory_space<vmem>>, vector<1x1x16xf32>,
        %get3A_109 = arith.constant 0 : i32
        %get3A_110 = arith.index_cast %get3A_109 : i32 to index
        %get3A_111 = arith.index_cast %scan3A_63 : i32 to index
        %get3A_112 = arith.constant 48 : index
        %get3A_113 = tpu.vector_load %arg8[%get3A_110, %get3A_111, %get3A_112] {strides = array<i32>} : memref<3x128x128xf32, #tpu.memory_space<vmem>>, vector<1x1x16xf32>,
        %get3A_114 = vector.shape_cast %get3A_113 : vector<1x1x16xf32> to vector<16xf32>
        %max3A_115 = arith.constant 0.000000e+00 : f32
        %max3A_116 = vector.broadcast %max3A_115 : f32 to vector<16xf32>
        %max3A_117 = arith.maximumf %get3A_114, %max3A_116 : vector<16xf32>
        %swap3A_118 = arith.constant 0 : i32
        %swap3A_119 = arith.index_cast %swap3A_118 : i32 to index
        %swap3A_120 = arith.index_cast %scan3A_63 : i32 to index
        %swap3A_121 = arith.constant 48 : index
        %swap3A_122 = tpu.vector_load %arg8[%swap3A_119, %swap3A_120, %swap3A_121] {strides = array<i32>} : memref<3x128x128xf32, #tpu.memory_space<vmem>>, vector<1x1x16xf32>,
        %swap3A_123 = vector.shape_cast %swap3A_122 : vector<1x1x16xf32> to vector<16xf32>
        %swap3A_124 = vector.shape_cast %max3A_117 : vector<16xf32> to vector<1x1x16xf32>
        tpu.vector_store %arg8[%swap3A_119, %swap3A_120, %swap3A_121], %swap3A_124 {strides = array<i32>} : memref<3x128x128xf32, #tpu.memory_space<vmem>>, vector<1x1x16xf32>,
        %get3A_125 = arith.constant 0 : i32
        %get3A_126 = arith.index_cast %get3A_125 : i32 to index
        %get3A_127 = arith.index_cast %scan3A_63 : i32 to index
        %get3A_128 = arith.constant 64 : index
        %get3A_129 = tpu.vector_load %arg8[%get3A_126, %get3A_127, %get3A_128] {strides = array<i32>} : memref<3x128x128xf32, #tpu.memory_space<vmem>>, vector<1x1x16xf32>,
        %get3A_130 = vector.shape_cast %get3A_129 : vector<1x1x16xf32> to vector<16xf32>
        %max3A_131 = arith.constant 0.000000e+00 : f32
        %max3A_132 = vector.broadcast %max3A_131 : f32 to vector<16xf32>
        %max3A_133 = arith.maximumf %get3A_130, %max3A_132 : vector<16xf32>
        %swap3A_134 = arith.constant 0 : i32
        %swap3A_135 = arith.index_cast %swap3A_134 : i32 to index
        %swap3A_136 = arith.index_cast %scan3A_63 : i32 to index
        %swap3A_137 = arith.constant 64 : index
        %swap3A_138 = tpu.vector_load %arg8[%swap3A_135, %swap3A_136, %swap3A_137] {strides = array<i32>} : memref<3x128x128xf32, #tpu.memory_space<vmem>>, vector<1x1x16xf32>,
        %swap3A_139 = vector.shape_cast %swap3A_138 : vector<1x1x16xf32> to vector<16xf32>
        %swap3A_140 = vector.shape_cast %max3A_133 : vector<16xf32> to vector<1x1x16xf32>
        tpu.vector_store %arg8[%swap3A_135, %swap3A_136, %swap3A_137], %swap3A_140 {strides = array<i32>} : memref<3x128x128xf32, #tpu.memory_space<vmem>>, vector<1x1x16xf32>,
        %get3A_141 = arith.constant 0 : i32
        %get3A_142 = arith.index_cast %get3A_141 : i32 to index
        %get3A_143 = arith.index_cast %scan3A_63 : i32 to index
        %get3A_144 = arith.constant 80 : index
        %get3A_145 = tpu.vector_load %arg8[%get3A_142, %get3A_143, %get3A_144] {strides = array<i32>} : memref<3x128x128xf32, #tpu.memory_space<vmem>>, vector<1x1x16xf32>,
        %get3A_146 = vector.shape_cast %get3A_145 : vector<1x1x16xf32> to vector<16xf32>
        %max3A_147 = arith.constant 0.000000e+00 : f32
        %max3A_148 = vector.broadcast %max3A_147 : f32 to vector<16xf32>
        %max3A_149 = arith.maximumf %get3A_146, %max3A_148 : vector<16xf32>
        %swap3A_150 = arith.constant 0 : i32
        %swap3A_151 = arith.index_cast %swap3A_150 : i32 to index
        %swap3A_152 = arith.index_cast %scan3A_63 : i32 to index
        %swap3A_153 = arith.constant 80 : index
        %swap3A_154 = tpu.vector_load %arg8[%swap3A_151, %swap3A_152, %swap3A_153] {strides = array<i32>} : memref<3x128x128xf32, #tpu.memory_space<vmem>>, vector<1x1x16xf32>,
        %swap3A_155 = vector.shape_cast %swap3A_154 : vector<1x1x16xf32> to vector<16xf32>
        %swap3A_156 = vector.shape_cast %max3A_149 : vector<16xf32> to vector<1x1x16xf32>
        tpu.vector_store %arg8[%swap3A_151, %swap3A_152, %swap3A_153], %swap3A_156 {strides = array<i32>} : memref<3x128x128xf32, #tpu.memory_space<vmem>>, vector<1x1x16xf32>,
        %get3A_157 = arith.constant 0 : i32
        %get3A_158 = arith.index_cast %get3A_157 : i32 to index
        %get3A_159 = arith.index_cast %scan3A_63 : i32 to index
        %get3A_160 = arith.constant 96 : index
        %get3A_161 = tpu.vector_load %arg8[%get3A_158, %get3A_159, %get3A_160] {strides = array<i32>} : memref<3x128x128xf32, #tpu.memory_space<vmem>>, vector<1x1x16xf32>,
        %get3A_162 = vector.shape_cast %get3A_161 : vector<1x1x16xf32> to vector<16xf32>
        %max3A_163 = arith.constant 0.000000e+00 : f32
        %max3A_164 = vector.broadcast %max3A_163 : f32 to vector<16xf32>
        %max3A_165 = arith.maximumf %get3A_162, %max3A_164 : vector<16xf32>
        %swap3A_166 = arith.constant 0 : i32
        %swap3A_167 = arith.index_cast %swap3A_166 : i32 to index
        %swap3A_168 = arith.index_cast %scan3A_63 : i32 to index
        %swap3A_169 = arith.constant 96 : index
        %swap3A_170 = tpu.vector_load %arg8[%swap3A_167, %swap3A_168, %swap3A_169] {strides = array<i32>} : memref<3x128x128xf32, #tpu.memory_space<vmem>>, vector<1x1x16xf32>,
        %swap3A_171 = vector.shape_cast %swap3A_170 : vector<1x1x16xf32> to vector<16xf32>
        %swap3A_172 = vector.shape_cast %max3A_165 : vector<16xf32> to vector<1x1x16xf32>
        tpu.vector_store %arg8[%swap3A_167, %swap3A_168, %swap3A_169], %swap3A_172 {strides = array<i32>} : memref<3x128x128xf32, #tpu.memory_space<vmem>>, vector<1x1x16xf32>,
        %get3A_173 = arith.constant 0 : i32
        %get3A_174 = arith.index_cast %get3A_173 : i32 to index
        %get3A_175 = arith.index_cast %scan3A_63 : i32 to index
        %get3A_176 = arith.constant 112 : index
        %get3A_177 = tpu.vector_load %arg8[%get3A_174, %get3A_175, %get3A_176] {strides = array<i32>} : memref<3x128x128xf32, #tpu.memory_space<vmem>>, vector<1x1x16xf32>,
        %get3A_178 = vector.shape_cast %get3A_177 : vector<1x1x16xf32> to vector<16xf32>
        %max3A_179 = arith.constant 0.000000e+00 : f32
        %max3A_180 = vector.broadcast %max3A_179 : f32 to vector<16xf32>
        %max3A_181 = arith.maximumf %get3A_178, %max3A_180 : vector<16xf32>
        %swap3A_182 = arith.constant 0 : i32
        %swap3A_183 = arith.index_cast %swap3A_182 : i32 to index
        %swap3A_184 = arith.index_cast %scan3A_63 : i32 to index
        %swap3A_185 = arith.constant 112 : index
        %swap3A_186 = tpu.vector_load %arg8[%swap3A_183, %swap3A_184, %swap3A_185] {strides = array<i32>} : memref<3x128x128xf32, #tpu.memory_space<vmem>>, vector<1x1x16xf32>,
        %swap3A_187 = vector.shape_cast %swap3A_186 : vector<1x1x16xf32> to vector<16xf32>
        %swap3A_188 = vector.shape_cast %max3A_181 : vector<16xf32> to vector<1x1x16xf32>
        tpu.vector_store %arg8[%swap3A_183, %swap3A_184, %swap3A_185], %swap3A_188 {strides = array<i32>} : memref<3x128x128xf32, #tpu.memory_space<vmem>>, vector<1x1x16xf32>,
      }
      %scan3A_59 = arith.constant 128 : i32
      %run_scoped3A_60 = arith.constant 0 : i32
      %run_scoped3A_61 = arith.constant 0 : i32
      %run_scoped3A_62 = arith.constant 1 : i32
      "tpu.region"() ({
        %run_scoped3A_63 = tpu.sem_alloc : memref<!tpu.dma_semaphore, #tpu.memory_space<semaphore_mem>>
        %dma_start3A_64 = arith.constant 0 : i32
        %dma_start3A_65 = arith.constant 0 : i32
        %dma_start3A_66 = tpu.memref_slice %arg8[%run_scoped3A_60, %dma_start3A_64, %dma_start3A_65] : memref<3x128x128xf32, #tpu.memory_space<vmem>> -> memref<1x128x128xf32, #tpu.memory_space<vmem>>
        %dma_start3A_67 = tpu.memref_squeeze %dma_start3A_66 : memref<1x128x128xf32, #tpu.memory_space<vmem>> -> memref<128x128xf32, #tpu.memory_space<vmem>>
        %dma_start3A_68 = arith.constant 0 : i32
        %dma_start3A_69 = tpu.memref_slice %arg7[%run_scoped3A_61, %run_scoped3A_62, %dma_start3A_68] : memref<6x2x128xi32, #tpu.memory_space<vmem>> -> memref<1x1x128xi32, #tpu.memory_space<vmem>>
        %dma_start3A_70 = tpu.memref_squeeze %dma_start3A_69 : memref<1x1x128xi32, #tpu.memory_space<vmem>> -> memref<128xi32, #tpu.memory_space<vmem>>
        %dma_start3A_71 = arith.constant 0 : i32
        %dma_start3A_72 = arith.constant 0 : i32
        %dma_start3A_73 = tpu.memref_slice %arg9[%dma_start3A_71, %dma_start3A_72] : memref<10000x128xf32, #tpu.memory_space<vmem_shared>> -> memref<10000x128xf32, #tpu.memory_space<vmem_shared>>
        tpu.enqueue_indirect_dma source(%dma_start3A_67 : memref<128x128xf32, #tpu.memory_space<vmem>>) target(%dma_start3A_73 : memref<10000x128xf32, #tpu.memory_space<vmem_shared>>) offsets(%dma_start3A_70 : memref<128xi32, #tpu.memory_space<vmem>>) semaphore(%run_scoped3A_63 : memref<!tpu.dma_semaphore, #tpu.memory_space<semaphore_mem>>) {add = true}
        %dma_wait3A_74 = arith.constant 0 : i32
        %dma_wait3A_75 = arith.constant 0 : i32
        %dma_wait3A_76 = tpu.memref_slice %arg8[%run_scoped3A_60, %dma_wait3A_74, %dma_wait3A_75] : memref<3x128x128xf32, #tpu.memory_space<vmem>> -> memref<1x128x128xf32, #tpu.memory_space<vmem>>
        %dma_wait3A_77 = tpu.memref_squeeze %dma_wait3A_76 : memref<1x128x128xf32, #tpu.memory_space<vmem>> -> memref<128x128xf32, #tpu.memory_space<vmem>>
        %dma_wait3A_78 = arith.constant 0 : i32
        %dma_wait3A_79 = tpu.memref_slice %arg7[%run_scoped3A_61, %run_scoped3A_62, %dma_wait3A_78] : memref<6x2x128xi32, #tpu.memory_space<vmem>> -> memref<1x1x128xi32, #tpu.memory_space<vmem>>
        %dma_wait3A_80 = tpu.memref_squeeze %dma_wait3A_79 : memref<1x1x128xi32, #tpu.memory_space<vmem>> -> memref<128xi32, #tpu.memory_space<vmem>>
        %dma_wait3A_81 = arith.constant 0 : i32
        %dma_wait3A_82 = arith.constant 0 : i32
        %dma_wait3A_83 = tpu.memref_slice %arg9[%dma_wait3A_81, %dma_wait3A_82] : memref<10000x128xf32, #tpu.memory_space<vmem_shared>> -> memref<10000x128xf32, #tpu.memory_space<vmem_shared>>
        tpu.wait_indirect_dma semaphore(%run_scoped3A_63 : memref<!tpu.dma_semaphore, #tpu.memory_space<semaphore_mem>>) src(%dma_wait3A_77 : memref<128x128xf32, #tpu.memory_space<vmem>>) dst(%dma_wait3A_83 : memref<10000x128xf32, #tpu.memory_space<vmem_shared>>)
        tpu.yield
      }) : () -> ()
    }
    %scan3A_13 = arith.constant 84 : i32
    %barrier3A_14 = arith.constant 0 : index
    tpu.barrier barrier_id(%barrier3A_14)
    %lt3A_15 = arith.constant 15 : i32
    %lt3A_16 = arith.cmpi slt, %arg1, %lt3A_15 : i32
    %convert_element_type3A_17 = arith.extui %lt3A_16 : i1 to i32
    %cond3A_18 = arith.constant 0 : i32
    %cond3A_19 = arith.cmpi ne, %convert_element_type3A_17, %cond3A_18 : i32
    scf.if %cond3A_19 {
      "tpu.region"() ({
        %run_scoped3A = tpu.sem_alloc : memref<!tpu.dma_semaphore, #tpu.memory_space<semaphore_mem>>
        %dma_start3A = arith.constant 0 : i32
        %dma_start3A_25 = tpu.memref_slice %arg6[%arg0, %multiple_of3A, %dma_start3A] : memref<2x10000x128xf32, #tpu.memory_space<hbm>> -> memref<1x632x128xf32, #tpu.memory_space<hbm>>
        %dma_start3A_26 = tpu.memref_squeeze %dma_start3A_25 : memref<1x632x128xf32, #tpu.memory_space<hbm>> -> memref<632x128xf32, #tpu.memory_space<hbm>>
        %dma_start3A_27 = arith.constant 0 : i32
        %dma_start3A_28 = tpu.memref_slice %arg9[%multiple_of3A, %dma_start3A_27] : memref<10000x128xf32, #tpu.memory_space<vmem_shared>> -> memref<632x128xf32, #tpu.memory_space<vmem_shared>>
        tpu.enqueue_dma source(%dma_start3A_28 : memref<632x128xf32, #tpu.memory_space<vmem_shared>>) target(%dma_start3A_26 : memref<632x128xf32, #tpu.memory_space<hbm>>) target_semaphore(%run_scoped3A : memref<!tpu.dma_semaphore, #tpu.memory_space<semaphore_mem>>)
        %dma_wait3A = arith.constant 0 : i32
        %dma_wait3A_29 = tpu.memref_slice %arg6[%arg0, %multiple_of3A, %dma_wait3A] : memref<2x10000x128xf32, #tpu.memory_space<hbm>> -> memref<1x632x128xf32, #tpu.memory_space<hbm>>
        %dma_wait3A_30 = tpu.memref_squeeze %dma_wait3A_29 : memref<1x632x128xf32, #tpu.memory_space<hbm>> -> memref<632x128xf32, #tpu.memory_space<hbm>>
        %dma_wait3A_31 = arith.constant 0 : i32
        %dma_wait3A_32 = tpu.memref_slice %arg9[%multiple_of3A, %dma_wait3A_31] : memref<10000x128xf32, #tpu.memory_space<vmem_shared>> -> memref<632x128xf32, #tpu.memory_space<vmem_shared>>
        tpu.wait_dma2 semaphore(%run_scoped3A : memref<!tpu.dma_semaphore, #tpu.memory_space<semaphore_mem>>) src(%dma_wait3A_32 : memref<632x128xf32, #tpu.memory_space<vmem_shared>>) dst(%dma_wait3A_30 : memref<632x128xf32, #tpu.memory_space<hbm>>)
        tpu.yield
      }) : () -> ()
    } else {
    }
    %eq3A_20 = arith.constant 15 : i32
    %eq3A_21 = arith.cmpi eq, %arg1, %eq3A_20 : i32
    %convert_element_type3A_22 = arith.extui %eq3A_21 : i1 to i32
    %cond3A_23 = arith.constant 0 : i32
    %cond3A_24 = arith.cmpi ne, %convert_element_type3A_22, %cond3A_23 : i32
    scf.if %cond3A_24 {
      "tpu.region"() ({
        %run_scoped3A = tpu.sem_alloc : memref<!tpu.dma_semaphore, #tpu.memory_space<semaphore_mem>>
        %dma_start3A = arith.constant 0 : i32
        %dma_start3A_25 = tpu.memref_slice %arg6[%arg0, %multiple_of3A, %dma_start3A] : memref<2x10000x128xf32, #tpu.memory_space<hbm>> -> memref<1x520x128xf32, #tpu.memory_space<hbm>>
        %dma_start3A_26 = tpu.memref_squeeze %dma_start3A_25 : memref<1x520x128xf32, #tpu.memory_space<hbm>> -> memref<520x128xf32, #tpu.memory_space<hbm>>
        %dma_start3A_27 = arith.constant 0 : i32
        %dma_start3A_28 = tpu.memref_slice %arg9[%multiple_of3A, %dma_start3A_27] : memref<10000x128xf32, #tpu.memory_space<vmem_shared>> -> memref<520x128xf32, #tpu.memory_space<vmem_shared>>
        tpu.enqueue_dma source(%dma_start3A_28 : memref<520x128xf32, #tpu.memory_space<vmem_shared>>) target(%dma_start3A_26 : memref<520x128xf32, #tpu.memory_space<hbm>>) target_semaphore(%run_scoped3A : memref<!tpu.dma_semaphore, #tpu.memory_space<semaphore_mem>>)
        %dma_wait3A = arith.constant 0 : i32
        %dma_wait3A_29 = tpu.memref_slice %arg6[%arg0, %multiple_of3A, %dma_wait3A] : memref<2x10000x128xf32, #tpu.memory_space<hbm>> -> memref<1x520x128xf32, #tpu.memory_space<hbm>>
        %dma_wait3A_30 = tpu.memref_squeeze %dma_wait3A_29 : memref<1x520x128xf32, #tpu.memory_space<hbm>> -> memref<520x128xf32, #tpu.memory_space<hbm>>
        %dma_wait3A_31 = arith.constant 0 : i32
        %dma_wait3A_32 = tpu.memref_slice %arg9[%multiple_of3A, %dma_wait3A_31] : memref<10000x128xf32, #tpu.memory_space<vmem_shared>> -> memref<520x128xf32, #tpu.memory_space<vmem_shared>>
        tpu.wait_dma2 semaphore(%run_scoped3A : memref<!tpu.dma_semaphore, #tpu.memory_space<semaphore_mem>>) src(%dma_wait3A_32 : memref<520x128xf32, #tpu.memory_space<vmem_shared>>) dst(%dma_wait3A_30 : memref<520x128xf32, #tpu.memory_space<hbm>>)
        tpu.yield
      }) : () -> ()
    } else {
    }
    return
  }
}

module attributes {stable_mosaic.version = 14 : i64} {
  func.func @_pre_body(%arg0: memref<10000x128xf32, #tpu.memory_space<vmem>>, %arg1: memref<128x128xf32, #tpu.memory_space<vmem>>, %arg2: memref<10000x128xf32, #tpu.memory_space<vmem>>) attributes {dimension_semantics = [], scalar_prefetch = 0 : i64, scratch_operands = 0 : i64, tpu.core_type = #tpu.core_type<tc>} {
    %get3A = arith.constant 0 : index
    %get3A_0 = arith.constant 0 : index
    %get3A_1 = vector.load %arg0[%get3A, %get3A_0] : memref<10000x128xf32, #tpu.memory_space<vmem>>, vector<10000x128xf32>
    %get3A_2 = arith.constant 0 : index
    %get3A_3 = arith.constant 0 : index
    %get3A_4 = vector.load %arg1[%get3A_2, %get3A_3] : memref<128x128xf32, #tpu.memory_space<vmem>>, vector<128x128xf32>
    %dot_general3A = arith.constant dense<0.000000e+00> : vector<10000x128xf32>
    %dot_general3A_5 = tpu.matmul %get3A_1, %get3A_4, %dot_general3A {dimension_numbers = #tpu.dot_dimension_numbers<[1], [0], [0], [1], [0, 0, 1, 1], [], []>, transpose_lhs_hint = false} : vector<10000x128xf32>, vector<128x128xf32>, vector<10000x128xf32> -> vector<10000x128xf32>
    %swap3A = arith.constant 0 : index
    %swap3A_6 = arith.constant 0 : index
    %swap3A_7 = vector.load %arg2[%swap3A, %swap3A_6] : memref<10000x128xf32, #tpu.memory_space<vmem>>, vector<10000x128xf32>
    tpu.vector_store %arg2[%swap3A, %swap3A_6], %dot_general3A_5 {strides = array<i32>} : memref<10000x128xf32, #tpu.memory_space<vmem>>, vector<10000x128xf32>,
    return
  }
}

module attributes {stable_mosaic.version = 14 : i64} {
  func.func @_eap_body(%arg0: i32, %arg1: memref<4096x16xf32, #tpu.memory_space<vmem>>, %arg2: memref<16x128xf32, #tpu.memory_space<vmem>>, %arg3: memref<1x128xf32, #tpu.memory_space<vmem>>, %arg4: memref<4096x128xf32, #tpu.memory_space<vmem>>) attributes {dimension_semantics = [#tpu.dimension_semantics<arbitrary>], iteration_bounds = array<i64: 84>, scalar_prefetch = 0 : i64, scratch_operands = 0 : i64, tpu.core_type = #tpu.core_type<tc>, window_params = [{transform_indices = @transform_0, window_bounds = array<i64: 4096, 16>}, {pipeline_mode = #tpu.pipeline_mode<synchronous>, transform_indices = @transform_1, window_bounds = array<i64: 16, 128>}, {pipeline_mode = #tpu.pipeline_mode<synchronous>, transform_indices = @transform_2, window_bounds = array<i64: 1, 128>}, {transform_indices = @transform_3, window_bounds = array<i64: 4096, 128>}]} {
    %get3A = arith.constant 0 : index
    %get3A_0 = arith.constant 0 : index
    %get3A_1 = vector.load %arg1[%get3A, %get3A_0] : memref<4096x16xf32, #tpu.memory_space<vmem>>, vector<4096x16xf32>
    %get3A_2 = arith.constant 0 : index
    %get3A_3 = arith.constant 0 : index
    %get3A_4 = vector.load %arg2[%get3A_2, %get3A_3] : memref<16x128xf32, #tpu.memory_space<vmem>>, vector<16x128xf32>
    %dot_general3A = arith.constant dense<0.000000e+00> : vector<4096x128xf32>
    %dot_general3A_5 = tpu.matmul %get3A_1, %get3A_4, %dot_general3A {dimension_numbers = #tpu.dot_dimension_numbers<[1], [0], [0], [1], [0, 0, 1, 1], [], []>, transpose_lhs_hint = false} : vector<4096x16xf32>, vector<16x128xf32>, vector<4096x128xf32> -> vector<4096x128xf32>
    %get3A_6 = arith.constant 0 : index
    %get3A_7 = arith.constant 0 : index
    %get3A_8 = vector.load %arg3[%get3A_6, %get3A_7] : memref<1x128xf32, #tpu.memory_space<vmem>>, vector<1x128xf32>
    %add3A = vector.broadcast %get3A_8 : vector<1x128xf32> to vector<4096x128xf32>
    %add3A_9 = arith.addf %dot_general3A_5, %add3A : vector<4096x128xf32>
    %mul3A = arith.constant 4096 : i32
    %mul3A_10 = arith.muli %arg0, %mul3A : i32
    %iota3A = tpu.iota {dimensions = array<i32: 0>} : vector<4096x1xi32>
    %add3A_11 = vector.broadcast %mul3A_10 : i32 to vector<4096x1xi32>
    %add3A_12 = arith.addi %add3A_11, %iota3A : vector<4096x1xi32>
    %lt3A = arith.constant 320000 : i32
    %lt3A_13 = vector.broadcast %lt3A : i32 to vector<4096x1xi32>
    %lt3A_14 = arith.cmpi slt, %add3A_12, %lt3A_13 : vector<4096x1xi32>
    %jit3A = arith.constant -1.000000e+30 : f32
    %broadcast_in_dim3A = vector.shape_cast %lt3A_14 : vector<4096x1xi1> to vector<4096x1xi1>
    %broadcast_in_dim3A_15 = vector.broadcast %broadcast_in_dim3A : vector<4096x1xi1> to vector<4096x128xi1>
    %broadcast_in_dim3A_16 = vector.broadcast %jit3A : f32 to vector<4096x128xf32>
    %select_n3A = arith.select %broadcast_in_dim3A_15, %add3A_9, %broadcast_in_dim3A_16 : vector<4096x128xi1>, vector<4096x128xf32>
    %swap3A = arith.constant 0 : index
    %swap3A_17 = arith.constant 0 : index
    %swap3A_18 = vector.load %arg4[%swap3A, %swap3A_17] : memref<4096x128xf32, #tpu.memory_space<vmem>>, vector<4096x128xf32>
    tpu.vector_store %arg4[%swap3A, %swap3A_17], %select_n3A {strides = array<i32>} : memref<4096x128xf32, #tpu.memory_space<vmem>>, vector<4096x128xf32>,
    return
  }
  func.func @transform_0(%arg0: i32) -> (i32, i32) {
    %c0_i32 = arith.constant 0 : i32
    %c0_i32_0 = arith.constant 0 : i32
    return %arg0, %c0_i32 : i32, i32
  }
  func.func @transform_1(%arg0: i32) -> (i32, i32) {
    %c0_i32 = arith.constant 0 : i32
    %c0_i32_0 = arith.constant 0 : i32
    %c0_i32_1 = arith.constant 0 : i32
    return %c0_i32, %c0_i32_0 : i32, i32
  }
  func.func @transform_2(%arg0: i32) -> (i32, i32) {
    %c0_i32 = arith.constant 0 : i32
    %c0_i32_0 = arith.constant 0 : i32
    %c0_i32_1 = arith.constant 0 : i32
    return %c0_i32, %c0_i32_0 : i32, i32
  }
  func.func @transform_3(%arg0: i32) -> (i32, i32) {
    %c0_i32 = arith.constant 0 : i32
    %c0_i32_0 = arith.constant 0 : i32
    return %arg0, %c0_i32 : i32, i32
  }
}

module attributes {stable_mosaic.version = 14 : i64} {
  func.func @_deg_body(%arg0: i32, %arg1: memref<4000x1xi32, #tpu.memory_space<vmem>>, %arg2: memref<80x128xf32, #tpu.memory_space<vmem>>) attributes {dimension_semantics = [#tpu.dimension_semantics<arbitrary>], iteration_bounds = array<i64: 80>, scalar_prefetch = 0 : i64, scratch_operands = 0 : i64, tpu.core_type = #tpu.core_type<tc>, window_params = [{transform_indices = @transform_0, window_bounds = array<i64: 4000, 1>}, {pipeline_mode = #tpu.pipeline_mode<synchronous>, transform_indices = @transform_1, window_bounds = array<i64: 80, 128>}]} {
    %get3A = arith.constant 0 : index
    %get3A_0 = arith.constant 0 : index
    %get3A_1 = vector.load %arg1[%get3A, %get3A_0] : memref<4000x1xi32, #tpu.memory_space<vmem>>, vector<4000x1xi32>
    %shift_right_logical3A = arith.constant 7 : i32
    %shift_right_logical3A_2 = vector.broadcast %shift_right_logical3A : i32 to vector<4000x1xi32>
    %shift_right_logical3A_3 = arith.shrui %get3A_1, %shift_right_logical3A_2 : vector<4000x1xi32>
    %and3A = arith.constant 127 : i32
    %and3A_4 = vector.broadcast %and3A : i32 to vector<4000x1xi32>
    %and3A_5 = arith.andi %get3A_1, %and3A_4 : vector<4000x1xi32>
    %iota3A = tpu.iota {dimensions = array<i32: 1>} : vector<1x80xi32>
    %eq3A = vector.broadcast %shift_right_logical3A_3 : vector<4000x1xi32> to vector<4000x80xi32>
    %eq3A_6 = vector.broadcast %iota3A : vector<1x80xi32> to vector<4000x80xi32>
    %eq3A_7 = arith.cmpi eq, %eq3A, %eq3A_6 : vector<4000x80xi32>
    %convert_element_type3A = arith.extui %eq3A_7 : vector<4000x80xi1> to vector<4000x80xi32>
    %convert_element_type3A_8 = arith.sitofp %convert_element_type3A : vector<4000x80xi32> to vector<4000x80xf32>
    %iota3A_9 = tpu.iota {dimensions = array<i32: 1>} : vector<1x128xi32>
    %eq3A_10 = vector.broadcast %and3A_5 : vector<4000x1xi32> to vector<4000x128xi32>
    %eq3A_11 = vector.broadcast %iota3A_9 : vector<1x128xi32> to vector<4000x128xi32>
    %eq3A_12 = arith.cmpi eq, %eq3A_10, %eq3A_11 : vector<4000x128xi32>
    %convert_element_type3A_13 = arith.extui %eq3A_12 : vector<4000x128xi1> to vector<4000x128xi32>
    %convert_element_type3A_14 = arith.sitofp %convert_element_type3A_13 : vector<4000x128xi32> to vector<4000x128xf32>
    %dot_general3A = arith.constant dense<0.000000e+00> : vector<80x128xf32>
    %dot_general3A_15 = tpu.matmul %convert_element_type3A_8, %convert_element_type3A_14, %dot_general3A {dimension_numbers = #tpu.dot_dimension_numbers<[0], [0], [1], [1], [0, 1, 1, 1], [], []>, transpose_lhs_hint = false} : vector<4000x80xf32>, vector<4000x128xf32>, vector<80x128xf32> -> vector<80x128xf32>
    %eq3A_16 = arith.constant 0 : i32
    %eq3A_17 = arith.cmpi eq, %arg0, %eq3A_16 : i32
    %convert_element_type3A_18 = arith.extui %eq3A_17 : i1 to i32
    %cond3A = arith.constant 0 : i32
    %cond3A_19 = arith.cmpi ne, %convert_element_type3A_18, %cond3A : i32
    scf.if %cond3A_19 {
      %swap3A = arith.constant 0 : index
      %swap3A_24 = arith.constant 0 : index
      %swap3A_25 = vector.load %arg2[%swap3A, %swap3A_24] : memref<80x128xf32, #tpu.memory_space<vmem>>, vector<80x128xf32>
      tpu.vector_store %arg2[%swap3A, %swap3A_24], %dot_general3A_15 {strides = array<i32>} : memref<80x128xf32, #tpu.memory_space<vmem>>, vector<80x128xf32>,
    } else {
    }
    %ne3A = arith.constant 0 : i32
    %ne3A_20 = arith.cmpi ne, %arg0, %ne3A : i32
    %convert_element_type3A_21 = arith.extui %ne3A_20 : i1 to i32
    %cond3A_22 = arith.constant 0 : i32
    %cond3A_23 = arith.cmpi ne, %convert_element_type3A_21, %cond3A_22 : i32
    scf.if %cond3A_23 {
      %get3A_24 = arith.constant 0 : index
      %get3A_25 = arith.constant 0 : index
      %get3A_26 = vector.load %arg2[%get3A_24, %get3A_25] : memref<80x128xf32, #tpu.memory_space<vmem>>, vector<80x128xf32>
      %add3A = arith.addf %get3A_26, %dot_general3A_15 : vector<80x128xf32>
      %swap3A = arith.constant 0 : index
      %swap3A_27 = arith.constant 0 : index
      %swap3A_28 = vector.load %arg2[%swap3A, %swap3A_27] : memref<80x128xf32, #tpu.memory_space<vmem>>, vector<80x128xf32>
      tpu.vector_store %arg2[%swap3A, %swap3A_27], %add3A {strides = array<i32>} : memref<80x128xf32, #tpu.memory_space<vmem>>, vector<80x128xf32>,
    } else {
    }
    return
  }
  func.func @transform_0(%arg0: i32) -> (i32, i32) {
    %c0_i32 = arith.constant 0 : i32
    %c0_i32_0 = arith.constant 0 : i32
    return %arg0, %c0_i32 : i32, i32
  }
  func.func @transform_1(%arg0: i32) -> (i32, i32) {
    %c0_i32 = arith.constant 0 : i32
    %c0_i32_0 = arith.constant 0 : i32
    %c0_i32_1 = arith.constant 0 : i32
    return %c0_i32, %c0_i32_0 : i32, i32
  }
}

module attributes {stable_mosaic.version = 14 : i64} {
  func.func @_node_body(%arg0: memref<10000x128xf32, #tpu.memory_space<vmem>>, %arg1: memref<10000x128xf32, #tpu.memory_space<vmem>>, %arg2: memref<10000x128xf32, #tpu.memory_space<vmem>>, %arg3: memref<10000x1xf32, #tpu.memory_space<vmem>>, %arg4: memref<128x128xf32, #tpu.memory_space<vmem>>, %arg5: memref<1x128xf32, #tpu.memory_space<vmem>>, %arg6: memref<128x128xf32, #tpu.memory_space<vmem>>, %arg7: memref<1x128xf32, #tpu.memory_space<vmem>>, %arg8: memref<1x1xf32, #tpu.memory_space<vmem>>, %arg9: memref<1x128xf32, #tpu.memory_space<vmem>>, %arg10: memref<1x128xf32, #tpu.memory_space<vmem>>, %arg11: memref<10000x128xf32, #tpu.memory_space<vmem>>) attributes {dimension_semantics = [], scalar_prefetch = 0 : i64, scratch_operands = 0 : i64, tpu.core_type = #tpu.core_type<tc>} {
    %get3A = arith.constant 0 : index
    %get3A_0 = arith.constant 0 : index
    %get3A_1 = vector.load %arg1[%get3A, %get3A_0] : memref<10000x128xf32, #tpu.memory_space<vmem>>, vector<10000x128xf32>
    %get3A_2 = arith.constant 0 : index
    %get3A_3 = arith.constant 0 : index
    %get3A_4 = vector.load %arg2[%get3A_2, %get3A_3] : memref<10000x128xf32, #tpu.memory_space<vmem>>, vector<10000x128xf32>
    %add3A = arith.addf %get3A_1, %get3A_4 : vector<10000x128xf32>
    %get3A_5 = arith.constant 0 : index
    %get3A_6 = arith.constant 0 : index
    %get3A_7 = vector.load %arg3[%get3A_5, %get3A_6] : memref<10000x1xf32, #tpu.memory_space<vmem>>, vector<10000x1xf32>
    %get3A_8 = arith.constant 0 : index
    %get3A_9 = arith.constant 0 : index
    %get3A_10 = vector.load %arg4[%get3A_8, %get3A_9] : memref<128x128xf32, #tpu.memory_space<vmem>>, vector<128x128xf32>
    %dot_general3A = arith.constant dense<0.000000e+00> : vector<10000x128xf32>
    %dot_general3A_11 = tpu.matmul %add3A, %get3A_10, %dot_general3A {dimension_numbers = #tpu.dot_dimension_numbers<[1], [0], [0], [1], [0, 0, 1, 1], [], []>, transpose_lhs_hint = false} : vector<10000x128xf32>, vector<128x128xf32>, vector<10000x128xf32> -> vector<10000x128xf32>
    %get3A_12 = arith.constant 0 : index
    %get3A_13 = arith.constant 0 : index
    %get3A_14 = vector.load %arg5[%get3A_12, %get3A_13] : memref<1x128xf32, #tpu.memory_space<vmem>>, vector<1x128xf32>
    %mul3A = vector.broadcast %get3A_7 : vector<10000x1xf32> to vector<10000x128xf32>
    %mul3A_15 = vector.broadcast %get3A_14 : vector<1x128xf32> to vector<10000x128xf32>
    %mul3A_16 = arith.mulf %mul3A, %mul3A_15 : vector<10000x128xf32>
    %add3A_17 = arith.addf %dot_general3A_11, %mul3A_16 : vector<10000x128xf32>
    %max3A = arith.constant 1.000000e+00 : f32
    %max3A_18 = vector.broadcast %max3A : f32 to vector<10000x1xf32>
    %max3A_19 = arith.maximumf %get3A_7, %max3A_18 : vector<10000x1xf32>
    %div3A = vector.broadcast %max3A_19 : vector<10000x1xf32> to vector<10000x128xf32>
    %div3A_20 = arith.divf %add3A_17, %div3A : vector<10000x128xf32>
    %get3A_21 = arith.constant 0 : index
    %get3A_22 = arith.constant 0 : index
    %get3A_23 = vector.load %arg0[%get3A_21, %get3A_22] : memref<10000x128xf32, #tpu.memory_space<vmem>>, vector<10000x128xf32>
    %get3A_24 = arith.constant 0 : index
    %get3A_25 = arith.constant 0 : index
    %get3A_26 = vector.load %arg6[%get3A_24, %get3A_25] : memref<128x128xf32, #tpu.memory_space<vmem>>, vector<128x128xf32>
    %dot_general3A_27 = arith.constant dense<0.000000e+00> : vector<10000x128xf32>
    %dot_general3A_28 = tpu.matmul %get3A_23, %get3A_26, %dot_general3A_27 {dimension_numbers = #tpu.dot_dimension_numbers<[1], [0], [0], [1], [0, 0, 1, 1], [], []>, transpose_lhs_hint = false} : vector<10000x128xf32>, vector<128x128xf32>, vector<10000x128xf32> -> vector<10000x128xf32>
    %get3A_29 = arith.constant 0 : index
    %get3A_30 = arith.constant 0 : index
    %get3A_31 = vector.load %arg7[%get3A_29, %get3A_30] : memref<1x128xf32, #tpu.memory_space<vmem>>, vector<1x128xf32>
    %add3A_32 = vector.broadcast %get3A_31 : vector<1x128xf32> to vector<10000x128xf32>
    %add3A_33 = arith.addf %dot_general3A_28, %add3A_32 : vector<10000x128xf32>
    %add3A_34 = arith.addf %add3A_33, %div3A_20 : vector<10000x128xf32>
    %get3A_35 = arith.constant 0 : index
    %get3A_36 = arith.constant 0 : index
    %get3A_37 = vector.load %arg8[%get3A_35, %get3A_36] : memref<1x1xf32, #tpu.memory_space<vmem>>, vector<1x1xf32>
    %get3A_38 = vector.extract %get3A_37[0, 0] : f32 from vector<1x1xf32>
    %ge3A = arith.constant 0.000000e+00 : f32
    %ge3A_39 = vector.broadcast %ge3A : f32 to vector<10000x128xf32>
    %ge3A_40 = arith.cmpf oge, %add3A_34, %ge3A_39 : vector<10000x128xf32>
    %mul3A_41 = vector.broadcast %get3A_38 : f32 to vector<10000x128xf32>
    %mul3A_42 = arith.mulf %mul3A_41, %add3A_34 : vector<10000x128xf32>
    %select_n3A = arith.select %ge3A_40, %add3A_34, %mul3A_42 : vector<10000x128xi1>, vector<10000x128xf32>
    %reduce_sum3A = arith.constant dense<0.000000e+00> : vector<128xf32>
    %reduce_sum3A_43 = vector.multi_reduction <add>, %select_n3A, %reduce_sum3A [0] : vector<10000x128xf32> to vector<128xf32>
    %broadcast_in_dim3A = vector.shape_cast %reduce_sum3A_43 : vector<128xf32> to vector<1x128xf32>
    %div3A_44 = arith.constant 1.000000e+04 : f32
    %div3A_45 = vector.broadcast %div3A_44 : f32 to vector<1x128xf32>
    %div3A_46 = arith.divf %broadcast_in_dim3A, %div3A_45 : vector<1x128xf32>
    %sub3A = vector.broadcast %div3A_46 : vector<1x128xf32> to vector<10000x128xf32>
    %sub3A_47 = arith.subf %select_n3A, %sub3A : vector<10000x128xf32>
    %integer_pow3A = arith.mulf %sub3A_47, %sub3A_47 : vector<10000x128xf32>
    %reduce_sum3A_48 = arith.constant dense<0.000000e+00> : vector<128xf32>
    %reduce_sum3A_49 = vector.multi_reduction <add>, %integer_pow3A, %reduce_sum3A_48 [0] : vector<10000x128xf32> to vector<128xf32>
    %broadcast_in_dim3A_50 = vector.shape_cast %reduce_sum3A_49 : vector<128xf32> to vector<1x128xf32>
    %div3A_51 = arith.constant 1.000000e+04 : f32
    %div3A_52 = vector.broadcast %div3A_51 : f32 to vector<1x128xf32>
    %div3A_53 = arith.divf %broadcast_in_dim3A_50, %div3A_52 : vector<1x128xf32>
    %sub3A_54 = vector.broadcast %div3A_46 : vector<1x128xf32> to vector<10000x128xf32>
    %sub3A_55 = arith.subf %select_n3A, %sub3A_54 : vector<10000x128xf32>
    %add3A_56 = arith.constant 9.99999974E-6 : f32
    %add3A_57 = vector.broadcast %add3A_56 : f32 to vector<1x128xf32>
    %add3A_58 = arith.addf %div3A_53, %add3A_57 : vector<1x128xf32>
    %rsqrt3A = math.rsqrt %add3A_58 : vector<1x128xf32>
    %mul3A_59 = vector.broadcast %rsqrt3A : vector<1x128xf32> to vector<10000x128xf32>
    %mul3A_60 = arith.mulf %sub3A_55, %mul3A_59 : vector<10000x128xf32>
    %get3A_61 = arith.constant 0 : index
    %get3A_62 = arith.constant 0 : index
    %get3A_63 = vector.load %arg9[%get3A_61, %get3A_62] : memref<1x128xf32, #tpu.memory_space<vmem>>, vector<1x128xf32>
    %mul3A_64 = vector.broadcast %get3A_63 : vector<1x128xf32> to vector<10000x128xf32>
    %mul3A_65 = arith.mulf %mul3A_60, %mul3A_64 : vector<10000x128xf32>
    %get3A_66 = arith.constant 0 : index
    %get3A_67 = arith.constant 0 : index
    %get3A_68 = vector.load %arg10[%get3A_66, %get3A_67] : memref<1x128xf32, #tpu.memory_space<vmem>>, vector<1x128xf32>
    %add3A_69 = vector.broadcast %get3A_68 : vector<1x128xf32> to vector<10000x128xf32>
    %add3A_70 = arith.addf %mul3A_65, %add3A_69 : vector<10000x128xf32>
    %swap3A = arith.constant 0 : index
    %swap3A_71 = arith.constant 0 : index
    %swap3A_72 = vector.load %arg11[%swap3A, %swap3A_71] : memref<10000x128xf32, #tpu.memory_space<vmem>>, vector<10000x128xf32>
    tpu.vector_store %arg11[%swap3A, %swap3A_71], %add3A_70 {strides = array<i32>} : memref<10000x128xf32, #tpu.memory_space<vmem>>, vector<10000x128xf32>,
    return
  }
}

module attributes {stable_mosaic.version = 14 : i64} {
  func.func @_head_body(%arg0: memref<10000x128xf32, #tpu.memory_space<vmem>>, %arg1: memref<10000x1xi32, #tpu.memory_space<vmem>>, %arg2: memref<128x128xf32, #tpu.memory_space<vmem>>, %arg3: memref<1x128xf32, #tpu.memory_space<vmem>>, %arg4: memref<128x10xf32, #tpu.memory_space<vmem>>, %arg5: memref<1x10xf32, #tpu.memory_space<vmem>>, %arg6: memref<64x10xf32, #tpu.memory_space<vmem>>) attributes {dimension_semantics = [], scalar_prefetch = 0 : i64, scratch_operands = 0 : i64, tpu.core_type = #tpu.core_type<tc>} {
    %get3A = arith.constant 0 : index
    %get3A_0 = arith.constant 0 : index
    %get3A_1 = vector.load %arg1[%get3A, %get3A_0] : memref<10000x1xi32, #tpu.memory_space<vmem>>, vector<10000x1xi32>
    %iota3A = tpu.iota {dimensions = array<i32: 1>} : vector<1x64xi32>
    %eq3A = vector.broadcast %get3A_1 : vector<10000x1xi32> to vector<10000x64xi32>
    %eq3A_2 = vector.broadcast %iota3A : vector<1x64xi32> to vector<10000x64xi32>
    %eq3A_3 = arith.cmpi eq, %eq3A, %eq3A_2 : vector<10000x64xi32>
    %convert_element_type3A = arith.extui %eq3A_3 : vector<10000x64xi1> to vector<10000x64xi32>
    %convert_element_type3A_4 = arith.sitofp %convert_element_type3A : vector<10000x64xi32> to vector<10000x64xf32>
    %get3A_5 = arith.constant 0 : index
    %get3A_6 = arith.constant 0 : index
    %get3A_7 = vector.load %arg0[%get3A_5, %get3A_6] : memref<10000x128xf32, #tpu.memory_space<vmem>>, vector<10000x128xf32>
    %dot_general3A = arith.constant dense<0.000000e+00> : vector<64x128xf32>
    %dot_general3A_8 = tpu.matmul %convert_element_type3A_4, %get3A_7, %dot_general3A {dimension_numbers = #tpu.dot_dimension_numbers<[0], [0], [1], [1], [0, 1, 1, 1], [], []>, transpose_lhs_hint = false} : vector<10000x64xf32>, vector<10000x128xf32>, vector<64x128xf32> -> vector<64x128xf32>
    %broadcast_in_dim3A = arith.constant 1.000000e+00 : f32
    %broadcast_in_dim3A_9 = vector.broadcast %broadcast_in_dim3A : f32 to vector<10000x1xf32>
    %dot_general3A_10 = arith.constant dense<0.000000e+00> : vector<64x1xf32>
    %dot_general3A_11 = tpu.matmul %convert_element_type3A_4, %broadcast_in_dim3A_9, %dot_general3A_10 {dimension_numbers = #tpu.dot_dimension_numbers<[0], [0], [1], [1], [0, 1, 1, 1], [], []>, transpose_lhs_hint = false} : vector<10000x64xf32>, vector<10000x1xf32>, vector<64x1xf32> -> vector<64x1xf32>
    %max3A = arith.constant 1.000000e+00 : f32
    %max3A_12 = vector.broadcast %max3A : f32 to vector<64x1xf32>
    %max3A_13 = arith.maximumf %dot_general3A_11, %max3A_12 : vector<64x1xf32>
    %div3A = vector.broadcast %max3A_13 : vector<64x1xf32> to vector<64x128xf32>
    %div3A_14 = arith.divf %dot_general3A_8, %div3A : vector<64x128xf32>
    %get3A_15 = arith.constant 0 : index
    %get3A_16 = arith.constant 0 : index
    %get3A_17 = vector.load %arg2[%get3A_15, %get3A_16] : memref<128x128xf32, #tpu.memory_space<vmem>>, vector<128x128xf32>
    %dot_general3A_18 = arith.constant dense<0.000000e+00> : vector<64x128xf32>
    %dot_general3A_19 = tpu.matmul %div3A_14, %get3A_17, %dot_general3A_18 {dimension_numbers = #tpu.dot_dimension_numbers<[1], [0], [0], [1], [0, 0, 1, 1], [], []>, transpose_lhs_hint = false} : vector<64x128xf32>, vector<128x128xf32>, vector<64x128xf32> -> vector<64x128xf32>
    %get3A_20 = arith.constant 0 : index
    %get3A_21 = arith.constant 0 : index
    %get3A_22 = vector.load %arg3[%get3A_20, %get3A_21] : memref<1x128xf32, #tpu.memory_space<vmem>>, vector<1x128xf32>
    %add3A = vector.broadcast %get3A_22 : vector<1x128xf32> to vector<64x128xf32>
    %add3A_23 = arith.addf %dot_general3A_19, %add3A : vector<64x128xf32>
    %max3A_24 = arith.constant 0.000000e+00 : f32
    %max3A_25 = vector.broadcast %max3A_24 : f32 to vector<64x128xf32>
    %max3A_26 = arith.maximumf %add3A_23, %max3A_25 : vector<64x128xf32>
    %get3A_27 = arith.constant 0 : index
    %get3A_28 = arith.constant 0 : index
    %get3A_29 = vector.load %arg4[%get3A_27, %get3A_28] : memref<128x10xf32, #tpu.memory_space<vmem>>, vector<128x10xf32>
    %dot_general3A_30 = arith.constant dense<0.000000e+00> : vector<64x10xf32>
    %dot_general3A_31 = tpu.matmul %max3A_26, %get3A_29, %dot_general3A_30 {dimension_numbers = #tpu.dot_dimension_numbers<[1], [0], [0], [1], [0, 0, 1, 1], [], []>, transpose_lhs_hint = false} : vector<64x128xf32>, vector<128x10xf32>, vector<64x10xf32> -> vector<64x10xf32>
    %get3A_32 = arith.constant 0 : index
    %get3A_33 = arith.constant 0 : index
    %get3A_34 = vector.load %arg5[%get3A_32, %get3A_33] : memref<1x10xf32, #tpu.memory_space<vmem>>, vector<1x10xf32>
    %add3A_35 = vector.broadcast %get3A_34 : vector<1x10xf32> to vector<64x10xf32>
    %add3A_36 = arith.addf %dot_general3A_31, %add3A_35 : vector<64x10xf32>
    %swap3A = arith.constant 0 : index
    %swap3A_37 = arith.constant 0 : index
    %swap3A_38 = vector.load %arg6[%swap3A, %swap3A_37] : memref<64x10xf32, #tpu.memory_space<vmem>>, vector<64x10xf32>
    tpu.vector_store %arg6[%swap3A, %swap3A_37], %add3A_36 {strides = array<i32>} : memref<64x10xf32, #tpu.memory_space<vmem>>, vector<64x10xf32>,
    return
  }
}

</mosaic_0001>

<sc_bundles>
// kernel: kernel.20.cloned.1.call-start
scs
__scs_entry_jumppad:
0x0: {  	(pc) =	sbr.rel $0x88, $3  }
0x1: {  	(tag) =	ssettag $0x0;
	lr =	simm.s32 $0x1  }
0x2: {  	[smem:$0x3F90] =	sst lr;
	_ =	strace $0xD0000000  }
0x3: {  	_ = 	snop  }
0x4: {  	_ = 	snop  }
0x5: {  	_ = 	snop  }
0x6: {  	_ = 	snop  }
0x7: {  	_ = 	snop  }
__scs_overlays_trampoline_lowered:
0x8: {  	[smem:$0x3F9F] =	sst s0  }
0x9: {  	[smem:$0x3FA0] =	sst s1  }
0xa: {  	[smem:$0x3FA1] =	sst s2  }
0xb: {  	[smem:$0x3FA2] =	sst s3  }
0xc: {  	[smem:$0x3FA3] =	sst s4  }
0xd: {  	[smem:$0x3FA4] =	sst s5  }
0xe: {  	[smem:$0x3FA5] =	sst s6  }
0xf: {  	[smem:$0x3FA6] =	sst s7  }
0x10: {  	[smem:$0x3FA7] =	sst s8  }
0x11: {  	[smem:$0x3FA8] =	sst s9;
	s0 =	simm.s32 @!p0 $0x0  }
0x12: {  	s1 =	sld [smem:$0x3F8E];
	s0 =	simm.s32 @p0 $0x1  }
0x13: {  	[smem:$0x3FA9] =	sst s0;
	s0 =	simm.s32 @!p1 $0x0  }
0x14: {  	s2 =	sld [smem:$0x3F8D];
	s0 =	simm.s32 @p1 $0x1  }
0x15: {  	[smem:$0x3FAA] =	sst s0;
	s0 =	simm.s32 @!p2 $0x0  }
0x16: {  	s3 =	sld [smem:$0x3FDB];
	s0 =	simm.s32 @p2 $0x1  }
0x17: {  	s4 =	simm.s32 $0x1BF5;
	[smem:$0x3FAC] =	sst s0  }
0x18: {  	s0 =	sld [smem:$0x3F8F];
	_ =	swait.ge [sflag:s4], $0x0  }
0x19: {  	s7 =	sld [smem:$0x3F90]  }
0x1a: {  	s8 =	sadd.s32 $0xFFFFE003, lr  }
0x1b: {  	s9 =	sadd.s32 $0xFFFFFEF7, lr;
	s5 =	simm.s32 $0xFFFFFFFF;
	p2 =	slt.u32 s8, $0xFFFFF086  }
0x1c: {  	p1 =	slt.u32 s9, $0xF7A;
	s5 =	simm.s32 @!p2 $0x0  }
0x1d: {  	s5 =	simm.s32 @p1 $0x1;
	p0 =	seq.s32 s7, s2  }
0x1e: {  	s7 =	smul.u32 @!p0 $0xF7A, s2;
	p2 =	seq.s32 @!p0 s5, $0x0  }
0x1f: {  	s9 =	smul.u32 $0xF7A, s1;
	s8 =	simm.s32 @!p0 $0x1BF5;
	p2 =	por !p2, p0  }
0x20: {  	[sflag:s8] =	ssyncset.s32 @!p0 $0xFFFFF086;
	s6 =	sadd.s32 @!p0 s3, s7;
	s7 =	simm.s32 @!p0 $0x108  }
0x21: {  	s3 =	sadd.s32 s3, s9;
	s6 =	sadd.s32 @!p0 $0x88, s6;
	s7 =	simm.s32 @p2 $0x1082  }
0x22: {  	[simem:s7], [sflag:s8] =	dma.local @!p0 [hbm:s6], $0xF7A  }
0x23: {  	s9 =	sor.u32 $0xD0000000, s2;
	s6 =	simm.s32 $0x108;
	_ =	swait.ge @!p0 [sflag:s8], $0x0  }
0x24: {  	s3 =	sadd.s32 $0x88, s3;
	s6 =	simm.s32 @!p1 $0x1082;
	[sflag:s4] =	ssyncset.s32 $0xFFFFF086  }
0x25: {  	[simem:s6], [sflag:s4] =	dma.local [hbm:s3], $0xF7A  }
0x26: {  	[smem:$0x3F90] =	sst s1;
	(tag) =	ssettag s2;
	_ =	strace s9  }
0x27: {  	s1 =	sld [smem:$0x3FA0]  }
0x28: {  	s2 =	sld [smem:$0x3FA1]  }
0x29: {  	s4 =	sld [smem:$0x3FA3]  }
0x2a: {  	p0 =	seq.s32 s5, $0x0;
	s5 =	sld [smem:$0x3FA4]  }
0x2b: {  	s6 =	sld [smem:$0x3FA5]  }
0x2c: {  	s7 =	sld [smem:$0x3FA6]  }
0x2d: {  	s3 =	simm.s32 $0x108;
	s8 =	sld [smem:$0x3FA7]  }
0x2e: {  	s3 =	simm.s32 @!p0 $0x1082;
	s9 =	sld [smem:$0x3FA8]  }
0x2f: {  	lr =	sadd.s32 s0, s3;
	s0 =	sld [smem:$0x3F9F]  }
0x30: {  	s3 =	sld [smem:$0x3FA2]  }
0x31: {  	[smem:$0x3FAB] =	sst s10  }
0x32: {  	s10 =	sld [smem:$0x3FA9];
	_ =	sdelay $0x3  }
0x33: {  	p0 =	seq.s32 s10, $0x1;
	s10 =	sld [smem:$0x3FAB];
	_ =	sdelay $0x3  }
0x34: {  	[smem:$0x3FAB] =	sst s10  }
0x35: {  	s10 =	sld [smem:$0x3FAA];
	_ =	sdelay $0x3  }
0x36: {  	p1 =	seq.s32 s10, $0x1;
	s10 =	sld [smem:$0x3FAB];
	_ =	sdelay $0x3  }
0x37: {  	[smem:$0x3FAB] =	sst s10  }
0x38: {  	s10 =	sld [smem:$0x3FAC]  }
0x39: {  	_ = 	snop;
	(pc) =	sbr.ind lr, $3  }
0x3a: {  	_ = 	snop  }
0x3b: {  	_ = 	snop  }
0x3c: {  	p2 =	seq.s32 s10, $0x1;
	s10 =	sld [smem:$0x3FAB]  }
0x3d: {  	_ =	shalt  }
0x3e: {  	_ =	shalt  }
0x3f: {  	_ =	shalt  }
0x40: {  	_ =	shalt  }
0x41: {  	_ =	shalt  }
0x42: {  	_ =	shalt  }
0x43: {  	_ =	shalt  }
0x44: {  	_ =	shalt  }
0x45: {  	_ =	shalt  }
0x46: {  	_ =	shalt  }
0x47: {  	_ =	shalt  }
0x48: {  	_ =	shalt  }
0x49: {  	_ =	shalt  }
0x4a: {  	_ =	shalt  }
0x4b: {  	_ =	shalt  }
0x4c: {  	_ =	shalt  }
0x4d: {  	_ =	shalt  }
0x4e: {  	_ =	shalt  }
0x4f: {  	_ =	shalt  }
0x50: {  	_ =	shalt  }
0x51: {  	_ =	shalt  }
0x52: {  	_ =	shalt  }
0x53: {  	_ =	shalt  }
0x54: {  	_ =	shalt  }
0x55: {  	_ =	shalt  }
0x56: {  	_ =	shalt  }
0x57: {  	_ =	shalt  }
0x58: {  	_ =	shalt  }
0x59: {  	_ =	shalt  }
0x5a: {  	_ =	shalt  }
0x5b: {  	_ =	shalt  }
0x5c: {  	_ =	shalt  }
0x5d: {  	_ =	shalt  }
0x5e: {  	_ =	shalt  }
0x5f: {  	_ =	shalt  }
0x60: {  	_ =	shalt  }
0x61: {  	_ =	shalt  }
0x62: {  	_ =	shalt  }
0x63: {  	_ =	shalt  }
0x64: {  	_ =	shalt  }
0x65: {  	_ =	shalt  }
0x66: {  	_ =	shalt  }
0x67: {  	_ =	shalt  }
0x68: {  	_ =	shalt  }
0x69: {  	_ =	shalt  }
0x6a: {  	_ =	shalt  }
0x6b: {  	_ =	shalt  }
0x6c: {  	_ =	shalt  }
0x6d: {  	_ =	shalt  }
0x6e: {  	_ =	shalt  }
0x6f: {  	_ =	shalt  }
0x70: {  	_ =	shalt  }
0x71: {  	_ =	shalt  }
0x72: {  	_ =	shalt  }
0x73: {  	_ =	shalt  }
0x74: {  	_ =	shalt  }
0x75: {  	_ =	shalt  }
0x76: {  	_ =	shalt  }
0x77: {  	_ =	shalt  }
0x78: {  	_ =	shalt  }
0x79: {  	_ =	shalt  }
0x7a: {  	_ =	shalt  }
0x7b: {  	_ =	shalt  }
0x7c: {  	_ =	shalt  }
0x7d: {  	_ =	shalt  }
0x7e: {  	_ =	shalt  }
0x7f: {  	_ =	shalt  }
0x80: {  	_ =	shalt  }
0x81: {  	_ =	shalt  }
0x82: {  	_ =	shalt  }
0x83: {  	_ =	shalt  }
0x84: {  	_ =	shalt  }
0x85: {  	_ =	shalt  }
0x86: {  	_ =	shalt  }
0x87: {  	_ =	shalt  }
.Lfunc_end0:
.L_simem_size_0:
called_computation_lowered:
.L_overlay_start_0:
0x88: {  	s2 =	sld [smem:$0x3FD9]  }
0x89: {  	s3 =	sld [smem:$0x3FFE];
	_ =	sdelay $0x1  }
0x8a: {  	s1 =	srdreg.scid  }
0x8b: {  	s0 =	sand.u32 $0x1, s1  }
0x8c: {  	s16 =	sshll.u32 s0, $0xA;
	s2 =	sadd.s32 s3, s2  }
0x8d: {  	s2 =	sadd.s32 s2, s16  }
0x8e: {  	[smem:$0x3FB7] =	sst s2  }
0x8f: {  	_ = 	snop  }
0x90: {  	(tm) =	ssettm $0x1  }
0x91: {  	s17 =	sld [smem:$0x3FFB];
	_ =	sdelay $0x3  }
0x92: {  	_ =	strace s17  }
0x93: {  	s2 =	sld [smem:$0x3FFC];
	_ =	sdelay $0x3  }
0x94: {  	_ =	strace s2  }
0x95: {  	s2 =	sld [smem:$0x3FFD];
	_ =	sdelay $0x3  }
0x96: {  	_ =	strace s2  }
0x97: {  	_ =	strace $0x8FFFFFFF  }
0x98: {  	s18 =	sld [smem:$0x3FDB];
	_ =	sdelay $0x1  }
0x99: {  	s19 =	simm.s32 $_scs_section_size  }
0x9a: {  	s4 =	simm.s32 $_size__tile_overlayer_lowered;
	s5 =	simm.s32 $_tile_overlayer_lowered  }
0x9b: {  	s22 =	simm.s32 $0x1BFF;
	s21 =	sshll.u32 s5, $0x1;
	s2 =	sadd.s32 s19, s18  }
0x9c: {  	s6 =	simm.s32 $0x0;
	s20 =	sshll.u32 s4, $0x1;
	s4 =	sadd.s32 s21, s2  }
0x9d: {  	[timem:s6], [sflag:s22] =	dma.local [hbm:s4], s20  }
0x9e: {  	_ =	swait.ge [sflag:s22], s20  }
0x9f: {  	s3 =	ssub.s32 $0x0, s20;
	[sflag:s22] =	ssyncset.done $0x0  }
0xa0: {  	[sflag:s22] =	ssyncadd.s32 s3;
	_ =	sdelay $0x1  }
0xa1: {  	s23 =	simm.s32 $0x1B8B  }
0xa2: {  	_ =	swait.ge [sflag:s23], $0x1  }
0xa3: {  	[sflag:s23] =	ssyncset.done $0x0  }
0xa4: {  	s25 =	simm.s32 $0x1B8E;
	s24 =	sld [smem:$0x3FFE];
	[sflag:s23] =	ssyncadd.s32 $0xFFFFFFFF  }
0xa5: {  	s26 =	simm.s32 $execute0_lowered;
	[smem:$0x3FD2] =	sst s25  }
0xa6: {  	s4 =	sshll.u32 s26, $0x1;
	_ =	strace $0x80000046;
	[dreg:$0x1] =	wrdreg $0xFFFFFFFF  }
0xa7: {  	s28 =	simm.s32 $_size_execute0_lowered;
	s2 =	sadd.s32 s2, s4;
	[dreg:$0x0] =	wrdreg $0x0  }
0xa8: {  	s4 =	sshll.u32 s28, $0x1;
	[dreg:$0x2] =	wrdreg s2  }
0xa9: {  	[dreg:$0x3] =	wrdreg s4  }
0xaa: {  	[dreg:$0x4] =	wrdreg $0xC0  }
0xab: {  	_ =	task [dreg:s6], $0x5FFFF  }
0xac: {  	[dreg:$0x1] =	wrdreg $0xFFFFFFFF  }
0xad: {  	[dreg:$0x0] =	wrdreg $0x60  }
0xae: {  	[dreg:$0x2] =	wrdreg s24  }
0xaf: {  	[dreg:$0x3] =	wrdreg $0xC6000  }
0xb0: {  	[dreg:$0x4] =	wrdreg $0x9  }
0xb1: {  	_ =	task.clear_ibuf [dreg:s6], $0x5FFFF;
	_ =	strace $0x90000046  }
0xb2: {  	s29 =	simm.s32 $0x9;
	_ =	strace $0x80000048  }
0xb3: {  	_ =	swait.ge [sflag:s29], $0x1  }
0xb4: {  	[sflag:s29] =	ssyncadd.s32 $0xFFFFFFFF  }
0xb5: {  	_ =	strace $0x90000048  }
0xb6: {  	_ =	sfence  }
0xb7: {  	s30 =	sld [smem:$0x0];
	_ =	sdelay $0x2  }
0xb8: {  	s31 =	sshll.u32 s1, $0xD;
	s1 =	sshrl.u32 s1, $0x2  }
0xb9: {  	s3 =	sand.u32 $0x4000, s31;
	s1 =	sadd.s32 s1, s30  }
0xba: {  	s0 =	sor.u32 s3, s0;
	s1 =	sshll.u32 s1, $0x11  }
0xbb: {  	s0 =	sor.u32 s1, s0  }
0xbc: {  	s0 =	sadd.s32 $0x8F2B, s0  }
0xbd: {  	[sflag:s0] =	ssyncadd.remote.s32 $0x1  }
0xbe: {  	_ =	sfence.sel $0xFFFF  }
0xbf: {  	[dreg:$0x0] =	wrdreg $0xFFFFFFFF;
	(pc) =	sbr.abs _section_cstart, $3  }
0xc0: {  	[dreg:$0x1] =	wrdreg $0xFFFFFFFF  }
0xc1: {  	_ =	task.clear_ibuf [dreg:s6], $0x2FFFF;
	_ =	strace $0x9FFFFFFF  }
0xc2: {  	(tm) =	ssettm $0x7FFFFFFF  }
0xc3: {  	_ =	shalt  }
tec
execute0_lowered:
.L_overlay_start_1:
0x0: {  	(tag) =	ssettag $0x1  }
0x1: {  	s10 =	rddreg [dreg:$0x0]  }
0x2: {  	s1 =	rddreg [dreg:$0x1]  }
0x3: {  	s0 =	rddreg [dreg:$0x2];
	s3 =	simm.s32 $0x0  }
0x4: {  	s2 =	stileid.u32;
	s7 =	srdreg.scid;
	s18 =	simm.s32 $0x600  }
0x5: {  	s19 =	simm.s32 $0x80;
	s20 =	simm.s32 $0x1;
	[smem:$0x7FF] =	sst s3  }
0x6: {  	s4 =	sadd.s32 $0x21600, s10;
	s8 =	smul.u32 $0x2780, s2;
	s5 =	sadd.s32 $0xA38A00, s10  }
0x7: {  	s6 =	sadd.s32 $0xC600, s10;
	s7 =	sand.u32 $0x1, s7;
	s11 =	smul.u32 $0x4F000, s2  }
0x8: {  	s12 =	sadd.s32 $0x6FA00, s10;
	s15 =	smul.u32 $0x13C00, s2;
	s17 =	sadd.s32 $0x128400, s1  }
0x9: {  	p0 =	seq.s32 s2, $0xF;
	_ =	strace $0x80000047;
	s30 =	ssub.s32 $0x2, s7  }
0xa: {  	s14 =	smul.u32 $0x138800, s7;
	s9 =	sadd.s32 s8, s10;
	s13 =	sshrl.u32 s30, $0x1  }
0xb: {  	s11 =	sshrl.u32 s11, $0x2;
	s8 =	sshll.u32 s2, $0x1;
	s10 =	sadd.s32 $0x6D880, s10  }
0xc: {  	s13 =	ssub.s32 s30, s13;
	s16 =	sadd.s32 s11, s1;
	s9 =	sadd.s32 $0x48800, s9  }
0xd: {  	s31 =	sadd.s32 s15, s14;
	s14 =	sshrl.u32 s14, $0x3;
	s15 =	sshll.u32 @!p0 s2, $0x6  }
0xe: {  	s11 =	sshrl.u32 s31, $0x3;
	s14 =	sadd.s32 s12, s14;
	s13 =	smax.u32 s13, $0x1  }
0xf: {  	s15 =	sor.u32 @!p0 $0x1C02, s15;
	s16 =	sshrl.u32 @!p0 s16, $0x3;
	s11 =	sadd.s32 s12, s11  }
0x10: {  	s12 =	sadd.s32 $0x25080, s14;
	s14 =	sshrl.u32 @p0 s17, $0x3;
	s17 =	simm.s32 $0x2  }
.LBB2_1:
0x11: {  	s21 =	simm.s32 @p0 $0x1FC2  }
0x12: {  	[spmem:s14], [sflag:s21] =	dma.local @p0 [hbm:s10], $0x2080  }
0x13: {  	s21 =	simm.s32 @p0 $0x2  }
0x14: {  	_ =	swait.ge @p0 [sflag:s21], $0x2080  }
0x15: {  	[sflag:s21] =	ssyncset.done @p0 $0x0  }
0x16: {  	[sflag:s21] =	ssyncadd.s32 @p0 $0xFFFFDF80;
	s21 =	simm.s32 @!p0 $0x2  }
0x17: {  	[spmem:s16], [sflag:s15] =	dma.local @!p0 [hbm:s9], $0x2780  }
0x18: {  	_ =	swait.ge @!p0 [sflag:s21], $0x2780  }
0x19: {  	[sflag:s21] =	ssyncset.done @!p0 $0x0  }
0x1a: {  	[sflag:s21] =	ssyncadd.s32 @!p0 $0xFFFFD880  }
0x1b: {  	s21 =	simm.s32 $0x0;
	[bflag:$0x0] =	sbarrier.arrive $0xFFFF  }
.LBB2_2:
0x1c: {  	s22 =	sshll.u32 s21, $0x5  }
0x1d: {  	s22 =	sor.u32 s22, s8  }
0x1e: {  	s22 =	sor.u32 s7, s22  }
0x1f: {  	s23 =	sshll.u32 s22, $0x5  }
0x20: {  	s24 =	simm.s32 $0x0;
	s23 =	sadd.s32 s6, s23  }
0x21: {  	[tilespmem:s24], [sflag:$0x2] =	stream.linear.gather [hbm4b:s23+s24], $0x100, $0x38;
	[tilespmem:$0x1FE80] =	vst v63  }
0x22: {  	_ =	swait.ge [sflag:s17], $0x100  }
0x23: {  	s22 =	sshll.u32 s22, $0xB;
	[sflag:s17] =	ssyncset.done $0x0  }
0x24: {  	s22 =	sadd.s32 s5, s22;
	[sflag:s17] =	ssyncadd.s32 $0xFFFFFF00  }
0x25: {  	[tilespmem:s18], [sflag:$0x2] =	stream.linear.gather [hbm4b:s22+s24], $0x4000, $0x38;
	[tilespmem:$0x1FE80] =	vst v63  }
0x26: {  	_ =	swait.ge [sflag:s17], $0x4000  }
0x27: {  	[sflag:s17] =	ssyncset.done $0x0  }
0x28: {  	[sflag:s17] =	ssyncadd.s32 $0xFFFFC000  }
0x29: {  	[tilespmem:s18], [sflag:$0x1] =	stream.indirect.gather.add.f32 [hbm:s4], $0x80, s24, s19, $0xb8;
	[tilespmem:$0x1FE80] =	vst v63  }
0x2a: {  	_ =	swait.ge [sflag:s20], $0x4000  }
0x2b: {  	[sflag:s20] =	ssyncset.done $0x0  }
0x2c: {  	s22 =	simm.s32 $0x0;
	[sflag:s20] =	ssyncadd.s32 $0xFFFFC000  }
0x2d: {  	v2 =	vld [tilespmem:s22+$0x600]  }
0x2e: {  	v4 =	vld [tilespmem:s22+$0x610]  }
0x2f: {  	v3 =	vld [tilespmem:s22+$0x620]  }
0x30: {  	v1 =	vld [tilespmem:s22+$0x630]  }
0x31: {  	v0 =	vld [tilespmem:s22+$0x640]  }
0x32: {  	v5 =	vmax.f32 v2, $0.0e+00;
	v2 =	vld [tilespmem:s22+$0x650]  }
0x33: {  	s23 =	simm.s32 $0x200;
	[tilespmem:s22+$0x600] =	vst v5;
	v5 =	vmax.f32 v4, $0.0e+00;
	v4 =	vld [tilespmem:s22+$0x660]  }
.LBB2_3:
0x34: {  	s24 =	sshra.s32 s23, $0x2;
	p1 =	sne.s32 s23, $0xFE00;
	[tilespmem:s22+$0x610] =	vst v5;
	v3 =	vmax.f32 v3, $0.0e+00;
	v5 =	vld [tilespmem:s22+$0x670]  }
0x35: {  	v6 =	vld [tilespmem:s24+$0x600];
	[tilespmem:s22+$0x620] =	vst v3;
	v1 =	vmax.f32 v1, $0.0e+00  }
0x36: {  	v7 =	vld [tilespmem:s24+$0x610];
	[tilespmem:s22+$0x630] =	vst v1;
	v0 =	vmax.f32 v0, $0.0e+00  }
.Ltmp0:
0x37: {  	v3 =	vld [tilespmem:s24+$0x620];
	[tilespmem:s22+$0x640] =	vst v0;
	v0 =	vmax.f32 v2, $0.0e+00;
	(pc) =	sbr.rel @p1 .LBB2_3-.Ltmp0, $4  }
0x38: {  	v1 =	vld [tilespmem:s24+$0x630];
	[tilespmem:s22+$0x650] =	vst v0;
	v2 =	vmax.f32 v4, $0.0e+00  }
0x39: {  	v0 =	vld [tilespmem:s24+$0x640];
	[tilespmem:s22+$0x660] =	vst v2;
	v4 =	vmax.f32 v5, $0.0e+00  }
0x3a: {  	v5 =	vmax.f32 v6, $0.0e+00;
	v2 =	vld [tilespmem:s24+$0x650];
	[tilespmem:s22+$0x670] =	vst v4;
	s22 =	smov.u32 s24  }
0x3b: {  	s23 =	sadd.s32 $0x200, s23;
	[tilespmem:s22+$0x600] =	vst v5;
	v5 =	vmax.f32 v7, $0.0e+00;
	v4 =	vld [tilespmem:s22+$0x660]  }
0x3c: {  	[tilespmem:s22+$0x610] =	vst v5;
	v3 =	vmax.f32 v3, $0.0e+00;
	v60 =	vld [tilespmem:s22+$0x670]  }
0x3d: {  	[tilespmem:s22+$0x620] =	vst v3;
	v1 =	vmax.f32 v1, $0.0e+00  }
0x3e: {  	[tilespmem:s22+$0x630] =	vst v1;
	v0 =	vmax.f32 v0, $0.0e+00  }
0x3f: {  	[tilespmem:s22+$0x640] =	vst v0;
	v61 =	vmax.f32 v2, $0.0e+00  }
0x40: {  	s21 =	sadd.s32 $0x1, s21;
	[tilespmem:s22+$0x650] =	vst v61;
	v62 =	vmax.f32 v4, $0.0e+00  }
0x41: {  	p1 =	sne.s32 s21, $0x54;
	[tilespmem:s22+$0x660] =	vst v62;
	v63 =	vmax.f32 v60, $0.0e+00  }
.Ltmp1:
0x42: {  	[tilespmem:s22+$0x670] =	vst v63;
	(pc) =	sbr.rel @p1 .LBB2_2-.Ltmp1, $4  }
0x43: {  	[spmem:s1] =	stream.indirect.scatter.add.f32 [tilespmem:s18], [sflag:$0x2], $0x80, s19, s19, $0xb8;
	[tilespmem:$0x1FE80] =	vst v63  }
0x44: {  	_ =	swait.ge [sflag:s17], $0x4000  }
0x45: {  	[sflag:s17] =	ssyncset.done $0x0  }
0x46: {  	[sflag:s17] =	ssyncadd.s32 $0xFFFFC000  }
0x47: {  	[bflag:$0x0] =	sbarrier.arrive $0xFFFF;
	s21 =	simm.s32 @p0 $0x1FC2  }
0x48: {  	[hbm:s12], [sflag:s21] =	dma.local @p0 [spmem:s14], $0x2080  }
0x49: {  	s21 =	simm.s32 @p0 $0x2  }
0x4a: {  	s3 =	sadd.s32 $0x1, s3;
	_ =	swait.ge @p0 [sflag:s21], $0x2080  }
0x4b: {  	p1 =	sne.s32 s3, s13;
	[sflag:s21] =	ssyncset.done @p0 $0x0  }
.Ltmp2:
0x4c: {  	[sflag:s21] =	ssyncadd.s32 @p0 $0xFFFFDF80;
	s21 =	simm.s32 @!p0 $0x2;
	(pc) =	sbr.rel @p1 .LBB2_1-.Ltmp2, $4  }
0x4d: {  	[hbm:s11], [sflag:s15] =	dma.local @!p0 [spmem:s16], $0x2780  }
0x4e: {  	_ =	swait.ge @!p0 [sflag:s21], $0x2780  }
0x4f: {  	[sflag:s21] =	ssyncset.done @!p0 $0x0  }
0x50: {  	[sflag:s21] =	ssyncadd.s32 @!p0 $0xFFFFD880  }
0x51: {  	_ =	sfence.sel $0x180000  }
0x52: {  	[bflag:$0x0] =	sbarrier.arrive $0xFFFF  }
0x53: {  	p0 =	sne.s32 s2, $0x0;
	_ =	strace $0x90000047  }
0x54: {  	s0 =	sadd.s32 @!p0 $0x100000, s0;
	[bflag:$0x2] =	sbarrier.arrive $0xFFFF  }
0x55: {  	[sflag:s0] =	ssyncadd.tile.s32 @!p0 $0x1;
	_ =	shalt  }
.Lfunc_end2:
_tile_overlayer_lowered:
.L_overlay_start_2:
0x56: {  	(tag) =	ssettag $0x2  }
0x57: {  	s0 =	rddreg [dreg:$0x0];
	s2 =	stileid.u32  }
0x58: {  	s1 =	rddreg [dreg:$0x1];
	p0 =	sne.s32 s2, $0x0  }
0x59: {  	s3 =	rddreg [dreg:$0x2];
	[bflag:$0x3] =	sbarrier.arrive $0xFFFF;
	s2 =	simm.s32 @!p0 $0x1C02  }
0x5a: {  	[timem:s3], [sflag:s2] =	dma.local @!p0 [hbm:s0], s1  }
0x5b: {  	s0 =	simm.s32 @!p0 $0x2  }
0x5c: {  	_ =	swait.ge @!p0 [sflag:s0], s1  }
0x5d: {  	s1 =	ssub.s32 @!p0 $0x0, s1;
	[sflag:s0] =	ssyncset.done @!p0 $0x0  }
0x5e: {  	[sflag:s0] =	ssyncadd.s32 @!p0 s1  }
0x5f: {  	[bflag:$0x3] =	sbarrier.arrive $0xFFFF  }
0x60: {  	_ =	shalt  }

// kernel: kernel.23.cloned.1.call-start
scs
__scs_entry_jumppad:
0x0: {  	(pc) =	sbr.rel $0x88, $3  }
0x1: {  	(tag) =	ssettag $0x0;
	lr =	simm.s32 $0x1  }
0x2: {  	[smem:$0x3F90] =	sst lr;
	_ =	strace $0xD0000000  }
0x3: {  	_ = 	snop  }
0x4: {  	_ = 	snop  }
0x5: {  	_ = 	snop  }
0x6: {  	_ = 	snop  }
0x7: {  	_ = 	snop  }
__scs_overlays_trampoline_lowered:
0x8: {  	[smem:$0x3F9F] =	sst s0  }
0x9: {  	[smem:$0x3FA0] =	sst s1  }
0xa: {  	[smem:$0x3FA1] =	sst s2  }
0xb: {  	[smem:$0x3FA2] =	sst s3  }
0xc: {  	[smem:$0x3FA3] =	sst s4  }
0xd: {  	[smem:$0x3FA4] =	sst s5  }
0xe: {  	[smem:$0x3FA5] =	sst s6  }
0xf: {  	[smem:$0x3FA6] =	sst s7  }
0x10: {  	[smem:$0x3FA7] =	sst s8  }
0x11: {  	[smem:$0x3FA8] =	sst s9;
	s0 =	simm.s32 @!p0 $0x0  }
0x12: {  	s1 =	sld [smem:$0x3F8E];
	s0 =	simm.s32 @p0 $0x1  }
0x13: {  	[smem:$0x3FA9] =	sst s0;
	s0 =	simm.s32 @!p1 $0x0  }
0x14: {  	s2 =	sld [smem:$0x3F8D];
	s0 =	simm.s32 @p1 $0x1  }
0x15: {  	[smem:$0x3FAA] =	sst s0;
	s0 =	simm.s32 @!p2 $0x0  }
0x16: {  	s3 =	sld [smem:$0x3FDB];
	s0 =	simm.s32 @p2 $0x1  }
0x17: {  	s4 =	simm.s32 $0x1BF5;
	[smem:$0x3FAC] =	sst s0  }
0x18: {  	s0 =	sld [smem:$0x3F8F];
	_ =	swait.ge [sflag:s4], $0x0  }
0x19: {  	s7 =	sld [smem:$0x3F90]  }
0x1a: {  	s8 =	sadd.s32 $0xFFFFE003, lr  }
0x1b: {  	s9 =	sadd.s32 $0xFFFFFEF7, lr;
	s5 =	simm.s32 $0xFFFFFFFF;
	p2 =	slt.u32 s8, $0xFFFFF086  }
0x1c: {  	p1 =	slt.u32 s9, $0xF7A;
	s5 =	simm.s32 @!p2 $0x0  }
0x1d: {  	s5 =	simm.s32 @p1 $0x1;
	p0 =	seq.s32 s7, s2  }
0x1e: {  	s7 =	smul.u32 @!p0 $0xF7A, s2;
	p2 =	seq.s32 @!p0 s5, $0x0  }
0x1f: {  	s9 =	smul.u32 $0xF7A, s1;
	s8 =	simm.s32 @!p0 $0x1BF5;
	p2 =	por !p2, p0  }
0x20: {  	[sflag:s8] =	ssyncset.s32 @!p0 $0xFFFFF086;
	s6 =	sadd.s32 @!p0 s3, s7;
	s7 =	simm.s32 @!p0 $0x108  }
0x21: {  	s3 =	sadd.s32 s3, s9;
	s6 =	sadd.s32 @!p0 $0x88, s6;
	s7 =	simm.s32 @p2 $0x1082  }
0x22: {  	[simem:s7], [sflag:s8] =	dma.local @!p0 [hbm:s6], $0xF7A  }
0x23: {  	s9 =	sor.u32 $0xD0000000, s2;
	s6 =	simm.s32 $0x108;
	_ =	swait.ge @!p0 [sflag:s8], $0x0  }
0x24: {  	s3 =	sadd.s32 $0x88, s3;
	s6 =	simm.s32 @!p1 $0x1082;
	[sflag:s4] =	ssyncset.s32 $0xFFFFF086  }
0x25: {  	[simem:s6], [sflag:s4] =	dma.local [hbm:s3], $0xF7A  }
0x26: {  	[smem:$0x3F90] =	sst s1;
	(tag) =	ssettag s2;
	_ =	strace s9  }
0x27: {  	s1 =	sld [smem:$0x3FA0]  }
0x28: {  	s2 =	sld [smem:$0x3FA1]  }
0x29: {  	s4 =	sld [smem:$0x3FA3]  }
0x2a: {  	p0 =	seq.s32 s5, $0x0;
	s5 =	sld [smem:$0x3FA4]  }
0x2b: {  	s6 =	sld [smem:$0x3FA5]  }
0x2c: {  	s7 =	sld [smem:$0x3FA6]  }
0x2d: {  	s3 =	simm.s32 $0x108;
	s8 =	sld [smem:$0x3FA7]  }
0x2e: {  	s3 =	simm.s32 @!p0 $0x1082;
	s9 =	sld [smem:$0x3FA8]  }
0x2f: {  	lr =	sadd.s32 s0, s3;
	s0 =	sld [smem:$0x3F9F]  }
0x30: {  	s3 =	sld [smem:$0x3FA2]  }
0x31: {  	[smem:$0x3FAB] =	sst s10  }
0x32: {  	s10 =	sld [smem:$0x3FA9];
	_ =	sdelay $0x3  }
0x33: {  	p0 =	seq.s32 s10, $0x1;
	s10 =	sld [smem:$0x3FAB];
	_ =	sdelay $0x3  }
0x34: {  	[smem:$0x3FAB] =	sst s10  }
0x35: {  	s10 =	sld [smem:$0x3FAA];
	_ =	sdelay $0x3  }
0x36: {  	p1 =	seq.s32 s10, $0x1;
	s10 =	sld [smem:$0x3FAB];
	_ =	sdelay $0x3  }
0x37: {  	[smem:$0x3FAB] =	sst s10  }
0x38: {  	s10 =	sld [smem:$0x3FAC]  }
0x39: {  	_ = 	snop;
	(pc) =	sbr.ind lr, $3  }
0x3a: {  	_ = 	snop  }
0x3b: {  	_ = 	snop  }
0x3c: {  	p2 =	seq.s32 s10, $0x1;
	s10 =	sld [smem:$0x3FAB]  }
0x3d: {  	_ =	shalt  }
0x3e: {  	_ =	shalt  }
0x3f: {  	_ =	shalt  }
0x40: {  	_ =	shalt  }
0x41: {  	_ =	shalt  }
0x42: {  	_ =	shalt  }
0x43: {  	_ =	shalt  }
0x44: {  	_ =	shalt  }
0x45: {  	_ =	shalt  }
0x46: {  	_ =	shalt  }
0x47: {  	_ =	shalt  }
0x48: {  	_ =	shalt  }
0x49: {  	_ =	shalt  }
0x4a: {  	_ =	shalt  }
0x4b: {  	_ =	shalt  }
0x4c: {  	_ =	shalt  }
0x4d: {  	_ =	shalt  }
0x4e: {  	_ =	shalt  }
0x4f: {  	_ =	shalt  }
0x50: {  	_ =	shalt  }
0x51: {  	_ =	shalt  }
0x52: {  	_ =	shalt  }
0x53: {  	_ =	shalt  }
0x54: {  	_ =	shalt  }
0x55: {  	_ =	shalt  }
0x56: {  	_ =	shalt  }
0x57: {  	_ =	shalt  }
0x58: {  	_ =	shalt  }
0x59: {  	_ =	shalt  }
0x5a: {  	_ =	shalt  }
0x5b: {  	_ =	shalt  }
0x5c: {  	_ =	shalt  }
0x5d: {  	_ =	shalt  }
0x5e: {  	_ =	shalt  }
0x5f: {  	_ =	shalt  }
0x60: {  	_ =	shalt  }
0x61: {  	_ =	shalt  }
0x62: {  	_ =	shalt  }
0x63: {  	_ =	shalt  }
0x64: {  	_ =	shalt  }
0x65: {  	_ =	shalt  }
0x66: {  	_ =	shalt  }
0x67: {  	_ =	shalt  }
0x68: {  	_ =	shalt  }
0x69: {  	_ =	shalt  }
0x6a: {  	_ =	shalt  }
0x6b: {  	_ =	shalt  }
0x6c: {  	_ =	shalt  }
0x6d: {  	_ =	shalt  }
0x6e: {  	_ =	shalt  }
0x6f: {  	_ =	shalt  }
0x70: {  	_ =	shalt  }
0x71: {  	_ =	shalt  }
0x72: {  	_ =	shalt  }
0x73: {  	_ =	shalt  }
0x74: {  	_ =	shalt  }
0x75: {  	_ =	shalt  }
0x76: {  	_ =	shalt  }
0x77: {  	_ =	shalt  }
0x78: {  	_ =	shalt  }
0x79: {  	_ =	shalt  }
0x7a: {  	_ =	shalt  }
0x7b: {  	_ =	shalt  }
0x7c: {  	_ =	shalt  }
0x7d: {  	_ =	shalt  }
0x7e: {  	_ =	shalt  }
0x7f: {  	_ =	shalt  }
0x80: {  	_ =	shalt  }
0x81: {  	_ =	shalt  }
0x82: {  	_ =	shalt  }
0x83: {  	_ =	shalt  }
0x84: {  	_ =	shalt  }
0x85: {  	_ =	shalt  }
0x86: {  	_ =	shalt  }
0x87: {  	_ =	shalt  }
.Lfunc_end0:
.L_simem_size_0:
called_computation.1_lowered:
.L_overlay_start_0:
0x88: {  	s2 =	sld [smem:$0x3FD9]  }
0x89: {  	s3 =	sld [smem:$0x3FFE];
	_ =	sdelay $0x1  }
0x8a: {  	s1 =	srdreg.scid  }
0x8b: {  	s0 =	sand.u32 $0x1, s1  }
0x8c: {  	s16 =	sshll.u32 s0, $0xA;
	s2 =	sadd.s32 s3, s2  }
0x8d: {  	s2 =	sadd.s32 s2, s16  }
0x8e: {  	[smem:$0x3FB7] =	sst s2  }
0x8f: {  	_ = 	snop  }
0x90: {  	(tm) =	ssettm $0x1  }
0x91: {  	s17 =	sld [smem:$0x3FFB];
	_ =	sdelay $0x3  }
0x92: {  	_ =	strace s17  }
0x93: {  	s2 =	sld [smem:$0x3FFC];
	_ =	sdelay $0x3  }
0x94: {  	_ =	strace s2  }
0x95: {  	s2 =	sld [smem:$0x3FFD];
	_ =	sdelay $0x3  }
0x96: {  	_ =	strace s2  }
0x97: {  	_ =	strace $0x8FFFFFFF  }
0x98: {  	s18 =	sld [smem:$0x3FDB];
	_ =	sdelay $0x1  }
0x99: {  	s19 =	simm.s32 $_scs_section_size  }
0x9a: {  	s4 =	simm.s32 $_size__tile_overlayer_lowered;
	s5 =	simm.s32 $_tile_overlayer_lowered  }
0x9b: {  	s22 =	simm.s32 $0x1BFF;
	s21 =	sshll.u32 s5, $0x1;
	s2 =	sadd.s32 s19, s18  }
0x9c: {  	s6 =	simm.s32 $0x0;
	s20 =	sshll.u32 s4, $0x1;
	s4 =	sadd.s32 s21, s2  }
0x9d: {  	[timem:s6], [sflag:s22] =	dma.local [hbm:s4], s20  }
0x9e: {  	_ =	swait.ge [sflag:s22], s20  }
0x9f: {  	s3 =	ssub.s32 $0x0, s20;
	[sflag:s22] =	ssyncset.done $0x0  }
0xa0: {  	[sflag:s22] =	ssyncadd.s32 s3;
	_ =	sdelay $0x1  }
0xa1: {  	s23 =	simm.s32 $0x1B8B  }
0xa2: {  	_ =	swait.ge [sflag:s23], $0x1  }
0xa3: {  	[sflag:s23] =	ssyncset.done $0x0  }
0xa4: {  	s25 =	simm.s32 $0x1B8E;
	s24 =	sld [smem:$0x3FFE];
	[sflag:s23] =	ssyncadd.s32 $0xFFFFFFFF  }
0xa5: {  	s26 =	simm.s32 $execute0_lowered;
	[smem:$0x3FD2] =	sst s25  }
0xa6: {  	s4 =	sshll.u32 s26, $0x1;
	_ =	strace $0x80000049;
	[dreg:$0x1] =	wrdreg $0xFFFFFFFF  }
0xa7: {  	s28 =	simm.s32 $_size_execute0_lowered;
	s2 =	sadd.s32 s2, s4;
	[dreg:$0x0] =	wrdreg $0x0  }
0xa8: {  	s4 =	sshll.u32 s28, $0x1;
	[dreg:$0x2] =	wrdreg s2  }
0xa9: {  	[dreg:$0x3] =	wrdreg s4  }
0xaa: {  	[dreg:$0x4] =	wrdreg $0xC0  }
0xab: {  	_ =	task [dreg:s6], $0x5FFFF  }
0xac: {  	[dreg:$0x1] =	wrdreg $0xFFFFFFFF  }
0xad: {  	[dreg:$0x0] =	wrdreg $0x60  }
0xae: {  	[dreg:$0x2] =	wrdreg s24  }
0xaf: {  	[dreg:$0x3] =	wrdreg $0xC6000  }
0xb0: {  	[dreg:$0x4] =	wrdreg $0x9  }
0xb1: {  	_ =	task.clear_ibuf [dreg:s6], $0x5FFFF;
	_ =	strace $0x90000049  }
0xb2: {  	s29 =	simm.s32 $0x9;
	_ =	strace $0x8000004B  }
0xb3: {  	_ =	swait.ge [sflag:s29], $0x1  }
0xb4: {  	[sflag:s29] =	ssyncadd.s32 $0xFFFFFFFF  }
0xb5: {  	_ =	strace $0x9000004B  }
0xb6: {  	_ =	sfence  }
0xb7: {  	s30 =	sld [smem:$0x0];
	_ =	sdelay $0x2  }
0xb8: {  	s31 =	sshll.u32 s1, $0xD;
	s1 =	sshrl.u32 s1, $0x2  }
0xb9: {  	s3 =	sand.u32 $0x4000, s31;
	s1 =	sadd.s32 s1, s30  }
0xba: {  	s0 =	sor.u32 s3, s0;
	s1 =	sshll.u32 s1, $0x11  }
0xbb: {  	s0 =	sor.u32 s1, s0  }
0xbc: {  	s0 =	sadd.s32 $0x8F2B, s0  }
0xbd: {  	[sflag:s0] =	ssyncadd.remote.s32 $0x1  }
0xbe: {  	_ =	sfence.sel $0xFFFF  }
0xbf: {  	[dreg:$0x0] =	wrdreg $0xFFFFFFFF;
	(pc) =	sbr.abs _section_cstart, $3  }
0xc0: {  	[dreg:$0x1] =	wrdreg $0xFFFFFFFF  }
0xc1: {  	_ =	task.clear_ibuf [dreg:s6], $0x2FFFF;
	_ =	strace $0x9FFFFFFF  }
0xc2: {  	(tm) =	ssettm $0x7FFFFFFF  }
0xc3: {  	_ =	shalt  }
tec
execute0_lowered:
.L_overlay_start_1:
0x0: {  	(tag) =	ssettag $0x1  }
0x1: {  	s10 =	rddreg [dreg:$0x0]  }
0x2: {  	s1 =	rddreg [dreg:$0x1]  }
0x3: {  	s0 =	rddreg [dreg:$0x2];
	s3 =	simm.s32 $0x0  }
0x4: {  	s2 =	stileid.u32;
	s7 =	srdreg.scid;
	s18 =	simm.s32 $0x600  }
0x5: {  	s19 =	simm.s32 $0x80;
	s20 =	simm.s32 $0x1;
	[smem:$0x7FF] =	sst s3  }
0x6: {  	s4 =	sadd.s32 $0x6FA00, s10;
	s8 =	smul.u32 $0x2780, s2;
	s5 =	sadd.s32 $0xF78A00, s10  }
0x7: {  	s6 =	sadd.s32 $0xC600, s10;
	s7 =	sand.u32 $0x1, s7;
	s11 =	smul.u32 $0x4F000, s2  }
0x8: {  	s12 =	sadd.s32 $0xE4E00, s10;
	s15 =	smul.u32 $0x13C00, s2;
	s17 =	sadd.s32 $0x128400, s1  }
0x9: {  	p0 =	seq.s32 s2, $0xF;
	_ =	strace $0x8000004A;
	s30 =	ssub.s32 $0x2, s7  }
0xa: {  	s14 =	smul.u32 $0x138800, s7;
	s9 =	sadd.s32 s8, s10;
	s13 =	sshrl.u32 s30, $0x1  }
0xb: {  	s11 =	sshrl.u32 s11, $0x2;
	s8 =	sshll.u32 s2, $0x1;
	s10 =	sadd.s32 $0x6D880, s10  }
0xc: {  	s13 =	ssub.s32 s30, s13;
	s16 =	sadd.s32 s11, s1;
	s9 =	sadd.s32 $0x48800, s9  }
0xd: {  	s31 =	sadd.s32 s15, s14;
	s14 =	sshrl.u32 s14, $0x3;
	s15 =	sshll.u32 @!p0 s2, $0x6  }
0xe: {  	s11 =	sshrl.u32 s31, $0x3;
	s14 =	sadd.s32 s12, s14;
	s13 =	smax.u32 s13, $0x1  }
0xf: {  	s15 =	sor.u32 @!p0 $0x1C02, s15;
	s16 =	sshrl.u32 @!p0 s16, $0x3;
	s11 =	sadd.s32 s12, s11  }
0x10: {  	s12 =	sadd.s32 $0x25080, s14;
	s14 =	sshrl.u32 @p0 s17, $0x3;
	s17 =	simm.s32 $0x2  }
.LBB2_1:
0x11: {  	s21 =	simm.s32 @p0 $0x1FC2  }
0x12: {  	[spmem:s14], [sflag:s21] =	dma.local @p0 [hbm:s10], $0x2080  }
0x13: {  	s21 =	simm.s32 @p0 $0x2  }
0x14: {  	_ =	swait.ge @p0 [sflag:s21], $0x2080  }
0x15: {  	[sflag:s21] =	ssyncset.done @p0 $0x0  }
0x16: {  	[sflag:s21] =	ssyncadd.s32 @p0 $0xFFFFDF80;
	s21 =	simm.s32 @!p0 $0x2  }
0x17: {  	[spmem:s16], [sflag:s15] =	dma.local @!p0 [hbm:s9], $0x2780  }
0x18: {  	_ =	swait.ge @!p0 [sflag:s21], $0x2780  }
0x19: {  	[sflag:s21] =	ssyncset.done @!p0 $0x0  }
0x1a: {  	[sflag:s21] =	ssyncadd.s32 @!p0 $0xFFFFD880  }
0x1b: {  	s21 =	simm.s32 $0x0;
	[bflag:$0x0] =	sbarrier.arrive $0xFFFF  }
.LBB2_2:
0x1c: {  	s22 =	sshll.u32 s21, $0x5  }
0x1d: {  	s22 =	sor.u32 s22, s8  }
0x1e: {  	s22 =	sor.u32 s7, s22  }
0x1f: {  	s23 =	sshll.u32 s22, $0x5  }
0x20: {  	s24 =	simm.s32 $0x0;
	s23 =	sadd.s32 s6, s23  }
0x21: {  	[tilespmem:s24], [sflag:$0x2] =	stream.linear.gather [hbm4b:s23+s24], $0x100, $0x38;
	[tilespmem:$0x1FE80] =	vst v63  }
0x22: {  	_ =	swait.ge [sflag:s17], $0x100  }
0x23: {  	s22 =	sshll.u32 s22, $0xB;
	[sflag:s17] =	ssyncset.done $0x0  }
0x24: {  	s22 =	sadd.s32 s5, s22;
	[sflag:s17] =	ssyncadd.s32 $0xFFFFFF00  }
0x25: {  	[tilespmem:s18], [sflag:$0x2] =	stream.linear.gather [hbm4b:s22+s24], $0x4000, $0x38;
	[tilespmem:$0x1FE80] =	vst v63  }
0x26: {  	_ =	swait.ge [sflag:s17], $0x4000  }
0x27: {  	[sflag:s17] =	ssyncset.done $0x0  }
0x28: {  	[sflag:s17] =	ssyncadd.s32 $0xFFFFC000  }
0x29: {  	[tilespmem:s18], [sflag:$0x1] =	stream.indirect.gather.add.f32 [hbm:s4], $0x80, s24, s19, $0xb8;
	[tilespmem:$0x1FE80] =	vst v63  }
0x2a: {  	_ =	swait.ge [sflag:s20], $0x4000  }
0x2b: {  	[sflag:s20] =	ssyncset.done $0x0  }
0x2c: {  	s22 =	simm.s32 $0x0;
	[sflag:s20] =	ssyncadd.s32 $0xFFFFC000  }
0x2d: {  	v2 =	vld [tilespmem:s22+$0x600]  }
0x2e: {  	v4 =	vld [tilespmem:s22+$0x610]  }
0x2f: {  	v3 =	vld [tilespmem:s22+$0x620]  }
0x30: {  	v1 =	vld [tilespmem:s22+$0x630]  }
0x31: {  	v0 =	vld [tilespmem:s22+$0x640]  }
0x32: {  	v5 =	vmax.f32 v2, $0.0e+00;
	v2 =	vld [tilespmem:s22+$0x650]  }
0x33: {  	s23 =	simm.s32 $0x200;
	[tilespmem:s22+$0x600] =	vst v5;
	v5 =	vmax.f32 v4, $0.0e+00;
	v4 =	vld [tilespmem:s22+$0x660]  }
.LBB2_3:
0x34: {  	s24 =	sshra.s32 s23, $0x2;
	p1 =	sne.s32 s23, $0xFE00;
	[tilespmem:s22+$0x610] =	vst v5;
	v3 =	vmax.f32 v3, $0.0e+00;
	v5 =	vld [tilespmem:s22+$0x670]  }
0x35: {  	v6 =	vld [tilespmem:s24+$0x600];
	[tilespmem:s22+$0x620] =	vst v3;
	v1 =	vmax.f32 v1, $0.0e+00  }
0x36: {  	v7 =	vld [tilespmem:s24+$0x610];
	[tilespmem:s22+$0x630] =	vst v1;
	v0 =	vmax.f32 v0, $0.0e+00  }
.Ltmp0:
0x37: {  	v3 =	vld [tilespmem:s24+$0x620];
	[tilespmem:s22+$0x640] =	vst v0;
	v0 =	vmax.f32 v2, $0.0e+00;
	(pc) =	sbr.rel @p1 .LBB2_3-.Ltmp0, $4  }
0x38: {  	v1 =	vld [tilespmem:s24+$0x630];
	[tilespmem:s22+$0x650] =	vst v0;
	v2 =	vmax.f32 v4, $0.0e+00  }
0x39: {  	v0 =	vld [tilespmem:s24+$0x640];
	[tilespmem:s22+$0x660] =	vst v2;
	v4 =	vmax.f32 v5, $0.0e+00  }
0x3a: {  	v5 =	vmax.f32 v6, $0.0e+00;
	v2 =	vld [tilespmem:s24+$0x650];
	[tilespmem:s22+$0x670] =	vst v4;
	s22 =	smov.u32 s24  }
0x3b: {  	s23 =	sadd.s32 $0x200, s23;
	[tilespmem:s22+$0x600] =	vst v5;
	v5 =	vmax.f32 v7, $0.0e+00;
	v4 =	vld [tilespmem:s22+$0x660]  }
0x3c: {  	[tilespmem:s22+$0x610] =	vst v5;
	v3 =	vmax.f32 v3, $0.0e+00;
	v60 =	vld [tilespmem:s22+$0x670]  }
0x3d: {  	[tilespmem:s22+$0x620] =	vst v3;
	v1 =	vmax.f32 v1, $0.0e+00  }
0x3e: {  	[tilespmem:s22+$0x630] =	vst v1;
	v0 =	vmax.f32 v0, $0.0e+00  }
0x3f: {  	[tilespmem:s22+$0x640] =	vst v0;
	v61 =	vmax.f32 v2, $0.0e+00  }
0x40: {  	s21 =	sadd.s32 $0x1, s21;
	[tilespmem:s22+$0x650] =	vst v61;
	v62 =	vmax.f32 v4, $0.0e+00  }
0x41: {  	p1 =	sne.s32 s21, $0x54;
	[tilespmem:s22+$0x660] =	vst v62;
	v63 =	vmax.f32 v60, $0.0e+00  }
.Ltmp1:
0x42: {  	[tilespmem:s22+$0x670] =	vst v63;
	(pc) =	sbr.rel @p1 .LBB2_2-.Ltmp1, $4  }
0x43: {  	[spmem:s1] =	stream.indirect.scatter.add.f32 [tilespmem:s18], [sflag:$0x2], $0x80, s19, s19, $0xb8;
	[tilespmem:$0x1FE80] =	vst v63  }
0x44: {  	_ =	swait.ge [sflag:s17], $0x4000  }
0x45: {  	[sflag:s17] =	ssyncset.done $0x0  }
0x46: {  	[sflag:s17] =	ssyncadd.s32 $0xFFFFC000  }
0x47: {  	[bflag:$0x0] =	sbarrier.arrive $0xFFFF;
	s21 =	simm.s32 @p0 $0x1FC2  }
0x48: {  	[hbm:s12], [sflag:s21] =	dma.local @p0 [spmem:s14], $0x2080  }
0x49: {  	s21 =	simm.s32 @p0 $0x2  }
0x4a: {  	s3 =	sadd.s32 $0x1, s3;
	_ =	swait.ge @p0 [sflag:s21], $0x2080  }
0x4b: {  	p1 =	sne.s32 s3, s13;
	[sflag:s21] =	ssyncset.done @p0 $0x0  }
.Ltmp2:
0x4c: {  	[sflag:s21] =	ssyncadd.s32 @p0 $0xFFFFDF80;
	s21 =	simm.s32 @!p0 $0x2;
	(pc) =	sbr.rel @p1 .LBB2_1-.Ltmp2, $4  }
0x4d: {  	[hbm:s11], [sflag:s15] =	dma.local @!p0 [spmem:s16], $0x2780  }
0x4e: {  	_ =	swait.ge @!p0 [sflag:s21], $0x2780  }
0x4f: {  	[sflag:s21] =	ssyncset.done @!p0 $0x0  }
0x50: {  	[sflag:s21] =	ssyncadd.s32 @!p0 $0xFFFFD880  }
0x51: {  	_ =	sfence.sel $0x180000  }
0x52: {  	[bflag:$0x0] =	sbarrier.arrive $0xFFFF  }
0x53: {  	p0 =	sne.s32 s2, $0x0;
	_ =	strace $0x9000004A  }
0x54: {  	s0 =	sadd.s32 @!p0 $0x100000, s0;
	[bflag:$0x2] =	sbarrier.arrive $0xFFFF  }
0x55: {  	[sflag:s0] =	ssyncadd.tile.s32 @!p0 $0x1;
	_ =	shalt  }
.Lfunc_end2:
_tile_overlayer_lowered:
.L_overlay_start_2:
0x56: {  	(tag) =	ssettag $0x2  }
0x57: {  	s0 =	rddreg [dreg:$0x0];
	s2 =	stileid.u32  }
0x58: {  	s1 =	rddreg [dreg:$0x1];
	p0 =	sne.s32 s2, $0x0  }
0x59: {  	s3 =	rddreg [dreg:$0x2];
	[bflag:$0x3] =	sbarrier.arrive $0xFFFF;
	s2 =	simm.s32 @!p0 $0x1C02  }
0x5a: {  	[timem:s3], [sflag:s2] =	dma.local @!p0 [hbm:s0], s1  }
0x5b: {  	s0 =	simm.s32 @!p0 $0x2  }
0x5c: {  	_ =	swait.ge @!p0 [sflag:s0], s1  }
0x5d: {  	s1 =	ssub.s32 @!p0 $0x0, s1;
	[sflag:s0] =	ssyncset.done @!p0 $0x0  }
0x5e: {  	[sflag:s0] =	ssyncadd.s32 @!p0 s1  }
0x5f: {  	[bflag:$0x3] =	sbarrier.arrive $0xFFFF  }
0x60: {  	_ =	shalt  }

// kernel: kernel.26.cloned.1.call-start
scs
__scs_entry_jumppad:
0x0: {  	(pc) =	sbr.rel $0x88, $3  }
0x1: {  	(tag) =	ssettag $0x0;
	lr =	simm.s32 $0x1  }
0x2: {  	[smem:$0x3F90] =	sst lr;
	_ =	strace $0xD0000000  }
0x3: {  	_ = 	snop  }
0x4: {  	_ = 	snop  }
0x5: {  	_ = 	snop  }
0x6: {  	_ = 	snop  }
0x7: {  	_ = 	snop  }
__scs_overlays_trampoline_lowered:
0x8: {  	[smem:$0x3F9F] =	sst s0  }
0x9: {  	[smem:$0x3FA0] =	sst s1  }
0xa: {  	[smem:$0x3FA1] =	sst s2  }
0xb: {  	[smem:$0x3FA2] =	sst s3  }
0xc: {  	[smem:$0x3FA3] =	sst s4  }
0xd: {  	[smem:$0x3FA4] =	sst s5  }
0xe: {  	[smem:$0x3FA5] =	sst s6  }
0xf: {  	[smem:$0x3FA6] =	sst s7  }
0x10: {  	[smem:$0x3FA7] =	sst s8  }
0x11: {  	[smem:$0x3FA8] =	sst s9;
	s0 =	simm.s32 @!p0 $0x0  }
0x12: {  	s1 =	sld [smem:$0x3F8E];
	s0 =	simm.s32 @p0 $0x1  }
0x13: {  	[smem:$0x3FA9] =	sst s0;
	s0 =	simm.s32 @!p1 $0x0  }
0x14: {  	s2 =	sld [smem:$0x3F8D];
	s0 =	simm.s32 @p1 $0x1  }
0x15: {  	[smem:$0x3FAA] =	sst s0;
	s0 =	simm.s32 @!p2 $0x0  }
0x16: {  	s3 =	sld [smem:$0x3FDB];
	s0 =	simm.s32 @p2 $0x1  }
0x17: {  	s4 =	simm.s32 $0x1BF5;
	[smem:$0x3FAC] =	sst s0  }
0x18: {  	s0 =	sld [smem:$0x3F8F];
	_ =	swait.ge [sflag:s4], $0x0  }
0x19: {  	s7 =	sld [smem:$0x3F90]  }
0x1a: {  	s8 =	sadd.s32 $0xFFFFE003, lr  }
0x1b: {  	s9 =	sadd.s32 $0xFFFFFEF7, lr;
	s5 =	simm.s32 $0xFFFFFFFF;
	p2 =	slt.u32 s8, $0xFFFFF086  }
0x1c: {  	p1 =	slt.u32 s9, $0xF7A;
	s5 =	simm.s32 @!p2 $0x0  }
0x1d: {  	s5 =	simm.s32 @p1 $0x1;
	p0 =	seq.s32 s7, s2  }
0x1e: {  	s7 =	smul.u32 @!p0 $0xF7A, s2;
	p2 =	seq.s32 @!p0 s5, $0x0  }
0x1f: {  	s9 =	smul.u32 $0xF7A, s1;
	s8 =	simm.s32 @!p0 $0x1BF5;
	p2 =	por !p2, p0  }
0x20: {  	[sflag:s8] =	ssyncset.s32 @!p0 $0xFFFFF086;
	s6 =	sadd.s32 @!p0 s3, s7;
	s7 =	simm.s32 @!p0 $0x108  }
0x21: {  	s3 =	sadd.s32 s3, s9;
	s6 =	sadd.s32 @!p0 $0x88, s6;
	s7 =	simm.s32 @p2 $0x1082  }
0x22: {  	[simem:s7], [sflag:s8] =	dma.local @!p0 [hbm:s6], $0xF7A  }
0x23: {  	s9 =	sor.u32 $0xD0000000, s2;
	s6 =	simm.s32 $0x108;
	_ =	swait.ge @!p0 [sflag:s8], $0x0  }
0x24: {  	s3 =	sadd.s32 $0x88, s3;
	s6 =	simm.s32 @!p1 $0x1082;
	[sflag:s4] =	ssyncset.s32 $0xFFFFF086  }
0x25: {  	[simem:s6], [sflag:s4] =	dma.local [hbm:s3], $0xF7A  }
0x26: {  	[smem:$0x3F90] =	sst s1;
	(tag) =	ssettag s2;
	_ =	strace s9  }
0x27: {  	s1 =	sld [smem:$0x3FA0]  }
0x28: {  	s2 =	sld [smem:$0x3FA1]  }
0x29: {  	s4 =	sld [smem:$0x3FA3]  }
0x2a: {  	p0 =	seq.s32 s5, $0x0;
	s5 =	sld [smem:$0x3FA4]  }
0x2b: {  	s6 =	sld [smem:$0x3FA5]  }
0x2c: {  	s7 =	sld [smem:$0x3FA6]  }
0x2d: {  	s3 =	simm.s32 $0x108;
	s8 =	sld [smem:$0x3FA7]  }
0x2e: {  	s3 =	simm.s32 @!p0 $0x1082;
	s9 =	sld [smem:$0x3FA8]  }
0x2f: {  	lr =	sadd.s32 s0, s3;
	s0 =	sld [smem:$0x3F9F]  }
0x30: {  	s3 =	sld [smem:$0x3FA2]  }
0x31: {  	[smem:$0x3FAB] =	sst s10  }
0x32: {  	s10 =	sld [smem:$0x3FA9];
	_ =	sdelay $0x3  }
0x33: {  	p0 =	seq.s32 s10, $0x1;
	s10 =	sld [smem:$0x3FAB];
	_ =	sdelay $0x3  }
0x34: {  	[smem:$0x3FAB] =	sst s10  }
0x35: {  	s10 =	sld [smem:$0x3FAA];
	_ =	sdelay $0x3  }
0x36: {  	p1 =	seq.s32 s10, $0x1;
	s10 =	sld [smem:$0x3FAB];
	_ =	sdelay $0x3  }
0x37: {  	[smem:$0x3FAB] =	sst s10  }
0x38: {  	s10 =	sld [smem:$0x3FAC]  }
0x39: {  	_ = 	snop;
	(pc) =	sbr.ind lr, $3  }
0x3a: {  	_ = 	snop  }
0x3b: {  	_ = 	snop  }
0x3c: {  	p2 =	seq.s32 s10, $0x1;
	s10 =	sld [smem:$0x3FAB]  }
0x3d: {  	_ =	shalt  }
0x3e: {  	_ =	shalt  }
0x3f: {  	_ =	shalt  }
0x40: {  	_ =	shalt  }
0x41: {  	_ =	shalt  }
0x42: {  	_ =	shalt  }
0x43: {  	_ =	shalt  }
0x44: {  	_ =	shalt  }
0x45: {  	_ =	shalt  }
0x46: {  	_ =	shalt  }
0x47: {  	_ =	shalt  }
0x48: {  	_ =	shalt  }
0x49: {  	_ =	shalt  }
0x4a: {  	_ =	shalt  }
0x4b: {  	_ =	shalt  }
0x4c: {  	_ =	shalt  }
0x4d: {  	_ =	shalt  }
0x4e: {  	_ =	shalt  }
0x4f: {  	_ =	shalt  }
0x50: {  	_ =	shalt  }
0x51: {  	_ =	shalt  }
0x52: {  	_ =	shalt  }
0x53: {  	_ =	shalt  }
0x54: {  	_ =	shalt  }
0x55: {  	_ =	shalt  }
0x56: {  	_ =	shalt  }
0x57: {  	_ =	shalt  }
0x58: {  	_ =	shalt  }
0x59: {  	_ =	shalt  }
0x5a: {  	_ =	shalt  }
0x5b: {  	_ =	shalt  }
0x5c: {  	_ =	shalt  }
0x5d: {  	_ =	shalt  }
0x5e: {  	_ =	shalt  }
0x5f: {  	_ =	shalt  }
0x60: {  	_ =	shalt  }
0x61: {  	_ =	shalt  }
0x62: {  	_ =	shalt  }
0x63: {  	_ =	shalt  }
0x64: {  	_ =	shalt  }
0x65: {  	_ =	shalt  }
0x66: {  	_ =	shalt  }
0x67: {  	_ =	shalt  }
0x68: {  	_ =	shalt  }
0x69: {  	_ =	shalt  }
0x6a: {  	_ =	shalt  }
0x6b: {  	_ =	shalt  }
0x6c: {  	_ =	shalt  }
0x6d: {  	_ =	shalt  }
0x6e: {  	_ =	shalt  }
0x6f: {  	_ =	shalt  }
0x70: {  	_ =	shalt  }
0x71: {  	_ =	shalt  }
0x72: {  	_ =	shalt  }
0x73: {  	_ =	shalt  }
0x74: {  	_ =	shalt  }
0x75: {  	_ =	shalt  }
0x76: {  	_ =	shalt  }
0x77: {  	_ =	shalt  }
0x78: {  	_ =	shalt  }
0x79: {  	_ =	shalt  }
0x7a: {  	_ =	shalt  }
0x7b: {  	_ =	shalt  }
0x7c: {  	_ =	shalt  }
0x7d: {  	_ =	shalt  }
0x7e: {  	_ =	shalt  }
0x7f: {  	_ =	shalt  }
0x80: {  	_ =	shalt  }
0x81: {  	_ =	shalt  }
0x82: {  	_ =	shalt  }
0x83: {  	_ =	shalt  }
0x84: {  	_ =	shalt  }
0x85: {  	_ =	shalt  }
0x86: {  	_ =	shalt  }
0x87: {  	_ =	shalt  }
.Lfunc_end0:
.L_simem_size_0:
called_computation.2_lowered:
.L_overlay_start_0:
0x88: {  	s2 =	sld [smem:$0x3FD9]  }
0x89: {  	s3 =	sld [smem:$0x3FFE];
	_ =	sdelay $0x1  }
0x8a: {  	s1 =	srdreg.scid  }
0x8b: {  	s0 =	sand.u32 $0x1, s1  }
0x8c: {  	s16 =	sshll.u32 s0, $0xA;
	s2 =	sadd.s32 s3, s2  }
0x8d: {  	s2 =	sadd.s32 s2, s16  }
0x8e: {  	[smem:$0x3FB7] =	sst s2  }
0x8f: {  	_ = 	snop  }
0x90: {  	(tm) =	ssettm $0x1  }
0x91: {  	s17 =	sld [smem:$0x3FFB];
	_ =	sdelay $0x3  }
0x92: {  	_ =	strace s17  }
0x93: {  	s2 =	sld [smem:$0x3FFC];
	_ =	sdelay $0x3  }
0x94: {  	_ =	strace s2  }
0x95: {  	s2 =	sld [smem:$0x3FFD];
	_ =	sdelay $0x3  }
0x96: {  	_ =	strace s2  }
0x97: {  	_ =	strace $0x8FFFFFFF  }
0x98: {  	s18 =	sld [smem:$0x3FDB];
	_ =	sdelay $0x1  }
0x99: {  	s19 =	simm.s32 $_scs_section_size  }
0x9a: {  	s4 =	simm.s32 $_size__tile_overlayer_lowered;
	s5 =	simm.s32 $_tile_overlayer_lowered  }
0x9b: {  	s22 =	simm.s32 $0x1BFF;
	s21 =	sshll.u32 s5, $0x1;
	s2 =	sadd.s32 s19, s18  }
0x9c: {  	s6 =	simm.s32 $0x0;
	s20 =	sshll.u32 s4, $0x1;
	s4 =	sadd.s32 s21, s2  }
0x9d: {  	[timem:s6], [sflag:s22] =	dma.local [hbm:s4], s20  }
0x9e: {  	_ =	swait.ge [sflag:s22], s20  }
0x9f: {  	s3 =	ssub.s32 $0x0, s20;
	[sflag:s22] =	ssyncset.done $0x0  }
0xa0: {  	[sflag:s22] =	ssyncadd.s32 s3;
	_ =	sdelay $0x1  }
0xa1: {  	s23 =	simm.s32 $0x1B8B  }
0xa2: {  	_ =	swait.ge [sflag:s23], $0x1  }
0xa3: {  	[sflag:s23] =	ssyncset.done $0x0  }
0xa4: {  	s25 =	simm.s32 $0x1B8E;
	s24 =	sld [smem:$0x3FFE];
	[sflag:s23] =	ssyncadd.s32 $0xFFFFFFFF  }
0xa5: {  	s26 =	simm.s32 $execute0_lowered;
	[smem:$0x3FD2] =	sst s25  }
0xa6: {  	s4 =	sshll.u32 s26, $0x1;
	_ =	strace $0x8000004C;
	[dreg:$0x1] =	wrdreg $0xFFFFFFFF  }
0xa7: {  	s28 =	simm.s32 $_size_execute0_lowered;
	s2 =	sadd.s32 s2, s4;
	[dreg:$0x0] =	wrdreg $0x0  }
0xa8: {  	s4 =	sshll.u32 s28, $0x1;
	[dreg:$0x2] =	wrdreg s2  }
0xa9: {  	[dreg:$0x3] =	wrdreg s4  }
0xaa: {  	[dreg:$0x4] =	wrdreg $0xC0  }
0xab: {  	_ =	task [dreg:s6], $0x5FFFF  }
0xac: {  	[dreg:$0x1] =	wrdreg $0xFFFFFFFF  }
0xad: {  	[dreg:$0x0] =	wrdreg $0x60  }
0xae: {  	[dreg:$0x2] =	wrdreg s24  }
0xaf: {  	[dreg:$0x3] =	wrdreg $0xC6000  }
0xb0: {  	[dreg:$0x4] =	wrdreg $0x9  }
0xb1: {  	_ =	task.clear_ibuf [dreg:s6], $0x5FFFF;
	_ =	strace $0x9000004C  }
0xb2: {  	s29 =	simm.s32 $0x9;
	_ =	strace $0x8000004E  }
0xb3: {  	_ =	swait.ge [sflag:s29], $0x1  }
0xb4: {  	[sflag:s29] =	ssyncadd.s32 $0xFFFFFFFF  }
0xb5: {  	_ =	strace $0x9000004E  }
0xb6: {  	_ =	sfence  }
0xb7: {  	s30 =	sld [smem:$0x0];
	_ =	sdelay $0x2  }
0xb8: {  	s31 =	sshll.u32 s1, $0xD;
	s1 =	sshrl.u32 s1, $0x2  }
0xb9: {  	s3 =	sand.u32 $0x4000, s31;
	s1 =	sadd.s32 s1, s30  }
0xba: {  	s0 =	sor.u32 s3, s0;
	s1 =	sshll.u32 s1, $0x11  }
0xbb: {  	s0 =	sor.u32 s1, s0  }
0xbc: {  	s0 =	sadd.s32 $0x8F2B, s0  }
0xbd: {  	[sflag:s0] =	ssyncadd.remote.s32 $0x1  }
0xbe: {  	_ =	sfence.sel $0xFFFF  }
0xbf: {  	[dreg:$0x0] =	wrdreg $0xFFFFFFFF;
	(pc) =	sbr.abs _section_cstart, $3  }
0xc0: {  	[dreg:$0x1] =	wrdreg $0xFFFFFFFF  }
0xc1: {  	_ =	task.clear_ibuf [dreg:s6], $0x2FFFF;
	_ =	strace $0x9FFFFFFF  }
0xc2: {  	(tm) =	ssettm $0x7FFFFFFF  }
0xc3: {  	_ =	shalt  }
tec
execute0_lowered:
.L_overlay_start_1:
0x0: {  	(tag) =	ssettag $0x1  }
0x1: {  	s10 =	rddreg [dreg:$0x0]  }
0x2: {  	s1 =	rddreg [dreg:$0x1]  }
0x3: {  	s0 =	rddreg [dreg:$0x2];
	s3 =	simm.s32 $0x0  }
0x4: {  	s2 =	stileid.u32;
	s7 =	srdreg.scid;
	s18 =	simm.s32 $0x600  }
0x5: {  	s19 =	simm.s32 $0x80;
	s20 =	simm.s32 $0x1;
	[smem:$0x7FF] =	sst s3  }
0x6: {  	s4 =	sadd.s32 $0x6FA00, s10;
	s8 =	smul.u32 $0x2780, s2;
	s5 =	sadd.s32 $0xA38A00, s10  }
0x7: {  	s6 =	sadd.s32 $0xC600, s10;
	s7 =	sand.u32 $0x1, s7;
	s11 =	smul.u32 $0x4F000, s2  }
0x8: {  	s12 =	sadd.s32 $0xE4E00, s10;
	s15 =	smul.u32 $0x13C00, s2;
	s17 =	sadd.s32 $0x128400, s1  }
0x9: {  	p0 =	seq.s32 s2, $0xF;
	_ =	strace $0x8000004D;
	s30 =	ssub.s32 $0x2, s7  }
0xa: {  	s14 =	smul.u32 $0x138800, s7;
	s9 =	sadd.s32 s8, s10;
	s13 =	sshrl.u32 s30, $0x1  }
0xb: {  	s11 =	sshrl.u32 s11, $0x2;
	s8 =	sshll.u32 s2, $0x1;
	s10 =	sadd.s32 $0x6D880, s10  }
0xc: {  	s13 =	ssub.s32 s30, s13;
	s16 =	sadd.s32 s11, s1;
	s9 =	sadd.s32 $0x48800, s9  }
0xd: {  	s31 =	sadd.s32 s15, s14;
	s14 =	sshrl.u32 s14, $0x3;
	s15 =	sshll.u32 @!p0 s2, $0x6  }
0xe: {  	s11 =	sshrl.u32 s31, $0x3;
	s14 =	sadd.s32 s12, s14;
	s13 =	smax.u32 s13, $0x1  }
0xf: {  	s15 =	sor.u32 @!p0 $0x1C02, s15;
	s16 =	sshrl.u32 @!p0 s16, $0x3;
	s11 =	sadd.s32 s12, s11  }
0x10: {  	s12 =	sadd.s32 $0x25080, s14;
	s14 =	sshrl.u32 @p0 s17, $0x3;
	s17 =	simm.s32 $0x2  }
.LBB2_1:
0x11: {  	s21 =	simm.s32 @p0 $0x1FC2  }
0x12: {  	[spmem:s14], [sflag:s21] =	dma.local @p0 [hbm:s10], $0x2080  }
0x13: {  	s21 =	simm.s32 @p0 $0x2  }
0x14: {  	_ =	swait.ge @p0 [sflag:s21], $0x2080  }
0x15: {  	[sflag:s21] =	ssyncset.done @p0 $0x0  }
0x16: {  	[sflag:s21] =	ssyncadd.s32 @p0 $0xFFFFDF80;
	s21 =	simm.s32 @!p0 $0x2  }
0x17: {  	[spmem:s16], [sflag:s15] =	dma.local @!p0 [hbm:s9], $0x2780  }
0x18: {  	_ =	swait.ge @!p0 [sflag:s21], $0x2780  }
0x19: {  	[sflag:s21] =	ssyncset.done @!p0 $0x0  }
0x1a: {  	[sflag:s21] =	ssyncadd.s32 @!p0 $0xFFFFD880  }
0x1b: {  	s21 =	simm.s32 $0x0;
	[bflag:$0x0] =	sbarrier.arrive $0xFFFF  }
.LBB2_2:
0x1c: {  	s22 =	sshll.u32 s21, $0x5  }
0x1d: {  	s22 =	sor.u32 s22, s8  }
0x1e: {  	s22 =	sor.u32 s7, s22  }
0x1f: {  	s23 =	sshll.u32 s22, $0x5  }
0x20: {  	s24 =	simm.s32 $0x0;
	s23 =	sadd.s32 s6, s23  }
0x21: {  	[tilespmem:s24], [sflag:$0x2] =	stream.linear.gather [hbm4b:s23+s24], $0x100, $0x38;
	[tilespmem:$0x1FE80] =	vst v63  }
0x22: {  	_ =	swait.ge [sflag:s17], $0x100  }
0x23: {  	s22 =	sshll.u32 s22, $0xB;
	[sflag:s17] =	ssyncset.done $0x0  }
0x24: {  	s22 =	sadd.s32 s5, s22;
	[sflag:s17] =	ssyncadd.s32 $0xFFFFFF00  }
0x25: {  	[tilespmem:s18], [sflag:$0x2] =	stream.linear.gather [hbm4b:s22+s24], $0x4000, $0x38;
	[tilespmem:$0x1FE80] =	vst v63  }
0x26: {  	_ =	swait.ge [sflag:s17], $0x4000  }
0x27: {  	[sflag:s17] =	ssyncset.done $0x0  }
0x28: {  	[sflag:s17] =	ssyncadd.s32 $0xFFFFC000  }
0x29: {  	[tilespmem:s18], [sflag:$0x1] =	stream.indirect.gather.add.f32 [hbm:s4], $0x80, s24, s19, $0xb8;
	[tilespmem:$0x1FE80] =	vst v63  }
0x2a: {  	_ =	swait.ge [sflag:s20], $0x4000  }
0x2b: {  	[sflag:s20] =	ssyncset.done $0x0  }
0x2c: {  	s22 =	simm.s32 $0x0;
	[sflag:s20] =	ssyncadd.s32 $0xFFFFC000  }
0x2d: {  	v2 =	vld [tilespmem:s22+$0x600]  }
0x2e: {  	v4 =	vld [tilespmem:s22+$0x610]  }
0x2f: {  	v3 =	vld [tilespmem:s22+$0x620]  }
0x30: {  	v1 =	vld [tilespmem:s22+$0x630]  }
0x31: {  	v0 =	vld [tilespmem:s22+$0x640]  }
0x32: {  	v5 =	vmax.f32 v2, $0.0e+00;
	v2 =	vld [tilespmem:s22+$0x650]  }
0x33: {  	s23 =	simm.s32 $0x200;
	[tilespmem:s22+$0x600] =	vst v5;
	v5 =	vmax.f32 v4, $0.0e+00;
	v4 =	vld [tilespmem:s22+$0x660]  }
.LBB2_3:
0x34: {  	s24 =	sshra.s32 s23, $0x2;
	p1 =	sne.s32 s23, $0xFE00;
	[tilespmem:s22+$0x610] =	vst v5;
	v3 =	vmax.f32 v3, $0.0e+00;
	v5 =	vld [tilespmem:s22+$0x670]  }
0x35: {  	v6 =	vld [tilespmem:s24+$0x600];
	[tilespmem:s22+$0x620] =	vst v3;
	v1 =	vmax.f32 v1, $0.0e+00  }
0x36: {  	v7 =	vld [tilespmem:s24+$0x610];
	[tilespmem:s22+$0x630] =	vst v1;
	v0 =	vmax.f32 v0, $0.0e+00  }
.Ltmp0:
0x37: {  	v3 =	vld [tilespmem:s24+$0x620];
	[tilespmem:s22+$0x640] =	vst v0;
	v0 =	vmax.f32 v2, $0.0e+00;
	(pc) =	sbr.rel @p1 .LBB2_3-.Ltmp0, $4  }
0x38: {  	v1 =	vld [tilespmem:s24+$0x630];
	[tilespmem:s22+$0x650] =	vst v0;
	v2 =	vmax.f32 v4, $0.0e+00  }
0x39: {  	v0 =	vld [tilespmem:s24+$0x640];
	[tilespmem:s22+$0x660] =	vst v2;
	v4 =	vmax.f32 v5, $0.0e+00  }
0x3a: {  	v5 =	vmax.f32 v6, $0.0e+00;
	v2 =	vld [tilespmem:s24+$0x650];
	[tilespmem:s22+$0x670] =	vst v4;
	s22 =	smov.u32 s24  }
0x3b: {  	s23 =	sadd.s32 $0x200, s23;
	[tilespmem:s22+$0x600] =	vst v5;
	v5 =	vmax.f32 v7, $0.0e+00;
	v4 =	vld [tilespmem:s22+$0x660]  }
0x3c: {  	[tilespmem:s22+$0x610] =	vst v5;
	v3 =	vmax.f32 v3, $0.0e+00;
	v60 =	vld [tilespmem:s22+$0x670]  }
0x3d: {  	[tilespmem:s22+$0x620] =	vst v3;
	v1 =	vmax.f32 v1, $0.0e+00  }
0x3e: {  	[tilespmem:s22+$0x630] =	vst v1;
	v0 =	vmax.f32 v0, $0.0e+00  }
0x3f: {  	[tilespmem:s22+$0x640] =	vst v0;
	v61 =	vmax.f32 v2, $0.0e+00  }
0x40: {  	s21 =	sadd.s32 $0x1, s21;
	[tilespmem:s22+$0x650] =	vst v61;
	v62 =	vmax.f32 v4, $0.0e+00  }
0x41: {  	p1 =	sne.s32 s21, $0x54;
	[tilespmem:s22+$0x660] =	vst v62;
	v63 =	vmax.f32 v60, $0.0e+00  }
.Ltmp1:
0x42: {  	[tilespmem:s22+$0x670] =	vst v63;
	(pc) =	sbr.rel @p1 .LBB2_2-.Ltmp1, $4  }
0x43: {  	[spmem:s1] =	stream.indirect.scatter.add.f32 [tilespmem:s18], [sflag:$0x2], $0x80, s19, s19, $0xb8;
	[tilespmem:$0x1FE80] =	vst v63  }
0x44: {  	_ =	swait.ge [sflag:s17], $0x4000  }
0x45: {  	[sflag:s17] =	ssyncset.done $0x0  }
0x46: {  	[sflag:s17] =	ssyncadd.s32 $0xFFFFC000  }
0x47: {  	[bflag:$0x0] =	sbarrier.arrive $0xFFFF;
	s21 =	simm.s32 @p0 $0x1FC2  }
0x48: {  	[hbm:s12], [sflag:s21] =	dma.local @p0 [spmem:s14], $0x2080  }
0x49: {  	s21 =	simm.s32 @p0 $0x2  }
0x4a: {  	s3 =	sadd.s32 $0x1, s3;
	_ =	swait.ge @p0 [sflag:s21], $0x2080  }
0x4b: {  	p1 =	sne.s32 s3, s13;
	[sflag:s21] =	ssyncset.done @p0 $0x0  }
.Ltmp2:
0x4c: {  	[sflag:s21] =	ssyncadd.s32 @p0 $0xFFFFDF80;
	s21 =	simm.s32 @!p0 $0x2;
	(pc) =	sbr.rel @p1 .LBB2_1-.Ltmp2, $4  }
0x4d: {  	[hbm:s11], [sflag:s15] =	dma.local @!p0 [spmem:s16], $0x2780  }
0x4e: {  	_ =	swait.ge @!p0 [sflag:s21], $0x2780  }
0x4f: {  	[sflag:s21] =	ssyncset.done @!p0 $0x0  }
0x50: {  	[sflag:s21] =	ssyncadd.s32 @!p0 $0xFFFFD880  }
0x51: {  	_ =	sfence.sel $0x180000  }
0x52: {  	[bflag:$0x0] =	sbarrier.arrive $0xFFFF  }
0x53: {  	p0 =	sne.s32 s2, $0x0;
	_ =	strace $0x9000004D  }
0x54: {  	s0 =	sadd.s32 @!p0 $0x100000, s0;
	[bflag:$0x2] =	sbarrier.arrive $0xFFFF  }
0x55: {  	[sflag:s0] =	ssyncadd.tile.s32 @!p0 $0x1;
	_ =	shalt  }
.Lfunc_end2:
_tile_overlayer_lowered:
.L_overlay_start_2:
0x56: {  	(tag) =	ssettag $0x2  }
0x57: {  	s0 =	rddreg [dreg:$0x0];
	s2 =	stileid.u32  }
0x58: {  	s1 =	rddreg [dreg:$0x1];
	p0 =	sne.s32 s2, $0x0  }
0x59: {  	s3 =	rddreg [dreg:$0x2];
	[bflag:$0x3] =	sbarrier.arrive $0xFFFF;
	s2 =	simm.s32 @!p0 $0x1C02  }
0x5a: {  	[timem:s3], [sflag:s2] =	dma.local @!p0 [hbm:s0], s1  }
0x5b: {  	s0 =	simm.s32 @!p0 $0x2  }
0x5c: {  	_ =	swait.ge @!p0 [sflag:s0], s1  }
0x5d: {  	s1 =	ssub.s32 @!p0 $0x0, s1;
	[sflag:s0] =	ssyncset.done @!p0 $0x0  }
0x5e: {  	[sflag:s0] =	ssyncadd.s32 @!p0 s1  }
0x5f: {  	[bflag:$0x3] =	sbarrier.arrive $0xFFFF  }
0x60: {  	_ =	shalt  }

// kernel: kernel.29.cloned.1.call-start
scs
__scs_entry_jumppad:
0x0: {  	(pc) =	sbr.rel $0x88, $3  }
0x1: {  	(tag) =	ssettag $0x0;
	lr =	simm.s32 $0x1  }
0x2: {  	[smem:$0x3F90] =	sst lr;
	_ =	strace $0xD0000000  }
0x3: {  	_ = 	snop  }
0x4: {  	_ = 	snop  }
0x5: {  	_ = 	snop  }
0x6: {  	_ = 	snop  }
0x7: {  	_ = 	snop  }
__scs_overlays_trampoline_lowered:
0x8: {  	[smem:$0x3F9F] =	sst s0  }
0x9: {  	[smem:$0x3FA0] =	sst s1  }
0xa: {  	[smem:$0x3FA1] =	sst s2  }
0xb: {  	[smem:$0x3FA2] =	sst s3  }
0xc: {  	[smem:$0x3FA3] =	sst s4  }
0xd: {  	[smem:$0x3FA4] =	sst s5  }
0xe: {  	[smem:$0x3FA5] =	sst s6  }
0xf: {  	[smem:$0x3FA6] =	sst s7  }
0x10: {  	[smem:$0x3FA7] =	sst s8  }
0x11: {  	[smem:$0x3FA8] =	sst s9;
	s0 =	simm.s32 @!p0 $0x0  }
0x12: {  	s1 =	sld [smem:$0x3F8E];
	s0 =	simm.s32 @p0 $0x1  }
0x13: {  	[smem:$0x3FA9] =	sst s0;
	s0 =	simm.s32 @!p1 $0x0  }
0x14: {  	s2 =	sld [smem:$0x3F8D];
	s0 =	simm.s32 @p1 $0x1  }
0x15: {  	[smem:$0x3FAA] =	sst s0;
	s0 =	simm.s32 @!p2 $0x0  }
0x16: {  	s3 =	sld [smem:$0x3FDB];
	s0 =	simm.s32 @p2 $0x1  }
0x17: {  	s4 =	simm.s32 $0x1BF5;
	[smem:$0x3FAC] =	sst s0  }
0x18: {  	s0 =	sld [smem:$0x3F8F];
	_ =	swait.ge [sflag:s4], $0x0  }
0x19: {  	s7 =	sld [smem:$0x3F90]  }
0x1a: {  	s8 =	sadd.s32 $0xFFFFE003, lr  }
0x1b: {  	s9 =	sadd.s32 $0xFFFFFEF7, lr;
	s5 =	simm.s32 $0xFFFFFFFF;
	p2 =	slt.u32 s8, $0xFFFFF086  }
0x1c: {  	p1 =	slt.u32 s9, $0xF7A;
	s5 =	simm.s32 @!p2 $0x0  }
0x1d: {  	s5 =	simm.s32 @p1 $0x1;
	p0 =	seq.s32 s7, s2  }
0x1e: {  	s7 =	smul.u32 @!p0 $0xF7A, s2;
	p2 =	seq.s32 @!p0 s5, $0x0  }
0x1f: {  	s9 =	smul.u32 $0xF7A, s1;
	s8 =	simm.s32 @!p0 $0x1BF5;
	p2 =	por !p2, p0  }
0x20: {  	[sflag:s8] =	ssyncset.s32 @!p0 $0xFFFFF086;
	s6 =	sadd.s32 @!p0 s3, s7;
	s7 =	simm.s32 @!p0 $0x108  }
0x21: {  	s3 =	sadd.s32 s3, s9;
	s6 =	sadd.s32 @!p0 $0x88, s6;
	s7 =	simm.s32 @p2 $0x1082  }
0x22: {  	[simem:s7], [sflag:s8] =	dma.local @!p0 [hbm:s6], $0xF7A  }
0x23: {  	s9 =	sor.u32 $0xD0000000, s2;
	s6 =	simm.s32 $0x108;
	_ =	swait.ge @!p0 [sflag:s8], $0x0  }
0x24: {  	s3 =	sadd.s32 $0x88, s3;
	s6 =	simm.s32 @!p1 $0x1082;
	[sflag:s4] =	ssyncset.s32 $0xFFFFF086  }
0x25: {  	[simem:s6], [sflag:s4] =	dma.local [hbm:s3], $0xF7A  }
0x26: {  	[smem:$0x3F90] =	sst s1;
	(tag) =	ssettag s2;
	_ =	strace s9  }
0x27: {  	s1 =	sld [smem:$0x3FA0]  }
0x28: {  	s2 =	sld [smem:$0x3FA1]  }
0x29: {  	s4 =	sld [smem:$0x3FA3]  }
0x2a: {  	p0 =	seq.s32 s5, $0x0;
	s5 =	sld [smem:$0x3FA4]  }
0x2b: {  	s6 =	sld [smem:$0x3FA5]  }
0x2c: {  	s7 =	sld [smem:$0x3FA6]  }
0x2d: {  	s3 =	simm.s32 $0x108;
	s8 =	sld [smem:$0x3FA7]  }
0x2e: {  	s3 =	simm.s32 @!p0 $0x1082;
	s9 =	sld [smem:$0x3FA8]  }
0x2f: {  	lr =	sadd.s32 s0, s3;
	s0 =	sld [smem:$0x3F9F]  }
0x30: {  	s3 =	sld [smem:$0x3FA2]  }
0x31: {  	[smem:$0x3FAB] =	sst s10  }
0x32: {  	s10 =	sld [smem:$0x3FA9];
	_ =	sdelay $0x3  }
0x33: {  	p0 =	seq.s32 s10, $0x1;
	s10 =	sld [smem:$0x3FAB];
	_ =	sdelay $0x3  }
0x34: {  	[smem:$0x3FAB] =	sst s10  }
0x35: {  	s10 =	sld [smem:$0x3FAA];
	_ =	sdelay $0x3  }
0x36: {  	p1 =	seq.s32 s10, $0x1;
	s10 =	sld [smem:$0x3FAB];
	_ =	sdelay $0x3  }
0x37: {  	[smem:$0x3FAB] =	sst s10  }
0x38: {  	s10 =	sld [smem:$0x3FAC]  }
0x39: {  	_ = 	snop;
	(pc) =	sbr.ind lr, $3  }
0x3a: {  	_ = 	snop  }
0x3b: {  	_ = 	snop  }
0x3c: {  	p2 =	seq.s32 s10, $0x1;
	s10 =	sld [smem:$0x3FAB]  }
0x3d: {  	_ =	shalt  }
0x3e: {  	_ =	shalt  }
0x3f: {  	_ =	shalt  }
0x40: {  	_ =	shalt  }
0x41: {  	_ =	shalt  }
0x42: {  	_ =	shalt  }
0x43: {  	_ =	shalt  }
0x44: {  	_ =	shalt  }
0x45: {  	_ =	shalt  }
0x46: {  	_ =	shalt  }
0x47: {  	_ =	shalt  }
0x48: {  	_ =	shalt  }
0x49: {  	_ =	shalt  }
0x4a: {  	_ =	shalt  }
0x4b: {  	_ =	shalt  }
0x4c: {  	_ =	shalt  }
0x4d: {  	_ =	shalt  }
0x4e: {  	_ =	shalt  }
0x4f: {  	_ =	shalt  }
0x50: {  	_ =	shalt  }
0x51: {  	_ =	shalt  }
0x52: {  	_ =	shalt  }
0x53: {  	_ =	shalt  }
0x54: {  	_ =	shalt  }
0x55: {  	_ =	shalt  }
0x56: {  	_ =	shalt  }
0x57: {  	_ =	shalt  }
0x58: {  	_ =	shalt  }
0x59: {  	_ =	shalt  }
0x5a: {  	_ =	shalt  }
0x5b: {  	_ =	shalt  }
0x5c: {  	_ =	shalt  }
0x5d: {  	_ =	shalt  }
0x5e: {  	_ =	shalt  }
0x5f: {  	_ =	shalt  }
0x60: {  	_ =	shalt  }
0x61: {  	_ =	shalt  }
0x62: {  	_ =	shalt  }
0x63: {  	_ =	shalt  }
0x64: {  	_ =	shalt  }
0x65: {  	_ =	shalt  }
0x66: {  	_ =	shalt  }
0x67: {  	_ =	shalt  }
0x68: {  	_ =	shalt  }
0x69: {  	_ =	shalt  }
0x6a: {  	_ =	shalt  }
0x6b: {  	_ =	shalt  }
0x6c: {  	_ =	shalt  }
0x6d: {  	_ =	shalt  }
0x6e: {  	_ =	shalt  }
0x6f: {  	_ =	shalt  }
0x70: {  	_ =	shalt  }
0x71: {  	_ =	shalt  }
0x72: {  	_ =	shalt  }
0x73: {  	_ =	shalt  }
0x74: {  	_ =	shalt  }
0x75: {  	_ =	shalt  }
0x76: {  	_ =	shalt  }
0x77: {  	_ =	shalt  }
0x78: {  	_ =	shalt  }
0x79: {  	_ =	shalt  }
0x7a: {  	_ =	shalt  }
0x7b: {  	_ =	shalt  }
0x7c: {  	_ =	shalt  }
0x7d: {  	_ =	shalt  }
0x7e: {  	_ =	shalt  }
0x7f: {  	_ =	shalt  }
0x80: {  	_ =	shalt  }
0x81: {  	_ =	shalt  }
0x82: {  	_ =	shalt  }
0x83: {  	_ =	shalt  }
0x84: {  	_ =	shalt  }
0x85: {  	_ =	shalt  }
0x86: {  	_ =	shalt  }
0x87: {  	_ =	shalt  }
.Lfunc_end0:
.L_simem_size_0:
called_computation.3_lowered:
.L_overlay_start_0:
0x88: {  	s2 =	sld [smem:$0x3FD9]  }
0x89: {  	s3 =	sld [smem:$0x3FFE];
	_ =	sdelay $0x1  }
0x8a: {  	s1 =	srdreg.scid  }
0x8b: {  	s0 =	sand.u32 $0x1, s1  }
0x8c: {  	s16 =	sshll.u32 s0, $0xA;
	s2 =	sadd.s32 s3, s2  }
0x8d: {  	s2 =	sadd.s32 s2, s16  }
0x8e: {  	[smem:$0x3FB7] =	sst s2  }
0x8f: {  	_ = 	snop  }
0x90: {  	(tm) =	ssettm $0x1  }
0x91: {  	s17 =	sld [smem:$0x3FFB];
	_ =	sdelay $0x3  }
0x92: {  	_ =	strace s17  }
0x93: {  	s2 =	sld [smem:$0x3FFC];
	_ =	sdelay $0x3  }
0x94: {  	_ =	strace s2  }
0x95: {  	s2 =	sld [smem:$0x3FFD];
	_ =	sdelay $0x3  }
0x96: {  	_ =	strace s2  }
0x97: {  	_ =	strace $0x8FFFFFFF  }
0x98: {  	s18 =	sld [smem:$0x3FDB];
	_ =	sdelay $0x1  }
0x99: {  	s19 =	simm.s32 $_scs_section_size  }
0x9a: {  	s4 =	simm.s32 $_size__tile_overlayer_lowered;
	s5 =	simm.s32 $_tile_overlayer_lowered  }
0x9b: {  	s22 =	simm.s32 $0x1BFF;
	s21 =	sshll.u32 s5, $0x1;
	s2 =	sadd.s32 s19, s18  }
0x9c: {  	s6 =	simm.s32 $0x0;
	s20 =	sshll.u32 s4, $0x1;
	s4 =	sadd.s32 s21, s2  }
0x9d: {  	[timem:s6], [sflag:s22] =	dma.local [hbm:s4], s20  }
0x9e: {  	_ =	swait.ge [sflag:s22], s20  }
0x9f: {  	s3 =	ssub.s32 $0x0, s20;
	[sflag:s22] =	ssyncset.done $0x0  }
0xa0: {  	[sflag:s22] =	ssyncadd.s32 s3;
	_ =	sdelay $0x1  }
0xa1: {  	s23 =	simm.s32 $0x1B8B  }
0xa2: {  	_ =	swait.ge [sflag:s23], $0x1  }
0xa3: {  	[sflag:s23] =	ssyncset.done $0x0  }
0xa4: {  	s25 =	simm.s32 $0x1B8E;
	s24 =	sld [smem:$0x3FFE];
	[sflag:s23] =	ssyncadd.s32 $0xFFFFFFFF  }
0xa5: {  	s26 =	simm.s32 $execute0_lowered;
	[smem:$0x3FD2] =	sst s25  }
0xa6: {  	s4 =	sshll.u32 s26, $0x1;
	_ =	strace $0x8000004F;
	[dreg:$0x1] =	wrdreg $0xFFFFFFFF  }
0xa7: {  	s28 =	simm.s32 $_size_execute0_lowered;
	s2 =	sadd.s32 s2, s4;
	[dreg:$0x0] =	wrdreg $0x0  }
0xa8: {  	s4 =	sshll.u32 s28, $0x1;
	[dreg:$0x2] =	wrdreg s2  }
0xa9: {  	[dreg:$0x3] =	wrdreg s4  }
0xaa: {  	[dreg:$0x4] =	wrdreg $0xC0  }
0xab: {  	_ =	task [dreg:s6], $0x5FFFF  }
0xac: {  	[dreg:$0x1] =	wrdreg $0xFFFFFFFF  }
0xad: {  	[dreg:$0x0] =	wrdreg $0x60  }
0xae: {  	[dreg:$0x2] =	wrdreg s24  }
0xaf: {  	[dreg:$0x3] =	wrdreg $0xC6000  }
0xb0: {  	[dreg:$0x4] =	wrdreg $0x9  }
0xb1: {  	_ =	task.clear_ibuf [dreg:s6], $0x5FFFF;
	_ =	strace $0x9000004F  }
0xb2: {  	s29 =	simm.s32 $0x9;
	_ =	strace $0x80000051  }
0xb3: {  	_ =	swait.ge [sflag:s29], $0x1  }
0xb4: {  	[sflag:s29] =	ssyncadd.s32 $0xFFFFFFFF  }
0xb5: {  	_ =	strace $0x90000051  }
0xb6: {  	_ =	sfence  }
0xb7: {  	s30 =	sld [smem:$0x0];
	_ =	sdelay $0x2  }
0xb8: {  	s31 =	sshll.u32 s1, $0xD;
	s1 =	sshrl.u32 s1, $0x2  }
0xb9: {  	s3 =	sand.u32 $0x4000, s31;
	s1 =	sadd.s32 s1, s30  }
0xba: {  	s0 =	sor.u32 s3, s0;
	s1 =	sshll.u32 s1, $0x11  }
0xbb: {  	s0 =	sor.u32 s1, s0  }
0xbc: {  	s0 =	sadd.s32 $0x8F2B, s0  }
0xbd: {  	[sflag:s0] =	ssyncadd.remote.s32 $0x1  }
0xbe: {  	_ =	sfence.sel $0xFFFF  }
0xbf: {  	[dreg:$0x0] =	wrdreg $0xFFFFFFFF;
	(pc) =	sbr.abs _section_cstart, $3  }
0xc0: {  	[dreg:$0x1] =	wrdreg $0xFFFFFFFF  }
0xc1: {  	_ =	task.clear_ibuf [dreg:s6], $0x2FFFF;
	_ =	strace $0x9FFFFFFF  }
0xc2: {  	(tm) =	ssettm $0x7FFFFFFF  }
0xc3: {  	_ =	shalt  }
tec
execute0_lowered:
.L_overlay_start_1:
0x0: {  	(tag) =	ssettag $0x1  }
0x1: {  	s10 =	rddreg [dreg:$0x0]  }
0x2: {  	s1 =	rddreg [dreg:$0x1]  }
0x3: {  	s0 =	rddreg [dreg:$0x2];
	s3 =	simm.s32 $0x0  }
0x4: {  	s2 =	stileid.u32;
	s7 =	srdreg.scid;
	s18 =	simm.s32 $0x600  }
0x5: {  	s19 =	simm.s32 $0x80;
	s20 =	simm.s32 $0x1;
	[smem:$0x7FF] =	sst s3  }
0x6: {  	s4 =	sadd.s32 $0x6FA00, s10;
	s8 =	smul.u32 $0x2780, s2;
	s5 =	sadd.s32 $0xF78A00, s10  }
0x7: {  	s6 =	sadd.s32 $0xC600, s10;
	s7 =	sand.u32 $0x1, s7;
	s11 =	smul.u32 $0x4F000, s2  }
0x8: {  	s12 =	sadd.s32 $0xE4E00, s10;
	s15 =	smul.u32 $0x13C00, s2;
	s17 =	sadd.s32 $0x128400, s1  }
0x9: {  	p0 =	seq.s32 s2, $0xF;
	_ =	strace $0x80000050;
	s30 =	ssub.s32 $0x2, s7  }
0xa: {  	s14 =	smul.u32 $0x138800, s7;
	s9 =	sadd.s32 s8, s10;
	s13 =	sshrl.u32 s30, $0x1  }
0xb: {  	s11 =	sshrl.u32 s11, $0x2;
	s8 =	sshll.u32 s2, $0x1;
	s10 =	sadd.s32 $0x6D880, s10  }
0xc: {  	s13 =	ssub.s32 s30, s13;
	s16 =	sadd.s32 s11, s1;
	s9 =	sadd.s32 $0x48800, s9  }
0xd: {  	s31 =	sadd.s32 s15, s14;
	s14 =	sshrl.u32 s14, $0x3;
	s15 =	sshll.u32 @!p0 s2, $0x6  }
0xe: {  	s11 =	sshrl.u32 s31, $0x3;
	s14 =	sadd.s32 s12, s14;
	s13 =	smax.u32 s13, $0x1  }
0xf: {  	s15 =	sor.u32 @!p0 $0x1C02, s15;
	s16 =	sshrl.u32 @!p0 s16, $0x3;
	s11 =	sadd.s32 s12, s11  }
0x10: {  	s12 =	sadd.s32 $0x25080, s14;
	s14 =	sshrl.u32 @p0 s17, $0x3;
	s17 =	simm.s32 $0x2  }
.LBB2_1:
0x11: {  	s21 =	simm.s32 @p0 $0x1FC2  }
0x12: {  	[spmem:s14], [sflag:s21] =	dma.local @p0 [hbm:s10], $0x2080  }
0x13: {  	s21 =	simm.s32 @p0 $0x2  }
0x14: {  	_ =	swait.ge @p0 [sflag:s21], $0x2080  }
0x15: {  	[sflag:s21] =	ssyncset.done @p0 $0x0  }
0x16: {  	[sflag:s21] =	ssyncadd.s32 @p0 $0xFFFFDF80;
	s21 =	simm.s32 @!p0 $0x2  }
0x17: {  	[spmem:s16], [sflag:s15] =	dma.local @!p0 [hbm:s9], $0x2780  }
0x18: {  	_ =	swait.ge @!p0 [sflag:s21], $0x2780  }
0x19: {  	[sflag:s21] =	ssyncset.done @!p0 $0x0  }
0x1a: {  	[sflag:s21] =	ssyncadd.s32 @!p0 $0xFFFFD880  }
0x1b: {  	s21 =	simm.s32 $0x0;
	[bflag:$0x0] =	sbarrier.arrive $0xFFFF  }
.LBB2_2:
0x1c: {  	s22 =	sshll.u32 s21, $0x5  }
0x1d: {  	s22 =	sor.u32 s22, s8  }
0x1e: {  	s22 =	sor.u32 s7, s22  }
0x1f: {  	s23 =	sshll.u32 s22, $0x5  }
0x20: {  	s24 =	simm.s32 $0x0;
	s23 =	sadd.s32 s6, s23  }
0x21: {  	[tilespmem:s24], [sflag:$0x2] =	stream.linear.gather [hbm4b:s23+s24], $0x100, $0x38;
	[tilespmem:$0x1FE80] =	vst v63  }
0x22: {  	_ =	swait.ge [sflag:s17], $0x100  }
0x23: {  	s22 =	sshll.u32 s22, $0xB;
	[sflag:s17] =	ssyncset.done $0x0  }
0x24: {  	s22 =	sadd.s32 s5, s22;
	[sflag:s17] =	ssyncadd.s32 $0xFFFFFF00  }
0x25: {  	[tilespmem:s18], [sflag:$0x2] =	stream.linear.gather [hbm4b:s22+s24], $0x4000, $0x38;
	[tilespmem:$0x1FE80] =	vst v63  }
0x26: {  	_ =	swait.ge [sflag:s17], $0x4000  }
0x27: {  	[sflag:s17] =	ssyncset.done $0x0  }
0x28: {  	[sflag:s17] =	ssyncadd.s32 $0xFFFFC000  }
0x29: {  	[tilespmem:s18], [sflag:$0x1] =	stream.indirect.gather.add.f32 [hbm:s4], $0x80, s24, s19, $0xb8;
	[tilespmem:$0x1FE80] =	vst v63  }
0x2a: {  	_ =	swait.ge [sflag:s20], $0x4000  }
0x2b: {  	[sflag:s20] =	ssyncset.done $0x0  }
0x2c: {  	s22 =	simm.s32 $0x0;
	[sflag:s20] =	ssyncadd.s32 $0xFFFFC000  }
0x2d: {  	v2 =	vld [tilespmem:s22+$0x600]  }
0x2e: {  	v4 =	vld [tilespmem:s22+$0x610]  }
0x2f: {  	v3 =	vld [tilespmem:s22+$0x620]  }
0x30: {  	v1 =	vld [tilespmem:s22+$0x630]  }
0x31: {  	v0 =	vld [tilespmem:s22+$0x640]  }
0x32: {  	v5 =	vmax.f32 v2, $0.0e+00;
	v2 =	vld [tilespmem:s22+$0x650]  }
0x33: {  	s23 =	simm.s32 $0x200;
	[tilespmem:s22+$0x600] =	vst v5;
	v5 =	vmax.f32 v4, $0.0e+00;
	v4 =	vld [tilespmem:s22+$0x660]  }
.LBB2_3:
0x34: {  	s24 =	sshra.s32 s23, $0x2;
	p1 =	sne.s32 s23, $0xFE00;
	[tilespmem:s22+$0x610] =	vst v5;
	v3 =	vmax.f32 v3, $0.0e+00;
	v5 =	vld [tilespmem:s22+$0x670]  }
0x35: {  	v6 =	vld [tilespmem:s24+$0x600];
	[tilespmem:s22+$0x620] =	vst v3;
	v1 =	vmax.f32 v1, $0.0e+00  }
0x36: {  	v7 =	vld [tilespmem:s24+$0x610];
	[tilespmem:s22+$0x630] =	vst v1;
	v0 =	vmax.f32 v0, $0.0e+00  }
.Ltmp0:
0x37: {  	v3 =	vld [tilespmem:s24+$0x620];
	[tilespmem:s22+$0x640] =	vst v0;
	v0 =	vmax.f32 v2, $0.0e+00;
	(pc) =	sbr.rel @p1 .LBB2_3-.Ltmp0, $4  }
0x38: {  	v1 =	vld [tilespmem:s24+$0x630];
	[tilespmem:s22+$0x650] =	vst v0;
	v2 =	vmax.f32 v4, $0.0e+00  }
0x39: {  	v0 =	vld [tilespmem:s24+$0x640];
	[tilespmem:s22+$0x660] =	vst v2;
	v4 =	vmax.f32 v5, $0.0e+00  }
0x3a: {  	v5 =	vmax.f32 v6, $0.0e+00;
	v2 =	vld [tilespmem:s24+$0x650];
	[tilespmem:s22+$0x670] =	vst v4;
	s22 =	smov.u32 s24  }
0x3b: {  	s23 =	sadd.s32 $0x200, s23;
	[tilespmem:s22+$0x600] =	vst v5;
	v5 =	vmax.f32 v7, $0.0e+00;
	v4 =	vld [tilespmem:s22+$0x660]  }
0x3c: {  	[tilespmem:s22+$0x610] =	vst v5;
	v3 =	vmax.f32 v3, $0.0e+00;
	v60 =	vld [tilespmem:s22+$0x670]  }
0x3d: {  	[tilespmem:s22+$0x620] =	vst v3;
	v1 =	vmax.f32 v1, $0.0e+00  }
0x3e: {  	[tilespmem:s22+$0x630] =	vst v1;
	v0 =	vmax.f32 v0, $0.0e+00  }
0x3f: {  	[tilespmem:s22+$0x640] =	vst v0;
	v61 =	vmax.f32 v2, $0.0e+00  }
0x40: {  	s21 =	sadd.s32 $0x1, s21;
	[tilespmem:s22+$0x650] =	vst v61;
	v62 =	vmax.f32 v4, $0.0e+00  }
0x41: {  	p1 =	sne.s32 s21, $0x54;
	[tilespmem:s22+$0x660] =	vst v62;
	v63 =	vmax.f32 v60, $0.0e+00  }
.Ltmp1:
0x42: {  	[tilespmem:s22+$0x670] =	vst v63;
	(pc) =	sbr.rel @p1 .LBB2_2-.Ltmp1, $4  }
0x43: {  	[spmem:s1] =	stream.indirect.scatter.add.f32 [tilespmem:s18], [sflag:$0x2], $0x80, s19, s19, $0xb8;
	[tilespmem:$0x1FE80] =	vst v63  }
0x44: {  	_ =	swait.ge [sflag:s17], $0x4000  }
0x45: {  	[sflag:s17] =	ssyncset.done $0x0  }
0x46: {  	[sflag:s17] =	ssyncadd.s32 $0xFFFFC000  }
0x47: {  	[bflag:$0x0] =	sbarrier.arrive $0xFFFF;
	s21 =	simm.s32 @p0 $0x1FC2  }
0x48: {  	[hbm:s12], [sflag:s21] =	dma.local @p0 [spmem:s14], $0x2080  }
0x49: {  	s21 =	simm.s32 @p0 $0x2  }
0x4a: {  	s3 =	sadd.s32 $0x1, s3;
	_ =	swait.ge @p0 [sflag:s21], $0x2080  }
0x4b: {  	p1 =	sne.s32 s3, s13;
	[sflag:s21] =	ssyncset.done @p0 $0x0  }
.Ltmp2:
0x4c: {  	[sflag:s21] =	ssyncadd.s32 @p0 $0xFFFFDF80;
	s21 =	simm.s32 @!p0 $0x2;
	(pc) =	sbr.rel @p1 .LBB2_1-.Ltmp2, $4  }
0x4d: {  	[hbm:s11], [sflag:s15] =	dma.local @!p0 [spmem:s16], $0x2780  }
0x4e: {  	_ =	swait.ge @!p0 [sflag:s21], $0x2780  }
0x4f: {  	[sflag:s21] =	ssyncset.done @!p0 $0x0  }
0x50: {  	[sflag:s21] =	ssyncadd.s32 @!p0 $0xFFFFD880  }
0x51: {  	_ =	sfence.sel $0x180000  }
0x52: {  	[bflag:$0x0] =	sbarrier.arrive $0xFFFF  }
0x53: {  	p0 =	sne.s32 s2, $0x0;
	_ =	strace $0x90000050  }
0x54: {  	s0 =	sadd.s32 @!p0 $0x100000, s0;
	[bflag:$0x2] =	sbarrier.arrive $0xFFFF  }
0x55: {  	[sflag:s0] =	ssyncadd.tile.s32 @!p0 $0x1;
	_ =	shalt  }
.Lfunc_end2:
_tile_overlayer_lowered:
.L_overlay_start_2:
0x56: {  	(tag) =	ssettag $0x2  }
0x57: {  	s0 =	rddreg [dreg:$0x0];
	s2 =	stileid.u32  }
0x58: {  	s1 =	rddreg [dreg:$0x1];
	p0 =	sne.s32 s2, $0x0  }
0x59: {  	s3 =	rddreg [dreg:$0x2];
	[bflag:$0x3] =	sbarrier.arrive $0xFFFF;
	s2 =	simm.s32 @!p0 $0x1C02  }
0x5a: {  	[timem:s3], [sflag:s2] =	dma.local @!p0 [hbm:s0], s1  }
0x5b: {  	s0 =	simm.s32 @!p0 $0x2  }
0x5c: {  	_ =	swait.ge @!p0 [sflag:s0], s1  }
0x5d: {  	s1 =	ssub.s32 @!p0 $0x0, s1;
	[sflag:s0] =	ssyncset.done @!p0 $0x0  }
0x5e: {  	[sflag:s0] =	ssyncadd.s32 @!p0 s1  }
0x5f: {  	[bflag:$0x3] =	sbarrier.arrive $0xFFFF  }
0x60: {  	_ =	shalt  }

</sc_bundles>
